<compile_context>
chip_gen: v7x
topology: tpu7x:2x2x1
jax: 0.10.2.dev20260603
libtpu: 0.0.44.dev20260713+nightly
codegen_flags: <defaults>
</compile_context>

<pallas_src>
import functools

import jax
import jax.numpy as jnp
from jax import lax
from jax.experimental import pallas as pl
from jax.experimental.pallas import tpu as pltpu
from jax.experimental.pallas import tpu_sc as plsc

N = 1024
E = 65536
HID = 128
NCLS = 16
BN_EPS = 1e-5


_NSUB = 16
_ROWS = N // _NSUB
_EHALF = E // 2
_CHUNK = 16384
_NCH = _EHALF // _CHUNK

_mesh = plsc.VectorSubcoreMesh(core_axis_name="c", subcore_axis_name="s")


@functools.partial(
    pl.kernel,
    mesh=_mesh,
    compiler_params=pltpu.CompilerParams(use_tc_tiling_on_sc=False,
                                         needs_layout_passes=False),
    out_type=jax.ShapeDtypeStruct((2, N, N), jnp.float32),
    scratch_types=[
        pltpu.VMEM((_ROWS * N,), jnp.float32),
        pltpu.VMEM((_CHUNK,), jnp.int32),
        pltpu.VMEM((_CHUNK,), jnp.int32),
        pltpu.SemaphoreType.DMA,
    ],
)
def _build_adj(edge_hbm, zeros_hbm, out_hbm, slab, dstb, srcb, sem):
    c = lax.axis_index("c")
    s = lax.axis_index("s")
    row0 = s * _ROWS
    ebase = c * _EHALF
    pltpu.sync_copy(zeros_hbm, slab)
    ones = jnp.full((16,), 1.0, jnp.float32)
    for ch in range(_NCH):
        off = ebase + ch * _CHUNK
        pltpu.sync_copy(edge_hbm.at[1, pl.ds(off, _CHUNK)], dstb)
        pltpu.sync_copy(edge_hbm.at[0, pl.ds(off, _CHUNK)], srcb)

        @plsc.parallel_loop(0, _CHUNK // 16, unroll=8)
        def body(j):
            d = dstb[pl.ds(j * 16, 16)]
            sv = srcb[pl.ds(j * 16, 16)]
            rel = d - row0
            m = (rel >= 0) & (rel < _ROWS)
            relc = jnp.where(m, rel, 0)
            plsc.addupdate_scatter(slab, [relc * N + sv], ones, mask=m)
    handles = [
        pltpu.async_copy(slab.at[pl.ds(rr * N, N)],
                         out_hbm.at[c, row0 + rr, :], sem)
        for rr in range(_ROWS)
    ]
    for h in handles:
        h.wait()




def _dot_exact(a, b):
    ab = a.astype(jnp.bfloat16)
    hi = b.astype(jnp.bfloat16)
    r1 = b - hi.astype(jnp.float32)
    mid = r1.astype(jnp.bfloat16)
    lo = (r1 - mid.astype(jnp.float32)).astype(jnp.bfloat16)
    f32 = jnp.float32
    return (jnp.dot(ab, hi, preferred_element_type=f32)
            + jnp.dot(ab, mid, preferred_element_type=f32)
            + jnp.dot(ab, lo, preferred_element_type=f32))


def _dot_bf16(a, b):
    return jnp.dot(a.astype(jnp.bfloat16), b.astype(jnp.bfloat16),
                   preferred_element_type=jnp.float32)


def _bn_relu(z, gamma, beta):
    mu = jnp.mean(z, axis=0, keepdims=True)
    var = jnp.mean(jnp.abs(z - mu) ** 2, axis=0, keepdims=True)
    return jnp.maximum(
        gamma * (z - mu) / jnp.sqrt(var + BN_EPS) + beta, 0.0)


def _gnn_body(x_ref, a2_ref,
              w10, b10, g10, be10, w20, b20, ag0, ab0, og0, ob0,
              w11, b11, g11, be11, w21, b21, ag1, ab1, og1, ob1,
              h1_ref, h2_ref):
    A = a2_ref[0] + a2_ref[1]
    x = x_ref[...]
    z = x + _dot_exact(A, x)
    z = _dot_bf16(z, w10[...]) + b10[...]
    z = _bn_relu(z, g10[...], be10[...])
    z = _dot_bf16(z, w20[...]) + b20[...]
    z = _bn_relu(z, ag0[...], ab0[...])
    h1 = _bn_relu(z, og0[...], ob0[...])
    h1_ref[...] = h1
    z = h1 + _dot_exact(A, h1)
    z = _dot_bf16(z, w11[...]) + b11[...]
    z = _bn_relu(z, g11[...], be11[...])
    z = _dot_bf16(z, w21[...]) + b21[...]
    z = _bn_relu(z, ag1[...], ab1[...])
    h2_ref[...] = _bn_relu(z, og1[...], ob1[...])


def _gnn(x, a2, params):
    return pl.pallas_call(
        _gnn_body,
        out_shape=[jax.ShapeDtypeStruct((N, HID), jnp.float32),
                   jax.ShapeDtypeStruct((N, HID), jnp.float32)],
    )(x, a2, *params)




def _pred_body(pooled_ref, pt_ref, pb_ref, out_ref, acc_ref):
    i = pl.program_id(0)

    @pl.when(i == 0)
    def _init():
        acc_ref[...] = jnp.zeros_like(acc_ref)

    blk = pt_ref.shape[1]
    pe = pooled_ref[...].astype(jnp.bfloat16).astype(jnp.float32)
    te = pt_ref[...].astype(jnp.bfloat16).astype(jnp.float32)
    prod = pe * te
    acc_ref[...] += jnp.sum(prod.reshape(NCLS, blk // 128, 128), axis=1)

    @pl.when(i == pl.num_programs(0) - 1)
    def _fin():
        ones = jnp.ones((1, 128), jnp.float32)
        out_ref[...] = lax.dot_general(
            ones, acc_ref[...], (((1,), (1,)), ((), ())),
            preferred_element_type=jnp.float32,
            precision=lax.Precision.HIGHEST) + pb_ref[...]


def _pred(pooled, pt, pb, blk):
    K = pt.shape[1]
    return pl.pallas_call(
        _pred_body,
        grid=(K // blk,),
        in_specs=[pl.BlockSpec((1, blk), lambda i: (0, i)),
                  pl.BlockSpec((NCLS, blk), lambda i: (0, i)),
                  pl.BlockSpec((1, NCLS), lambda i: (0, 0))],
        out_specs=pl.BlockSpec((1, NCLS), lambda i: (0, 0)),
        out_shape=jax.ShapeDtypeStruct((1, NCLS), jnp.float32),
        scratch_shapes=[pltpu.VMEM((NCLS, 128), jnp.float32)],
    )(pooled, pt, pb)




def kernel(x, edge_index, layers, preds):
    (p0, pb0), (p1, pb1), (p2, pb2) = preds
    zeros = jnp.zeros((_ROWS * N,), jnp.float32)
    a2 = _build_adj(edge_index, zeros)

    r = lambda v: v.reshape(1, -1)
    s0 = _pred(x.reshape(1, -1), p0.T, r(pb0), blk=65536)

    params = []
    for lyr in layers:
        w1, b1, g1, be1, w2, b2, ag, ab, og, ob = lyr
        params += [w1, r(b1), r(g1), r(be1), w2, r(b2),
                   r(ag), r(ab), r(og), r(ob)]
    h1, h2 = _gnn(x, a2, params)

    s1 = _pred(h1.reshape(1, -1), p1.T, r(pb1), blk=32768)
    s2 = _pred(h2.reshape(1, -1), p2.T, r(pb2), blk=32768)
    return s0 + s1 + s2

# --- scband reference (transcript-rebuilt; emitter-appended) ---
"""Pipeline reference for scband-model-33552284516393 (READ-ONLY COPY).

The authoritative reference and input builder live on the scoring server;
editing this copy changes nothing except your own understanding.
"""

import jax, jax.numpy as jnp
import numpy as np

N = 1024
E = 65536
IN_FEATS = 1024
HID = 128
NCLS = 16
BN_EPS = 1e-5


def _bn(h, gamma, beta):
    mean = jnp.mean(h, axis=0, keepdims=True)
    var = jnp.var(h, axis=0, keepdims=True)
    return gamma * (h - mean) / jnp.sqrt(var + BN_EPS) + beta


def setup_inputs(seed: int = 0):
    key = jax.random.key(seed)
    ks = jax.random.split(key, 16)
    x = jax.random.normal(ks[0], (N, IN_FEATS), dtype=jnp.float32)
    edge_index = jax.random.randint(ks[1], (2, E), 0, N, dtype=jnp.int32)

    def lin(k, fan_in, fan_out):
        return jax.random.normal(k, (fan_in, fan_out), dtype=jnp.float32) * (1.0 / np.sqrt(fan_in))

    layers = []
    ki = 2
    for l in range(2):
        d_in = IN_FEATS if l == 0 else HID
        W1 = lin(ks[ki], d_in, HID); ki += 1
        b1 = jnp.zeros((HID,), jnp.float32)
        g1 = jnp.ones((HID,), jnp.float32)
        be1 = jnp.zeros((HID,), jnp.float32)
        W2 = lin(ks[ki], HID, HID); ki += 1
        b2 = jnp.zeros((HID,), jnp.float32)
        ag = jnp.ones((HID,), jnp.float32)
        ab = jnp.zeros((HID,), jnp.float32)
        og = jnp.ones((HID,), jnp.float32)
        ob = jnp.zeros((HID,), jnp.float32)
        layers.append((W1, b1, g1, be1, W2, b2, ag, ab, og, ob))

    preds = []
    dims = [N * IN_FEATS, N * HID, N * HID]
    for d in dims:
        P = lin(ks[ki], d, NCLS); ki += 1
        pb = jnp.zeros((NCLS,), jnp.float32)
        preds.append((P, pb))

    return {"x": x, "edge_index": edge_index, "layers": tuple(layers), "preds": tuple(preds)}


def reference(x, edge_index, layers, preds):
    src = edge_index[0]
    dst = edge_index[1]
    h = x
    hidden = [h]
    for (W1, b1, g1, be1, W2, b2, ag, ab, og, ob) in layers:
        # GINConv with sum aggregation, eps = 0: (1+eps)*h + sum_{j in N(i)} h_j
        agg = jax.ops.segment_sum(h[src], dst, num_segments=N)
        z = h + agg
        # MLP (2 layers): linear -> BN -> relu -> linear
        z = z @ W1 + b1
        z = jax.nn.relu(_bn(z, g1, be1))
        z = z @ W2 + b2
        # ApplyNodeFunc: BN -> relu
        z = jax.nn.relu(_bn(z, ag, ab))
        # Model-level batch_norms[i] -> relu
        z = jax.nn.relu(_bn(z, og, ob))
        h = z
        hidden.append(h)
    score = jnp.zeros((1, NCLS), jnp.float32)
    for hi, (P, pb) in zip(hidden, preds):
        pooled = hi.reshape(1, -1)
        score = score + (pooled @ P + pb)  # dropout p=0.0 is identity
    return score

if __name__ == "__main__":
    import jax
    _d = setup_inputs()
    print(jax.jit(kernel)(*tuple(_d.values())))

</pallas_src>

<mosaic_0001>
#map = affine_map<(d0, d1) -> (0, 0)>
#map1 = affine_map<(d0, d1) -> (0)>
#map2 = affine_map<(d0, d1) -> (0, 0, 0)>
module attributes {stable_mosaic.version = 14 : i64} {
  func.func @_build_adj(%arg0: i32, %arg1: i32, %arg2: memref<2x65536xi32, #tpu.memory_space<hbm>>, %arg3: memref<65536xf32, #tpu.memory_space<hbm>>, %arg4: memref<2x1024x1024xf32, #tpu.memory_space<hbm>>, %arg5: memref<65536xf32, #tpu.memory_space<vmem>>, %arg6: memref<16384xi32, #tpu.memory_space<vmem>>, %arg7: memref<16384xi32, #tpu.memory_space<vmem>>, %arg8: memref<!tpu.dma_semaphore, #tpu.memory_space<semaphore_mem>>) attributes {dimension_semantics = [#tpu.dimension_semantics<core_parallel>, #tpu.dimension_semantics<subcore_parallel>], iteration_bounds = array<i64: 2, 16>, scalar_prefetch = 0 : i64, scratch_operands = 4 : i64, tpu.core_type = #tpu.core_type<sc_vector_subcore>, window_params = [{transform_indices = #map}, {transform_indices = #map1}, {transform_indices = #map2}]} {
    %mul3A = arith.constant 64 : i32
    %mul3A_0 = arith.muli %arg1, %mul3A : i32
    %mul3A_1 = arith.constant 32768 : i32
    %mul3A_2 = arith.muli %arg0, %mul3A_1 : i32
    "tpu.region"() ({
      %run_scoped3A_1421 = tpu.sem_alloc : memref<!tpu.dma_semaphore, #tpu.memory_space<semaphore_mem>>
      tpu.enqueue_dma source(%arg3 : memref<65536xf32, #tpu.memory_space<hbm>>) target(%arg5 : memref<65536xf32, #tpu.memory_space<vmem>>) target_semaphore(%run_scoped3A_1421 : memref<!tpu.dma_semaphore, #tpu.memory_space<semaphore_mem>>)
      tpu.wait_dma2 semaphore(%run_scoped3A_1421 : memref<!tpu.dma_semaphore, #tpu.memory_space<semaphore_mem>>) src(%arg3 : memref<65536xf32, #tpu.memory_space<hbm>>) dst(%arg5 : memref<65536xf32, #tpu.memory_space<vmem>>)
      tpu.yield
    }) : () -> ()
    %broadcast_in_dim3A = arith.constant 1.000000e+00 : f32
    %broadcast_in_dim3A_3 = vector.broadcast %broadcast_in_dim3A : f32 to vector<16xf32>
    %add3A = arith.constant 0 : i32
    %add3A_4 = arith.addi %mul3A_2, %add3A : i32
    %run_scoped3A = arith.constant 1 : i32
    "tpu.region"() ({
      %run_scoped3A_1421 = tpu.sem_alloc : memref<!tpu.dma_semaphore, #tpu.memory_space<semaphore_mem>>
      %dma_start3A_1422 = tpu.memref_slice %arg2[%run_scoped3A, %add3A_4] : memref<2x65536xi32, #tpu.memory_space<hbm>> -> memref<1x16384xi32, #tpu.memory_space<hbm>>
      %dma_start3A_1423 = tpu.memref_squeeze %dma_start3A_1422 : memref<1x16384xi32, #tpu.memory_space<hbm>> -> memref<16384xi32, #tpu.memory_space<hbm>>
      %dma_start3A_1424 = tpu.memref_slice %arg2[%run_scoped3A, %add3A_4] : memref<2x65536xi32, #tpu.memory_space<hbm>> -> memref<1x16384xi32, #tpu.memory_space<hbm>>
      %dma_start3A_1425 = tpu.memref_squeeze %dma_start3A_1424 : memref<1x16384xi32, #tpu.memory_space<hbm>> -> memref<16384xi32, #tpu.memory_space<hbm>>
      tpu.enqueue_dma source(%dma_start3A_1425 : memref<16384xi32, #tpu.memory_space<hbm>>) target(%arg6 : memref<16384xi32, #tpu.memory_space<vmem>>) target_semaphore(%run_scoped3A_1421 : memref<!tpu.dma_semaphore, #tpu.memory_space<semaphore_mem>>)
      %dma_wait3A_1426 = tpu.memref_slice %arg2[%run_scoped3A, %add3A_4] : memref<2x65536xi32, #tpu.memory_space<hbm>> -> memref<1x16384xi32, #tpu.memory_space<hbm>>
      %dma_wait3A_1427 = tpu.memref_squeeze %dma_wait3A_1426 : memref<1x16384xi32, #tpu.memory_space<hbm>> -> memref<16384xi32, #tpu.memory_space<hbm>>
      %dma_wait3A_1428 = tpu.memref_slice %arg2[%run_scoped3A, %add3A_4] : memref<2x65536xi32, #tpu.memory_space<hbm>> -> memref<1x16384xi32, #tpu.memory_space<hbm>>
      %dma_wait3A_1429 = tpu.memref_squeeze %dma_wait3A_1428 : memref<1x16384xi32, #tpu.memory_space<hbm>> -> memref<16384xi32, #tpu.memory_space<hbm>>
      tpu.wait_dma2 semaphore(%run_scoped3A_1421 : memref<!tpu.dma_semaphore, #tpu.memory_space<semaphore_mem>>) src(%dma_wait3A_1429 : memref<16384xi32, #tpu.memory_space<hbm>>) dst(%arg6 : memref<16384xi32, #tpu.memory_space<vmem>>)
      tpu.yield
    }) : () -> ()
    %run_scoped3A_5 = arith.constant 0 : i32
    "tpu.region"() ({
      %run_scoped3A_1421 = tpu.sem_alloc : memref<!tpu.dma_semaphore, #tpu.memory_space<semaphore_mem>>
      %dma_start3A_1422 = tpu.memref_slice %arg2[%run_scoped3A_5, %add3A_4] : memref<2x65536xi32, #tpu.memory_space<hbm>> -> memref<1x16384xi32, #tpu.memory_space<hbm>>
      %dma_start3A_1423 = tpu.memref_squeeze %dma_start3A_1422 : memref<1x16384xi32, #tpu.memory_space<hbm>> -> memref<16384xi32, #tpu.memory_space<hbm>>
      %dma_start3A_1424 = tpu.memref_slice %arg2[%run_scoped3A_5, %add3A_4] : memref<2x65536xi32, #tpu.memory_space<hbm>> -> memref<1x16384xi32, #tpu.memory_space<hbm>>
      %dma_start3A_1425 = tpu.memref_squeeze %dma_start3A_1424 : memref<1x16384xi32, #tpu.memory_space<hbm>> -> memref<16384xi32, #tpu.memory_space<hbm>>
      tpu.enqueue_dma source(%dma_start3A_1425 : memref<16384xi32, #tpu.memory_space<hbm>>) target(%arg7 : memref<16384xi32, #tpu.memory_space<vmem>>) target_semaphore(%run_scoped3A_1421 : memref<!tpu.dma_semaphore, #tpu.memory_space<semaphore_mem>>)
      %dma_wait3A_1426 = tpu.memref_slice %arg2[%run_scoped3A_5, %add3A_4] : memref<2x65536xi32, #tpu.memory_space<hbm>> -> memref<1x16384xi32, #tpu.memory_space<hbm>>
      %dma_wait3A_1427 = tpu.memref_squeeze %dma_wait3A_1426 : memref<1x16384xi32, #tpu.memory_space<hbm>> -> memref<16384xi32, #tpu.memory_space<hbm>>
      %dma_wait3A_1428 = tpu.memref_slice %arg2[%run_scoped3A_5, %add3A_4] : memref<2x65536xi32, #tpu.memory_space<hbm>> -> memref<1x16384xi32, #tpu.memory_space<hbm>>
      %dma_wait3A_1429 = tpu.memref_squeeze %dma_wait3A_1428 : memref<1x16384xi32, #tpu.memory_space<hbm>> -> memref<16384xi32, #tpu.memory_space<hbm>>
      tpu.wait_dma2 semaphore(%run_scoped3A_1421 : memref<!tpu.dma_semaphore, #tpu.memory_space<semaphore_mem>>) src(%dma_wait3A_1429 : memref<16384xi32, #tpu.memory_space<hbm>>) dst(%arg7 : memref<16384xi32, #tpu.memory_space<vmem>>)
      tpu.yield
    }) : () -> ()
    %parallel_loop3A = arith.constant 0 : i32
    %parallel_loop3A_6 = arith.constant 1024 : i32
    %parallel_loop3A_7 = arith.constant 1 : i32
    scf.for %parallel_loop3A_1421 = %parallel_loop3A to %parallel_loop3A_6 step %parallel_loop3A_7  : i32 {
      %parallel_loop3A_1422 = arith.constant 16 : i32
      %parallel_loop3A_1423 = arith.muli %parallel_loop3A_1421, %parallel_loop3A_1422 : i32
      %parallel_loop3A_1424 = arith.index_cast %parallel_loop3A_1423 : i32 to index
      %parallel_loop3A_1425 = tpu.vector_load %arg6[%parallel_loop3A_1424] {strides = array<i32>} : memref<16384xi32, #tpu.memory_space<vmem>>, vector<16xi32>,
      %parallel_loop3A_1426 = arith.constant 16 : i32
      %parallel_loop3A_1427 = arith.muli %parallel_loop3A_1421, %parallel_loop3A_1426 : i32
      %parallel_loop3A_1428 = arith.index_cast %parallel_loop3A_1427 : i32 to index
      %parallel_loop3A_1429 = tpu.vector_load %arg7[%parallel_loop3A_1428] {strides = array<i32>} : memref<16384xi32, #tpu.memory_space<vmem>>, vector<16xi32>,
      %parallel_loop3A_1430 = vector.broadcast %mul3A_0 : i32 to vector<16xi32>
      %parallel_loop3A_1431 = arith.subi %parallel_loop3A_1425, %parallel_loop3A_1430 : vector<16xi32>
      %parallel_loop3A_1432 = arith.constant 0 : i32
      %parallel_loop3A_1433 = vector.broadcast %parallel_loop3A_1432 : i32 to vector<16xi32>
      %parallel_loop3A_1434 = arith.cmpi sge, %parallel_loop3A_1431, %parallel_loop3A_1433 : vector<16xi32>
      %parallel_loop3A_1435 = arith.constant 64 : i32
      %parallel_loop3A_1436 = vector.broadcast %parallel_loop3A_1435 : i32 to vector<16xi32>
      %parallel_loop3A_1437 = arith.cmpi slt, %parallel_loop3A_1431, %parallel_loop3A_1436 : vector<16xi32>
      %parallel_loop3A_1438 = arith.andi %parallel_loop3A_1434, %parallel_loop3A_1437 : vector<16xi1>
      %parallel_loop3A_1439 = arith.constant 0 : i32
      %parallel_loop3A_1440 = vector.broadcast %parallel_loop3A_1439 : i32 to vector<16xi32>
      %parallel_loop3A_1441 = arith.select %parallel_loop3A_1438, %parallel_loop3A_1431, %parallel_loop3A_1440 : vector<16xi1>, vector<16xi32>
      %parallel_loop3A_1442 = arith.constant 1024 : i32
      %parallel_loop3A_1443 = vector.broadcast %parallel_loop3A_1442 : i32 to vector<16xi32>
      %parallel_loop3A_1444 = arith.muli %parallel_loop3A_1441, %parallel_loop3A_1443 : vector<16xi32>
      %parallel_loop3A_1445 = arith.addi %parallel_loop3A_1444, %parallel_loop3A_1429 : vector<16xi32>
      tpu.vector_store_idx %arg5[%parallel_loop3A_1445], %broadcast_in_dim3A_3 masked %parallel_loop3A_1438 {add = true} : memref<65536xf32, #tpu.memory_space<vmem>>[vector<16xi32>], vector<16xf32>, vector<16xi1>
    } {sc.loop_unroll_factor = 8 : i64, sc.parallel_access}
    %add3A_8 = arith.constant 16384 : i32
    %add3A_9 = arith.addi %mul3A_2, %add3A_8 : i32
    %run_scoped3A_10 = arith.constant 1 : i32
    "tpu.region"() ({
      %run_scoped3A_1421 = tpu.sem_alloc : memref<!tpu.dma_semaphore, #tpu.memory_space<semaphore_mem>>
      %dma_start3A_1422 = tpu.memref_slice %arg2[%run_scoped3A_10, %add3A_9] : memref<2x65536xi32, #tpu.memory_space<hbm>> -> memref<1x16384xi32, #tpu.memory_space<hbm>>
      %dma_start3A_1423 = tpu.memref_squeeze %dma_start3A_1422 : memref<1x16384xi32, #tpu.memory_space<hbm>> -> memref<16384xi32, #tpu.memory_space<hbm>>
      %dma_start3A_1424 = tpu.memref_slice %arg2[%run_scoped3A_10, %add3A_9] : memref<2x65536xi32, #tpu.memory_space<hbm>> -> memref<1x16384xi32, #tpu.memory_space<hbm>>
      %dma_start3A_1425 = tpu.memref_squeeze %dma_start3A_1424 : memref<1x16384xi32, #tpu.memory_space<hbm>> -> memref<16384xi32, #tpu.memory_space<hbm>>
      tpu.enqueue_dma source(%dma_start3A_1425 : memref<16384xi32, #tpu.memory_space<hbm>>) target(%arg6 : memref<16384xi32, #tpu.memory_space<vmem>>) target_semaphore(%run_scoped3A_1421 : memref<!tpu.dma_semaphore, #tpu.memory_space<semaphore_mem>>)
      %dma_wait3A_1426 = tpu.memref_slice %arg2[%run_scoped3A_10, %add3A_9] : memref<2x65536xi32, #tpu.memory_space<hbm>> -> memref<1x16384xi32, #tpu.memory_space<hbm>>
      %dma_wait3A_1427 = tpu.memref_squeeze %dma_wait3A_1426 : memref<1x16384xi32, #tpu.memory_space<hbm>> -> memref<16384xi32, #tpu.memory_space<hbm>>
      %dma_wait3A_1428 = tpu.memref_slice %arg2[%run_scoped3A_10, %add3A_9] : memref<2x65536xi32, #tpu.memory_space<hbm>> -> memref<1x16384xi32, #tpu.memory_space<hbm>>
      %dma_wait3A_1429 = tpu.memref_squeeze %dma_wait3A_1428 : memref<1x16384xi32, #tpu.memory_space<hbm>> -> memref<16384xi32, #tpu.memory_space<hbm>>
      tpu.wait_dma2 semaphore(%run_scoped3A_1421 : memref<!tpu.dma_semaphore, #tpu.memory_space<semaphore_mem>>) src(%dma_wait3A_1429 : memref<16384xi32, #tpu.memory_space<hbm>>) dst(%arg6 : memref<16384xi32, #tpu.memory_space<vmem>>)
      tpu.yield
    }) : () -> ()
    %run_scoped3A_11 = arith.constant 0 : i32
    "tpu.region"() ({
      %run_scoped3A_1421 = tpu.sem_alloc : memref<!tpu.dma_semaphore, #tpu.memory_space<semaphore_mem>>
      %dma_start3A_1422 = tpu.memref_slice %arg2[%run_scoped3A_11, %add3A_9] : memref<2x65536xi32, #tpu.memory_space<hbm>> -> memref<1x16384xi32, #tpu.memory_space<hbm>>
      %dma_start3A_1423 = tpu.memref_squeeze %dma_start3A_1422 : memref<1x16384xi32, #tpu.memory_space<hbm>> -> memref<16384xi32, #tpu.memory_space<hbm>>
      %dma_start3A_1424 = tpu.memref_slice %arg2[%run_scoped3A_11, %add3A_9] : memref<2x65536xi32, #tpu.memory_space<hbm>> -> memref<1x16384xi32, #tpu.memory_space<hbm>>
      %dma_start3A_1425 = tpu.memref_squeeze %dma_start3A_1424 : memref<1x16384xi32, #tpu.memory_space<hbm>> -> memref<16384xi32, #tpu.memory_space<hbm>>
      tpu.enqueue_dma source(%dma_start3A_1425 : memref<16384xi32, #tpu.memory_space<hbm>>) target(%arg7 : memref<16384xi32, #tpu.memory_space<vmem>>) target_semaphore(%run_scoped3A_1421 : memref<!tpu.dma_semaphore, #tpu.memory_space<semaphore_mem>>)
      %dma_wait3A_1426 = tpu.memref_slice %arg2[%run_scoped3A_11, %add3A_9] : memref<2x65536xi32, #tpu.memory_space<hbm>> -> memref<1x16384xi32, #tpu.memory_space<hbm>>
      %dma_wait3A_1427 = tpu.memref_squeeze %dma_wait3A_1426 : memref<1x16384xi32, #tpu.memory_space<hbm>> -> memref<16384xi32, #tpu.memory_space<hbm>>
      %dma_wait3A_1428 = tpu.memref_slice %arg2[%run_scoped3A_11, %add3A_9] : memref<2x65536xi32, #tpu.memory_space<hbm>> -> memref<1x16384xi32, #tpu.memory_space<hbm>>
      %dma_wait3A_1429 = tpu.memref_squeeze %dma_wait3A_1428 : memref<1x16384xi32, #tpu.memory_space<hbm>> -> memref<16384xi32, #tpu.memory_space<hbm>>
      tpu.wait_dma2 semaphore(%run_scoped3A_1421 : memref<!tpu.dma_semaphore, #tpu.memory_space<semaphore_mem>>) src(%dma_wait3A_1429 : memref<16384xi32, #tpu.memory_space<hbm>>) dst(%arg7 : memref<16384xi32, #tpu.memory_space<vmem>>)
      tpu.yield
    }) : () -> ()
    %parallel_loop3A_12 = arith.constant 0 : i32
    %parallel_loop3A_13 = arith.constant 1024 : i32
    %parallel_loop3A_14 = arith.constant 1 : i32
    scf.for %parallel_loop3A_1421 = %parallel_loop3A_12 to %parallel_loop3A_13 step %parallel_loop3A_14  : i32 {
      %parallel_loop3A_1422 = arith.constant 16 : i32
      %parallel_loop3A_1423 = arith.muli %parallel_loop3A_1421, %parallel_loop3A_1422 : i32
      %parallel_loop3A_1424 = arith.index_cast %parallel_loop3A_1423 : i32 to index
      %parallel_loop3A_1425 = tpu.vector_load %arg6[%parallel_loop3A_1424] {strides = array<i32>} : memref<16384xi32, #tpu.memory_space<vmem>>, vector<16xi32>,
      %parallel_loop3A_1426 = arith.constant 16 : i32
      %parallel_loop3A_1427 = arith.muli %parallel_loop3A_1421, %parallel_loop3A_1426 : i32
      %parallel_loop3A_1428 = arith.index_cast %parallel_loop3A_1427 : i32 to index
      %parallel_loop3A_1429 = tpu.vector_load %arg7[%parallel_loop3A_1428] {strides = array<i32>} : memref<16384xi32, #tpu.memory_space<vmem>>, vector<16xi32>,
      %parallel_loop3A_1430 = vector.broadcast %mul3A_0 : i32 to vector<16xi32>
      %parallel_loop3A_1431 = arith.subi %parallel_loop3A_1425, %parallel_loop3A_1430 : vector<16xi32>
      %parallel_loop3A_1432 = arith.constant 0 : i32
      %parallel_loop3A_1433 = vector.broadcast %parallel_loop3A_1432 : i32 to vector<16xi32>
      %parallel_loop3A_1434 = arith.cmpi sge, %parallel_loop3A_1431, %parallel_loop3A_1433 : vector<16xi32>
      %parallel_loop3A_1435 = arith.constant 64 : i32
      %parallel_loop3A_1436 = vector.broadcast %parallel_loop3A_1435 : i32 to vector<16xi32>
      %parallel_loop3A_1437 = arith.cmpi slt, %parallel_loop3A_1431, %parallel_loop3A_1436 : vector<16xi32>
      %parallel_loop3A_1438 = arith.andi %parallel_loop3A_1434, %parallel_loop3A_1437 : vector<16xi1>
      %parallel_loop3A_1439 = arith.constant 0 : i32
      %parallel_loop3A_1440 = vector.broadcast %parallel_loop3A_1439 : i32 to vector<16xi32>
      %parallel_loop3A_1441 = arith.select %parallel_loop3A_1438, %parallel_loop3A_1431, %parallel_loop3A_1440 : vector<16xi1>, vector<16xi32>
      %parallel_loop3A_1442 = arith.constant 1024 : i32
      %parallel_loop3A_1443 = vector.broadcast %parallel_loop3A_1442 : i32 to vector<16xi32>
      %parallel_loop3A_1444 = arith.muli %parallel_loop3A_1441, %parallel_loop3A_1443 : vector<16xi32>
      %parallel_loop3A_1445 = arith.addi %parallel_loop3A_1444, %parallel_loop3A_1429 : vector<16xi32>
      tpu.vector_store_idx %arg5[%parallel_loop3A_1445], %broadcast_in_dim3A_3 masked %parallel_loop3A_1438 {add = true} : memref<65536xf32, #tpu.memory_space<vmem>>[vector<16xi32>], vector<16xf32>, vector<16xi1>
    } {sc.loop_unroll_factor = 8 : i64, sc.parallel_access}
    %add3A_15 = arith.constant 0 : i32
    %add3A_16 = arith.addi %mul3A_0, %add3A_15 : i32
    %dma_start3A = arith.constant 0 : i32
    %dma_start3A_17 = tpu.memref_slice %arg5[%dma_start3A] : memref<65536xf32, #tpu.memory_space<vmem>> -> memref<1024xf32, #tpu.memory_space<vmem>>
    %dma_start3A_18 = arith.constant 0 : i32
    %dma_start3A_19 = tpu.memref_slice %arg4[%arg0, %add3A_16, %dma_start3A_18] : memref<2x1024x1024xf32, #tpu.memory_space<hbm>> -> memref<1x1x1024xf32, #tpu.memory_space<hbm>>
    %dma_start3A_20 = tpu.memref_squeeze %dma_start3A_19 : memref<1x1x1024xf32, #tpu.memory_space<hbm>> -> memref<1024xf32, #tpu.memory_space<hbm>>
    %dma_start3A_21 = arith.constant 0 : i32
    %dma_start3A_22 = tpu.memref_slice %arg4[%arg0, %add3A_16, %dma_start3A_21] : memref<2x1024x1024xf32, #tpu.memory_space<hbm>> -> memref<1x1x1024xf32, #tpu.memory_space<hbm>>
    %dma_start3A_23 = tpu.memref_squeeze %dma_start3A_22 : memref<1x1x1024xf32, #tpu.memory_space<hbm>> -> memref<1024xf32, #tpu.memory_space<hbm>>
    %dma_start3A_24 = arith.constant 0 : i32
    %dma_start3A_25 = tpu.memref_slice %arg5[%dma_start3A_24] : memref<65536xf32, #tpu.memory_space<vmem>> -> memref<1024xf32, #tpu.memory_space<vmem>>
    tpu.enqueue_dma source(%dma_start3A_25 : memref<1024xf32, #tpu.memory_space<vmem>>) target(%dma_start3A_23 : memref<1024xf32, #tpu.memory_space<hbm>>) target_semaphore(%arg8 : memref<!tpu.dma_semaphore, #tpu.memory_space<semaphore_mem>>)
    %add3A_26 = arith.constant 1 : i32
    %add3A_27 = arith.addi %mul3A_0, %add3A_26 : i32
    %dma_start3A_28 = arith.constant 1024 : i32
    %dma_start3A_29 = tpu.memref_slice %arg5[%dma_start3A_28] : memref<65536xf32, #tpu.memory_space<vmem>> -> memref<1024xf32, #tpu.memory_space<vmem>>
    %dma_start3A_30 = arith.constant 0 : i32
    %dma_start3A_31 = tpu.memref_slice %arg4[%arg0, %add3A_27, %dma_start3A_30] : memref<2x1024x1024xf32, #tpu.memory_space<hbm>> -> memref<1x1x1024xf32, #tpu.memory_space<hbm>>
    %dma_start3A_32 = tpu.memref_squeeze %dma_start3A_31 : memref<1x1x1024xf32, #tpu.memory_space<hbm>> -> memref<1024xf32, #tpu.memory_space<hbm>>
    %dma_start3A_33 = arith.constant 0 : i32
    %dma_start3A_34 = tpu.memref_slice %arg4[%arg0, %add3A_27, %dma_start3A_33] : memref<2x1024x1024xf32, #tpu.memory_space<hbm>> -> memref<1x1x1024xf32, #tpu.memory_space<hbm>>
    %dma_start3A_35 = tpu.memref_squeeze %dma_start3A_34 : memref<1x1x1024xf32, #tpu.memory_space<hbm>> -> memref<1024xf32, #tpu.memory_space<hbm>>
    %dma_start3A_36 = arith.constant 1024 : i32
    %dma_start3A_37 = tpu.memref_slice %arg5[%dma_start3A_36] : memref<65536xf32, #tpu.memory_space<vmem>> -> memref<1024xf32, #tpu.memory_space<vmem>>
    tpu.enqueue_dma source(%dma_start3A_37 : memref<1024xf32, #tpu.memory_space<vmem>>) target(%dma_start3A_35 : memref<1024xf32, #tpu.memory_space<hbm>>) target_semaphore(%arg8 : memref<!tpu.dma_semaphore, #tpu.memory_space<semaphore_mem>>)
    %add3A_38 = arith.constant 2 : i32
    %add3A_39 = arith.addi %mul3A_0, %add3A_38 : i32
    %dma_start3A_40 = arith.constant 2048 : i32
    %dma_start3A_41 = tpu.memref_slice %arg5[%dma_start3A_40] : memref<65536xf32, #tpu.memory_space<vmem>> -> memref<1024xf32, #tpu.memory_space<vmem>>
    %dma_start3A_42 = arith.constant 0 : i32
    %dma_start3A_43 = tpu.memref_slice %arg4[%arg0, %add3A_39, %dma_start3A_42] : memref<2x1024x1024xf32, #tpu.memory_space<hbm>> -> memref<1x1x1024xf32, #tpu.memory_space<hbm>>
    %dma_start3A_44 = tpu.memref_squeeze %dma_start3A_43 : memref<1x1x1024xf32, #tpu.memory_space<hbm>> -> memref<1024xf32, #tpu.memory_space<hbm>>
    %dma_start3A_45 = arith.constant 0 : i32
    %dma_start3A_46 = tpu.memref_slice %arg4[%arg0, %add3A_39, %dma_start3A_45] : memref<2x1024x1024xf32, #tpu.memory_space<hbm>> -> memref<1x1x1024xf32, #tpu.memory_space<hbm>>
    %dma_start3A_47 = tpu.memref_squeeze %dma_start3A_46 : memref<1x1x1024xf32, #tpu.memory_space<hbm>> -> memref<1024xf32, #tpu.memory_space<hbm>>
    %dma_start3A_48 = arith.constant 2048 : i32
    %dma_start3A_49 = tpu.memref_slice %arg5[%dma_start3A_48] : memref<65536xf32, #tpu.memory_space<vmem>> -> memref<1024xf32, #tpu.memory_space<vmem>>
    tpu.enqueue_dma source(%dma_start3A_49 : memref<1024xf32, #tpu.memory_space<vmem>>) target(%dma_start3A_47 : memref<1024xf32, #tpu.memory_space<hbm>>) target_semaphore(%arg8 : memref<!tpu.dma_semaphore, #tpu.memory_space<semaphore_mem>>)
    %add3A_50 = arith.constant 3 : i32
    %add3A_51 = arith.addi %mul3A_0, %add3A_50 : i32
    %dma_start3A_52 = arith.constant 3072 : i32
    %dma_start3A_53 = tpu.memref_slice %arg5[%dma_start3A_52] : memref<65536xf32, #tpu.memory_space<vmem>> -> memref<1024xf32, #tpu.memory_space<vmem>>
    %dma_start3A_54 = arith.constant 0 : i32
    %dma_start3A_55 = tpu.memref_slice %arg4[%arg0, %add3A_51, %dma_start3A_54] : memref<2x1024x1024xf32, #tpu.memory_space<hbm>> -> memref<1x1x1024xf32, #tpu.memory_space<hbm>>
    %dma_start3A_56 = tpu.memref_squeeze %dma_start3A_55 : memref<1x1x1024xf32, #tpu.memory_space<hbm>> -> memref<1024xf32, #tpu.memory_space<hbm>>
    %dma_start3A_57 = arith.constant 0 : i32
    %dma_start3A_58 = tpu.memref_slice %arg4[%arg0, %add3A_51, %dma_start3A_57] : memref<2x1024x1024xf32, #tpu.memory_space<hbm>> -> memref<1x1x1024xf32, #tpu.memory_space<hbm>>
    %dma_start3A_59 = tpu.memref_squeeze %dma_start3A_58 : memref<1x1x1024xf32, #tpu.memory_space<hbm>> -> memref<1024xf32, #tpu.memory_space<hbm>>
    %dma_start3A_60 = arith.constant 3072 : i32
    %dma_start3A_61 = tpu.memref_slice %arg5[%dma_start3A_60] : memref<65536xf32, #tpu.memory_space<vmem>> -> memref<1024xf32, #tpu.memory_space<vmem>>
    tpu.enqueue_dma source(%dma_start3A_61 : memref<1024xf32, #tpu.memory_space<vmem>>) target(%dma_start3A_59 : memref<1024xf32, #tpu.memory_space<hbm>>) target_semaphore(%arg8 : memref<!tpu.dma_semaphore, #tpu.memory_space<semaphore_mem>>)
    %add3A_62 = arith.constant 4 : i32
    %add3A_63 = arith.addi %mul3A_0, %add3A_62 : i32
    %dma_start3A_64 = arith.constant 4096 : i32
    %dma_start3A_65 = tpu.memref_slice %arg5[%dma_start3A_64] : memref<65536xf32, #tpu.memory_space<vmem>> -> memref<1024xf32, #tpu.memory_space<vmem>>
    %dma_start3A_66 = arith.constant 0 : i32
    %dma_start3A_67 = tpu.memref_slice %arg4[%arg0, %add3A_63, %dma_start3A_66] : memref<2x1024x1024xf32, #tpu.memory_space<hbm>> -> memref<1x1x1024xf32, #tpu.memory_space<hbm>>
    %dma_start3A_68 = tpu.memref_squeeze %dma_start3A_67 : memref<1x1x1024xf32, #tpu.memory_space<hbm>> -> memref<1024xf32, #tpu.memory_space<hbm>>
    %dma_start3A_69 = arith.constant 0 : i32
    %dma_start3A_70 = tpu.memref_slice %arg4[%arg0, %add3A_63, %dma_start3A_69] : memref<2x1024x1024xf32, #tpu.memory_space<hbm>> -> memref<1x1x1024xf32, #tpu.memory_space<hbm>>
    %dma_start3A_71 = tpu.memref_squeeze %dma_start3A_70 : memref<1x1x1024xf32, #tpu.memory_space<hbm>> -> memref<1024xf32, #tpu.memory_space<hbm>>
    %dma_start3A_72 = arith.constant 4096 : i32
    %dma_start3A_73 = tpu.memref_slice %arg5[%dma_start3A_72] : memref<65536xf32, #tpu.memory_space<vmem>> -> memref<1024xf32, #tpu.memory_space<vmem>>
    tpu.enqueue_dma source(%dma_start3A_73 : memref<1024xf32, #tpu.memory_space<vmem>>) target(%dma_start3A_71 : memref<1024xf32, #tpu.memory_space<hbm>>) target_semaphore(%arg8 : memref<!tpu.dma_semaphore, #tpu.memory_space<semaphore_mem>>)
    %add3A_74 = arith.constant 5 : i32
    %add3A_75 = arith.addi %mul3A_0, %add3A_74 : i32
    %dma_start3A_76 = arith.constant 5120 : i32
    %dma_start3A_77 = tpu.memref_slice %arg5[%dma_start3A_76] : memref<65536xf32, #tpu.memory_space<vmem>> -> memref<1024xf32, #tpu.memory_space<vmem>>
    %dma_start3A_78 = arith.constant 0 : i32
    %dma_start3A_79 = tpu.memref_slice %arg4[%arg0, %add3A_75, %dma_start3A_78] : memref<2x1024x1024xf32, #tpu.memory_space<hbm>> -> memref<1x1x1024xf32, #tpu.memory_space<hbm>>
    %dma_start3A_80 = tpu.memref_squeeze %dma_start3A_79 : memref<1x1x1024xf32, #tpu.memory_space<hbm>> -> memref<1024xf32, #tpu.memory_space<hbm>>
    %dma_start3A_81 = arith.constant 0 : i32
    %dma_start3A_82 = tpu.memref_slice %arg4[%arg0, %add3A_75, %dma_start3A_81] : memref<2x1024x1024xf32, #tpu.memory_space<hbm>> -> memref<1x1x1024xf32, #tpu.memory_space<hbm>>
    %dma_start3A_83 = tpu.memref_squeeze %dma_start3A_82 : memref<1x1x1024xf32, #tpu.memory_space<hbm>> -> memref<1024xf32, #tpu.memory_space<hbm>>
    %dma_start3A_84 = arith.constant 5120 : i32
    %dma_start3A_85 = tpu.memref_slice %arg5[%dma_start3A_84] : memref<65536xf32, #tpu.memory_space<vmem>> -> memref<1024xf32, #tpu.memory_space<vmem>>
    tpu.enqueue_dma source(%dma_start3A_85 : memref<1024xf32, #tpu.memory_space<vmem>>) target(%dma_start3A_83 : memref<1024xf32, #tpu.memory_space<hbm>>) target_semaphore(%arg8 : memref<!tpu.dma_semaphore, #tpu.memory_space<semaphore_mem>>)
    %add3A_86 = arith.constant 6 : i32
    %add3A_87 = arith.addi %mul3A_0, %add3A_86 : i32
    %dma_start3A_88 = arith.constant 6144 : i32
    %dma_start3A_89 = tpu.memref_slice %arg5[%dma_start3A_88] : memref<65536xf32, #tpu.memory_space<vmem>> -> memref<1024xf32, #tpu.memory_space<vmem>>
    %dma_start3A_90 = arith.constant 0 : i32
    %dma_start3A_91 = tpu.memref_slice %arg4[%arg0, %add3A_87, %dma_start3A_90] : memref<2x1024x1024xf32, #tpu.memory_space<hbm>> -> memref<1x1x1024xf32, #tpu.memory_space<hbm>>
    %dma_start3A_92 = tpu.memref_squeeze %dma_start3A_91 : memref<1x1x1024xf32, #tpu.memory_space<hbm>> -> memref<1024xf32, #tpu.memory_space<hbm>>
    %dma_start3A_93 = arith.constant 0 : i32
    %dma_start3A_94 = tpu.memref_slice %arg4[%arg0, %add3A_87, %dma_start3A_93] : memref<2x1024x1024xf32, #tpu.memory_space<hbm>> -> memref<1x1x1024xf32, #tpu.memory_space<hbm>>
    %dma_start3A_95 = tpu.memref_squeeze %dma_start3A_94 : memref<1x1x1024xf32, #tpu.memory_space<hbm>> -> memref<1024xf32, #tpu.memory_space<hbm>>
    %dma_start3A_96 = arith.constant 6144 : i32
    %dma_start3A_97 = tpu.memref_slice %arg5[%dma_start3A_96] : memref<65536xf32, #tpu.memory_space<vmem>> -> memref<1024xf32, #tpu.memory_space<vmem>>
    tpu.enqueue_dma source(%dma_start3A_97 : memref<1024xf32, #tpu.memory_space<vmem>>) target(%dma_start3A_95 : memref<1024xf32, #tpu.memory_space<hbm>>) target_semaphore(%arg8 : memref<!tpu.dma_semaphore, #tpu.memory_space<semaphore_mem>>)
    %add3A_98 = arith.constant 7 : i32
    %add3A_99 = arith.addi %mul3A_0, %add3A_98 : i32
    %dma_start3A_100 = arith.constant 7168 : i32
    %dma_start3A_101 = tpu.memref_slice %arg5[%dma_start3A_100] : memref<65536xf32, #tpu.memory_space<vmem>> -> memref<1024xf32, #tpu.memory_space<vmem>>
    %dma_start3A_102 = arith.constant 0 : i32
    %dma_start3A_103 = tpu.memref_slice %arg4[%arg0, %add3A_99, %dma_start3A_102] : memref<2x1024x1024xf32, #tpu.memory_space<hbm>> -> memref<1x1x1024xf32, #tpu.memory_space<hbm>>
    %dma_start3A_104 = tpu.memref_squeeze %dma_start3A_103 : memref<1x1x1024xf32, #tpu.memory_space<hbm>> -> memref<1024xf32, #tpu.memory_space<hbm>>
    %dma_start3A_105 = arith.constant 0 : i32
    %dma_start3A_106 = tpu.memref_slice %arg4[%arg0, %add3A_99, %dma_start3A_105] : memref<2x1024x1024xf32, #tpu.memory_space<hbm>> -> memref<1x1x1024xf32, #tpu.memory_space<hbm>>
    %dma_start3A_107 = tpu.memref_squeeze %dma_start3A_106 : memref<1x1x1024xf32, #tpu.memory_space<hbm>> -> memref<1024xf32, #tpu.memory_space<hbm>>
    %dma_start3A_108 = arith.constant 7168 : i32
    %dma_start3A_109 = tpu.memref_slice %arg5[%dma_start3A_108] : memref<65536xf32, #tpu.memory_space<vmem>> -> memref<1024xf32, #tpu.memory_space<vmem>>
    tpu.enqueue_dma source(%dma_start3A_109 : memref<1024xf32, #tpu.memory_space<vmem>>) target(%dma_start3A_107 : memref<1024xf32, #tpu.memory_space<hbm>>) target_semaphore(%arg8 : memref<!tpu.dma_semaphore, #tpu.memory_space<semaphore_mem>>)
    %add3A_110 = arith.constant 8 : i32
    %add3A_111 = arith.addi %mul3A_0, %add3A_110 : i32
    %dma_start3A_112 = arith.constant 8192 : i32
    %dma_start3A_113 = tpu.memref_slice %arg5[%dma_start3A_112] : memref<65536xf32, #tpu.memory_space<vmem>> -> memref<1024xf32, #tpu.memory_space<vmem>>
    %dma_start3A_114 = arith.constant 0 : i32
    %dma_start3A_115 = tpu.memref_slice %arg4[%arg0, %add3A_111, %dma_start3A_114] : memref<2x1024x1024xf32, #tpu.memory_space<hbm>> -> memref<1x1x1024xf32, #tpu.memory_space<hbm>>
    %dma_start3A_116 = tpu.memref_squeeze %dma_start3A_115 : memref<1x1x1024xf32, #tpu.memory_space<hbm>> -> memref<1024xf32, #tpu.memory_space<hbm>>
    %dma_start3A_117 = arith.constant 0 : i32
    %dma_start3A_118 = tpu.memref_slice %arg4[%arg0, %add3A_111, %dma_start3A_117] : memref<2x1024x1024xf32, #tpu.memory_space<hbm>> -> memref<1x1x1024xf32, #tpu.memory_space<hbm>>
    %dma_start3A_119 = tpu.memref_squeeze %dma_start3A_118 : memref<1x1x1024xf32, #tpu.memory_space<hbm>> -> memref<1024xf32, #tpu.memory_space<hbm>>
    %dma_start3A_120 = arith.constant 8192 : i32
    %dma_start3A_121 = tpu.memref_slice %arg5[%dma_start3A_120] : memref<65536xf32, #tpu.memory_space<vmem>> -> memref<1024xf32, #tpu.memory_space<vmem>>
    tpu.enqueue_dma source(%dma_start3A_121 : memref<1024xf32, #tpu.memory_space<vmem>>) target(%dma_start3A_119 : memref<1024xf32, #tpu.memory_space<hbm>>) target_semaphore(%arg8 : memref<!tpu.dma_semaphore, #tpu.memory_space<semaphore_mem>>)
    %add3A_122 = arith.constant 9 : i32
    %add3A_123 = arith.addi %mul3A_0, %add3A_122 : i32
    %dma_start3A_124 = arith.constant 9216 : i32
    %dma_start3A_125 = tpu.memref_slice %arg5[%dma_start3A_124] : memref<65536xf32, #tpu.memory_space<vmem>> -> memref<1024xf32, #tpu.memory_space<vmem>>
    %dma_start3A_126 = arith.constant 0 : i32
    %dma_start3A_127 = tpu.memref_slice %arg4[%arg0, %add3A_123, %dma_start3A_126] : memref<2x1024x1024xf32, #tpu.memory_space<hbm>> -> memref<1x1x1024xf32, #tpu.memory_space<hbm>>
    %dma_start3A_128 = tpu.memref_squeeze %dma_start3A_127 : memref<1x1x1024xf32, #tpu.memory_space<hbm>> -> memref<1024xf32, #tpu.memory_space<hbm>>
    %dma_start3A_129 = arith.constant 0 : i32
    %dma_start3A_130 = tpu.memref_slice %arg4[%arg0, %add3A_123, %dma_start3A_129] : memref<2x1024x1024xf32, #tpu.memory_space<hbm>> -> memref<1x1x1024xf32, #tpu.memory_space<hbm>>
    %dma_start3A_131 = tpu.memref_squeeze %dma_start3A_130 : memref<1x1x1024xf32, #tpu.memory_space<hbm>> -> memref<1024xf32, #tpu.memory_space<hbm>>
    %dma_start3A_132 = arith.constant 9216 : i32
    %dma_start3A_133 = tpu.memref_slice %arg5[%dma_start3A_132] : memref<65536xf32, #tpu.memory_space<vmem>> -> memref<1024xf32, #tpu.memory_space<vmem>>
    tpu.enqueue_dma source(%dma_start3A_133 : memref<1024xf32, #tpu.memory_space<vmem>>) target(%dma_start3A_131 : memref<1024xf32, #tpu.memory_space<hbm>>) target_semaphore(%arg8 : memref<!tpu.dma_semaphore, #tpu.memory_space<semaphore_mem>>)
    %add3A_134 = arith.constant 10 : i32
    %add3A_135 = arith.addi %mul3A_0, %add3A_134 : i32
    %dma_start3A_136 = arith.constant 10240 : i32
    %dma_start3A_137 = tpu.memref_slice %arg5[%dma_start3A_136] : memref<65536xf32, #tpu.memory_space<vmem>> -> memref<1024xf32, #tpu.memory_space<vmem>>
    %dma_start3A_138 = arith.constant 0 : i32
    %dma_start3A_139 = tpu.memref_slice %arg4[%arg0, %add3A_135, %dma_start3A_138] : memref<2x1024x1024xf32, #tpu.memory_space<hbm>> -> memref<1x1x1024xf32, #tpu.memory_space<hbm>>
    %dma_start3A_140 = tpu.memref_squeeze %dma_start3A_139 : memref<1x1x1024xf32, #tpu.memory_space<hbm>> -> memref<1024xf32, #tpu.memory_space<hbm>>
    %dma_start3A_141 = arith.constant 0 : i32
    %dma_start3A_142 = tpu.memref_slice %arg4[%arg0, %add3A_135, %dma_start3A_141] : memref<2x1024x1024xf32, #tpu.memory_space<hbm>> -> memref<1x1x1024xf32, #tpu.memory_space<hbm>>
    %dma_start3A_143 = tpu.memref_squeeze %dma_start3A_142 : memref<1x1x1024xf32, #tpu.memory_space<hbm>> -> memref<1024xf32, #tpu.memory_space<hbm>>
    %dma_start3A_144 = arith.constant 10240 : i32
    %dma_start3A_145 = tpu.memref_slice %arg5[%dma_start3A_144] : memref<65536xf32, #tpu.memory_space<vmem>> -> memref<1024xf32, #tpu.memory_space<vmem>>
    tpu.enqueue_dma source(%dma_start3A_145 : memref<1024xf32, #tpu.memory_space<vmem>>) target(%dma_start3A_143 : memref<1024xf32, #tpu.memory_space<hbm>>) target_semaphore(%arg8 : memref<!tpu.dma_semaphore, #tpu.memory_space<semaphore_mem>>)
    %add3A_146 = arith.constant 11 : i32
    %add3A_147 = arith.addi %mul3A_0, %add3A_146 : i32
    %dma_start3A_148 = arith.constant 11264 : i32
    %dma_start3A_149 = tpu.memref_slice %arg5[%dma_start3A_148] : memref<65536xf32, #tpu.memory_space<vmem>> -> memref<1024xf32, #tpu.memory_space<vmem>>
    %dma_start3A_150 = arith.constant 0 : i32
    %dma_start3A_151 = tpu.memref_slice %arg4[%arg0, %add3A_147, %dma_start3A_150] : memref<2x1024x1024xf32, #tpu.memory_space<hbm>> -> memref<1x1x1024xf32, #tpu.memory_space<hbm>>
    %dma_start3A_152 = tpu.memref_squeeze %dma_start3A_151 : memref<1x1x1024xf32, #tpu.memory_space<hbm>> -> memref<1024xf32, #tpu.memory_space<hbm>>
    %dma_start3A_153 = arith.constant 0 : i32
    %dma_start3A_154 = tpu.memref_slice %arg4[%arg0, %add3A_147, %dma_start3A_153] : memref<2x1024x1024xf32, #tpu.memory_space<hbm>> -> memref<1x1x1024xf32, #tpu.memory_space<hbm>>
    %dma_start3A_155 = tpu.memref_squeeze %dma_start3A_154 : memref<1x1x1024xf32, #tpu.memory_space<hbm>> -> memref<1024xf32, #tpu.memory_space<hbm>>
    %dma_start3A_156 = arith.constant 11264 : i32
    %dma_start3A_157 = tpu.memref_slice %arg5[%dma_start3A_156] : memref<65536xf32, #tpu.memory_space<vmem>> -> memref<1024xf32, #tpu.memory_space<vmem>>
    tpu.enqueue_dma source(%dma_start3A_157 : memref<1024xf32, #tpu.memory_space<vmem>>) target(%dma_start3A_155 : memref<1024xf32, #tpu.memory_space<hbm>>) target_semaphore(%arg8 : memref<!tpu.dma_semaphore, #tpu.memory_space<semaphore_mem>>)
    %add3A_158 = arith.constant 12 : i32
    %add3A_159 = arith.addi %mul3A_0, %add3A_158 : i32
    %dma_start3A_160 = arith.constant 12288 : i32
    %dma_start3A_161 = tpu.memref_slice %arg5[%dma_start3A_160] : memref<65536xf32, #tpu.memory_space<vmem>> -> memref<1024xf32, #tpu.memory_space<vmem>>
    %dma_start3A_162 = arith.constant 0 : i32
    %dma_start3A_163 = tpu.memref_slice %arg4[%arg0, %add3A_159, %dma_start3A_162] : memref<2x1024x1024xf32, #tpu.memory_space<hbm>> -> memref<1x1x1024xf32, #tpu.memory_space<hbm>>
    %dma_start3A_164 = tpu.memref_squeeze %dma_start3A_163 : memref<1x1x1024xf32, #tpu.memory_space<hbm>> -> memref<1024xf32, #tpu.memory_space<hbm>>
    %dma_start3A_165 = arith.constant 0 : i32
    %dma_start3A_166 = tpu.memref_slice %arg4[%arg0, %add3A_159, %dma_start3A_165] : memref<2x1024x1024xf32, #tpu.memory_space<hbm>> -> memref<1x1x1024xf32, #tpu.memory_space<hbm>>
    %dma_start3A_167 = tpu.memref_squeeze %dma_start3A_166 : memref<1x1x1024xf32, #tpu.memory_space<hbm>> -> memref<1024xf32, #tpu.memory_space<hbm>>
    %dma_start3A_168 = arith.constant 12288 : i32
    %dma_start3A_169 = tpu.memref_slice %arg5[%dma_start3A_168] : memref<65536xf32, #tpu.memory_space<vmem>> -> memref<1024xf32, #tpu.memory_space<vmem>>
    tpu.enqueue_dma source(%dma_start3A_169 : memref<1024xf32, #tpu.memory_space<vmem>>) target(%dma_start3A_167 : memref<1024xf32, #tpu.memory_space<hbm>>) target_semaphore(%arg8 : memref<!tpu.dma_semaphore, #tpu.memory_space<semaphore_mem>>)
    %add3A_170 = arith.constant 13 : i32
    %add3A_171 = arith.addi %mul3A_0, %add3A_170 : i32
    %dma_start3A_172 = arith.constant 13312 : i32
    %dma_start3A_173 = tpu.memref_slice %arg5[%dma_start3A_172] : memref<65536xf32, #tpu.memory_space<vmem>> -> memref<1024xf32, #tpu.memory_space<vmem>>
    %dma_start3A_174 = arith.constant 0 : i32
    %dma_start3A_175 = tpu.memref_slice %arg4[%arg0, %add3A_171, %dma_start3A_174] : memref<2x1024x1024xf32, #tpu.memory_space<hbm>> -> memref<1x1x1024xf32, #tpu.memory_space<hbm>>
    %dma_start3A_176 = tpu.memref_squeeze %dma_start3A_175 : memref<1x1x1024xf32, #tpu.memory_space<hbm>> -> memref<1024xf32, #tpu.memory_space<hbm>>
    %dma_start3A_177 = arith.constant 0 : i32
    %dma_start3A_178 = tpu.memref_slice %arg4[%arg0, %add3A_171, %dma_start3A_177] : memref<2x1024x1024xf32, #tpu.memory_space<hbm>> -> memref<1x1x1024xf32, #tpu.memory_space<hbm>>
    %dma_start3A_179 = tpu.memref_squeeze %dma_start3A_178 : memref<1x1x1024xf32, #tpu.memory_space<hbm>> -> memref<1024xf32, #tpu.memory_space<hbm>>
    %dma_start3A_180 = arith.constant 13312 : i32
    %dma_start3A_181 = tpu.memref_slice %arg5[%dma_start3A_180] : memref<65536xf32, #tpu.memory_space<vmem>> -> memref<1024xf32, #tpu.memory_space<vmem>>
    tpu.enqueue_dma source(%dma_start3A_181 : memref<1024xf32, #tpu.memory_space<vmem>>) target(%dma_start3A_179 : memref<1024xf32, #tpu.memory_space<hbm>>) target_semaphore(%arg8 : memref<!tpu.dma_semaphore, #tpu.memory_space<semaphore_mem>>)
    %add3A_182 = arith.constant 14 : i32
    %add3A_183 = arith.addi %mul3A_0, %add3A_182 : i32
    %dma_start3A_184 = arith.constant 14336 : i32
    %dma_start3A_185 = tpu.memref_slice %arg5[%dma_start3A_184] : memref<65536xf32, #tpu.memory_space<vmem>> -> memref<1024xf32, #tpu.memory_space<vmem>>
    %dma_start3A_186 = arith.constant 0 : i32
    %dma_start3A_187 = tpu.memref_slice %arg4[%arg0, %add3A_183, %dma_start3A_186] : memref<2x1024x1024xf32, #tpu.memory_space<hbm>> -> memref<1x1x1024xf32, #tpu.memory_space<hbm>>
    %dma_start3A_188 = tpu.memref_squeeze %dma_start3A_187 : memref<1x1x1024xf32, #tpu.memory_space<hbm>> -> memref<1024xf32, #tpu.memory_space<hbm>>
    %dma_start3A_189 = arith.constant 0 : i32
    %dma_start3A_190 = tpu.memref_slice %arg4[%arg0, %add3A_183, %dma_start3A_189] : memref<2x1024x1024xf32, #tpu.memory_space<hbm>> -> memref<1x1x1024xf32, #tpu.memory_space<hbm>>
    %dma_start3A_191 = tpu.memref_squeeze %dma_start3A_190 : memref<1x1x1024xf32, #tpu.memory_space<hbm>> -> memref<1024xf32, #tpu.memory_space<hbm>>
    %dma_start3A_192 = arith.constant 14336 : i32
    %dma_start3A_193 = tpu.memref_slice %arg5[%dma_start3A_192] : memref<65536xf32, #tpu.memory_space<vmem>> -> memref<1024xf32, #tpu.memory_space<vmem>>
    tpu.enqueue_dma source(%dma_start3A_193 : memref<1024xf32, #tpu.memory_space<vmem>>) target(%dma_start3A_191 : memref<1024xf32, #tpu.memory_space<hbm>>) target_semaphore(%arg8 : memref<!tpu.dma_semaphore, #tpu.memory_space<semaphore_mem>>)
    %add3A_194 = arith.constant 15 : i32
    %add3A_195 = arith.addi %mul3A_0, %add3A_194 : i32
    %dma_start3A_196 = arith.constant 15360 : i32
    %dma_start3A_197 = tpu.memref_slice %arg5[%dma_start3A_196] : memref<65536xf32, #tpu.memory_space<vmem>> -> memref<1024xf32, #tpu.memory_space<vmem>>
    %dma_start3A_198 = arith.constant 0 : i32
    %dma_start3A_199 = tpu.memref_slice %arg4[%arg0, %add3A_195, %dma_start3A_198] : memref<2x1024x1024xf32, #tpu.memory_space<hbm>> -> memref<1x1x1024xf32, #tpu.memory_space<hbm>>
    %dma_start3A_200 = tpu.memref_squeeze %dma_start3A_199 : memref<1x1x1024xf32, #tpu.memory_space<hbm>> -> memref<1024xf32, #tpu.memory_space<hbm>>
    %dma_start3A_201 = arith.constant 0 : i32
    %dma_start3A_202 = tpu.memref_slice %arg4[%arg0, %add3A_195, %dma_start3A_201] : memref<2x1024x1024xf32, #tpu.memory_space<hbm>> -> memref<1x1x1024xf32, #tpu.memory_space<hbm>>
    %dma_start3A_203 = tpu.memref_squeeze %dma_start3A_202 : memref<1x1x1024xf32, #tpu.memory_space<hbm>> -> memref<1024xf32, #tpu.memory_space<hbm>>
    %dma_start3A_204 = arith.constant 15360 : i32
    %dma_start3A_205 = tpu.memref_slice %arg5[%dma_start3A_204] : memref<65536xf32, #tpu.memory_space<vmem>> -> memref<1024xf32, #tpu.memory_space<vmem>>
    tpu.enqueue_dma source(%dma_start3A_205 : memref<1024xf32, #tpu.memory_space<vmem>>) target(%dma_start3A_203 : memref<1024xf32, #tpu.memory_space<hbm>>) target_semaphore(%arg8 : memref<!tpu.dma_semaphore, #tpu.memory_space<semaphore_mem>>)
    %add3A_206 = arith.constant 16 : i32
    %add3A_207 = arith.addi %mul3A_0, %add3A_206 : i32
    %dma_start3A_208 = arith.constant 16384 : i32
    %dma_start3A_209 = tpu.memref_slice %arg5[%dma_start3A_208] : memref<65536xf32, #tpu.memory_space<vmem>> -> memref<1024xf32, #tpu.memory_space<vmem>>
    %dma_start3A_210 = arith.constant 0 : i32
    %dma_start3A_211 = tpu.memref_slice %arg4[%arg0, %add3A_207, %dma_start3A_210] : memref<2x1024x1024xf32, #tpu.memory_space<hbm>> -> memref<1x1x1024xf32, #tpu.memory_space<hbm>>
    %dma_start3A_212 = tpu.memref_squeeze %dma_start3A_211 : memref<1x1x1024xf32, #tpu.memory_space<hbm>> -> memref<1024xf32, #tpu.memory_space<hbm>>
    %dma_start3A_213 = arith.constant 0 : i32
    %dma_start3A_214 = tpu.memref_slice %arg4[%arg0, %add3A_207, %dma_start3A_213] : memref<2x1024x1024xf32, #tpu.memory_space<hbm>> -> memref<1x1x1024xf32, #tpu.memory_space<hbm>>
    %dma_start3A_215 = tpu.memref_squeeze %dma_start3A_214 : memref<1x1x1024xf32, #tpu.memory_space<hbm>> -> memref<1024xf32, #tpu.memory_space<hbm>>
    %dma_start3A_216 = arith.constant 16384 : i32
    %dma_start3A_217 = tpu.memref_slice %arg5[%dma_start3A_216] : memref<65536xf32, #tpu.memory_space<vmem>> -> memref<1024xf32, #tpu.memory_space<vmem>>
    tpu.enqueue_dma source(%dma_start3A_217 : memref<1024xf32, #tpu.memory_space<vmem>>) target(%dma_start3A_215 : memref<1024xf32, #tpu.memory_space<hbm>>) target_semaphore(%arg8 : memref<!tpu.dma_semaphore, #tpu.memory_space<semaphore_mem>>)
    %add3A_218 = arith.constant 17 : i32
    %add3A_219 = arith.addi %mul3A_0, %add3A_218 : i32
    %dma_start3A_220 = arith.constant 17408 : i32
    %dma_start3A_221 = tpu.memref_slice %arg5[%dma_start3A_220] : memref<65536xf32, #tpu.memory_space<vmem>> -> memref<1024xf32, #tpu.memory_space<vmem>>
    %dma_start3A_222 = arith.constant 0 : i32
    %dma_start3A_223 = tpu.memref_slice %arg4[%arg0, %add3A_219, %dma_start3A_222] : memref<2x1024x1024xf32, #tpu.memory_space<hbm>> -> memref<1x1x1024xf32, #tpu.memory_space<hbm>>
    %dma_start3A_224 = tpu.memref_squeeze %dma_start3A_223 : memref<1x1x1024xf32, #tpu.memory_space<hbm>> -> memref<1024xf32, #tpu.memory_space<hbm>>
    %dma_start3A_225 = arith.constant 0 : i32
    %dma_start3A_226 = tpu.memref_slice %arg4[%arg0, %add3A_219, %dma_start3A_225] : memref<2x1024x1024xf32, #tpu.memory_space<hbm>> -> memref<1x1x1024xf32, #tpu.memory_space<hbm>>
    %dma_start3A_227 = tpu.memref_squeeze %dma_start3A_226 : memref<1x1x1024xf32, #tpu.memory_space<hbm>> -> memref<1024xf32, #tpu.memory_space<hbm>>
    %dma_start3A_228 = arith.constant 17408 : i32
    %dma_start3A_229 = tpu.memref_slice %arg5[%dma_start3A_228] : memref<65536xf32, #tpu.memory_space<vmem>> -> memref<1024xf32, #tpu.memory_space<vmem>>
    tpu.enqueue_dma source(%dma_start3A_229 : memref<1024xf32, #tpu.memory_space<vmem>>) target(%dma_start3A_227 : memref<1024xf32, #tpu.memory_space<hbm>>) target_semaphore(%arg8 : memref<!tpu.dma_semaphore, #tpu.memory_space<semaphore_mem>>)
    %add3A_230 = arith.constant 18 : i32
    %add3A_231 = arith.addi %mul3A_0, %add3A_230 : i32
    %dma_start3A_232 = arith.constant 18432 : i32
    %dma_start3A_233 = tpu.memref_slice %arg5[%dma_start3A_232] : memref<65536xf32, #tpu.memory_space<vmem>> -> memref<1024xf32, #tpu.memory_space<vmem>>
    %dma_start3A_234 = arith.constant 0 : i32
    %dma_start3A_235 = tpu.memref_slice %arg4[%arg0, %add3A_231, %dma_start3A_234] : memref<2x1024x1024xf32, #tpu.memory_space<hbm>> -> memref<1x1x1024xf32, #tpu.memory_space<hbm>>
    %dma_start3A_236 = tpu.memref_squeeze %dma_start3A_235 : memref<1x1x1024xf32, #tpu.memory_space<hbm>> -> memref<1024xf32, #tpu.memory_space<hbm>>
    %dma_start3A_237 = arith.constant 0 : i32
    %dma_start3A_238 = tpu.memref_slice %arg4[%arg0, %add3A_231, %dma_start3A_237] : memref<2x1024x1024xf32, #tpu.memory_space<hbm>> -> memref<1x1x1024xf32, #tpu.memory_space<hbm>>
    %dma_start3A_239 = tpu.memref_squeeze %dma_start3A_238 : memref<1x1x1024xf32, #tpu.memory_space<hbm>> -> memref<1024xf32, #tpu.memory_space<hbm>>
    %dma_start3A_240 = arith.constant 18432 : i32
    %dma_start3A_241 = tpu.memref_slice %arg5[%dma_start3A_240] : memref<65536xf32, #tpu.memory_space<vmem>> -> memref<1024xf32, #tpu.memory_space<vmem>>
    tpu.enqueue_dma source(%dma_start3A_241 : memref<1024xf32, #tpu.memory_space<vmem>>) target(%dma_start3A_239 : memref<1024xf32, #tpu.memory_space<hbm>>) target_semaphore(%arg8 : memref<!tpu.dma_semaphore, #tpu.memory_space<semaphore_mem>>)
    %add3A_242 = arith.constant 19 : i32
    %add3A_243 = arith.addi %mul3A_0, %add3A_242 : i32
    %dma_start3A_244 = arith.constant 19456 : i32
    %dma_start3A_245 = tpu.memref_slice %arg5[%dma_start3A_244] : memref<65536xf32, #tpu.memory_space<vmem>> -> memref<1024xf32, #tpu.memory_space<vmem>>
    %dma_start3A_246 = arith.constant 0 : i32
    %dma_start3A_247 = tpu.memref_slice %arg4[%arg0, %add3A_243, %dma_start3A_246] : memref<2x1024x1024xf32, #tpu.memory_space<hbm>> -> memref<1x1x1024xf32, #tpu.memory_space<hbm>>
    %dma_start3A_248 = tpu.memref_squeeze %dma_start3A_247 : memref<1x1x1024xf32, #tpu.memory_space<hbm>> -> memref<1024xf32, #tpu.memory_space<hbm>>
    %dma_start3A_249 = arith.constant 0 : i32
    %dma_start3A_250 = tpu.memref_slice %arg4[%arg0, %add3A_243, %dma_start3A_249] : memref<2x1024x1024xf32, #tpu.memory_space<hbm>> -> memref<1x1x1024xf32, #tpu.memory_space<hbm>>
    %dma_start3A_251 = tpu.memref_squeeze %dma_start3A_250 : memref<1x1x1024xf32, #tpu.memory_space<hbm>> -> memref<1024xf32, #tpu.memory_space<hbm>>
    %dma_start3A_252 = arith.constant 19456 : i32
    %dma_start3A_253 = tpu.memref_slice %arg5[%dma_start3A_252] : memref<65536xf32, #tpu.memory_space<vmem>> -> memref<1024xf32, #tpu.memory_space<vmem>>
    tpu.enqueue_dma source(%dma_start3A_253 : memref<1024xf32, #tpu.memory_space<vmem>>) target(%dma_start3A_251 : memref<1024xf32, #tpu.memory_space<hbm>>) target_semaphore(%arg8 : memref<!tpu.dma_semaphore, #tpu.memory_space<semaphore_mem>>)
    %add3A_254 = arith.constant 20 : i32
    %add3A_255 = arith.addi %mul3A_0, %add3A_254 : i32
    %dma_start3A_256 = arith.constant 20480 : i32
    %dma_start3A_257 = tpu.memref_slice %arg5[%dma_start3A_256] : memref<65536xf32, #tpu.memory_space<vmem>> -> memref<1024xf32, #tpu.memory_space<vmem>>
    %dma_start3A_258 = arith.constant 0 : i32
    %dma_start3A_259 = tpu.memref_slice %arg4[%arg0, %add3A_255, %dma_start3A_258] : memref<2x1024x1024xf32, #tpu.memory_space<hbm>> -> memref<1x1x1024xf32, #tpu.memory_space<hbm>>
    %dma_start3A_260 = tpu.memref_squeeze %dma_start3A_259 : memref<1x1x1024xf32, #tpu.memory_space<hbm>> -> memref<1024xf32, #tpu.memory_space<hbm>>
    %dma_start3A_261 = arith.constant 0 : i32
    %dma_start3A_262 = tpu.memref_slice %arg4[%arg0, %add3A_255, %dma_start3A_261] : memref<2x1024x1024xf32, #tpu.memory_space<hbm>> -> memref<1x1x1024xf32, #tpu.memory_space<hbm>>
    %dma_start3A_263 = tpu.memref_squeeze %dma_start3A_262 : memref<1x1x1024xf32, #tpu.memory_space<hbm>> -> memref<1024xf32, #tpu.memory_space<hbm>>
    %dma_start3A_264 = arith.constant 20480 : i32
    %dma_start3A_265 = tpu.memref_slice %arg5[%dma_start3A_264] : memref<65536xf32, #tpu.memory_space<vmem>> -> memref<1024xf32, #tpu.memory_space<vmem>>
    tpu.enqueue_dma source(%dma_start3A_265 : memref<1024xf32, #tpu.memory_space<vmem>>) target(%dma_start3A_263 : memref<1024xf32, #tpu.memory_space<hbm>>) target_semaphore(%arg8 : memref<!tpu.dma_semaphore, #tpu.memory_space<semaphore_mem>>)
    %add3A_266 = arith.constant 21 : i32
    %add3A_267 = arith.addi %mul3A_0, %add3A_266 : i32
    %dma_start3A_268 = arith.constant 21504 : i32
    %dma_start3A_269 = tpu.memref_slice %arg5[%dma_start3A_268] : memref<65536xf32, #tpu.memory_space<vmem>> -> memref<1024xf32, #tpu.memory_space<vmem>>
    %dma_start3A_270 = arith.constant 0 : i32
    %dma_start3A_271 = tpu.memref_slice %arg4[%arg0, %add3A_267, %dma_start3A_270] : memref<2x1024x1024xf32, #tpu.memory_space<hbm>> -> memref<1x1x1024xf32, #tpu.memory_space<hbm>>
    %dma_start3A_272 = tpu.memref_squeeze %dma_start3A_271 : memref<1x1x1024xf32, #tpu.memory_space<hbm>> -> memref<1024xf32, #tpu.memory_space<hbm>>
    %dma_start3A_273 = arith.constant 0 : i32
    %dma_start3A_274 = tpu.memref_slice %arg4[%arg0, %add3A_267, %dma_start3A_273] : memref<2x1024x1024xf32, #tpu.memory_space<hbm>> -> memref<1x1x1024xf32, #tpu.memory_space<hbm>>
    %dma_start3A_275 = tpu.memref_squeeze %dma_start3A_274 : memref<1x1x1024xf32, #tpu.memory_space<hbm>> -> memref<1024xf32, #tpu.memory_space<hbm>>
    %dma_start3A_276 = arith.constant 21504 : i32
    %dma_start3A_277 = tpu.memref_slice %arg5[%dma_start3A_276] : memref<65536xf32, #tpu.memory_space<vmem>> -> memref<1024xf32, #tpu.memory_space<vmem>>
    tpu.enqueue_dma source(%dma_start3A_277 : memref<1024xf32, #tpu.memory_space<vmem>>) target(%dma_start3A_275 : memref<1024xf32, #tpu.memory_space<hbm>>) target_semaphore(%arg8 : memref<!tpu.dma_semaphore, #tpu.memory_space<semaphore_mem>>)
    %add3A_278 = arith.constant 22 : i32
    %add3A_279 = arith.addi %mul3A_0, %add3A_278 : i32
    %dma_start3A_280 = arith.constant 22528 : i32
    %dma_start3A_281 = tpu.memref_slice %arg5[%dma_start3A_280] : memref<65536xf32, #tpu.memory_space<vmem>> -> memref<1024xf32, #tpu.memory_space<vmem>>
    %dma_start3A_282 = arith.constant 0 : i32
    %dma_start3A_283 = tpu.memref_slice %arg4[%arg0, %add3A_279, %dma_start3A_282] : memref<2x1024x1024xf32, #tpu.memory_space<hbm>> -> memref<1x1x1024xf32, #tpu.memory_space<hbm>>
    %dma_start3A_284 = tpu.memref_squeeze %dma_start3A_283 : memref<1x1x1024xf32, #tpu.memory_space<hbm>> -> memref<1024xf32, #tpu.memory_space<hbm>>
    %dma_start3A_285 = arith.constant 0 : i32
    %dma_start3A_286 = tpu.memref_slice %arg4[%arg0, %add3A_279, %dma_start3A_285] : memref<2x1024x1024xf32, #tpu.memory_space<hbm>> -> memref<1x1x1024xf32, #tpu.memory_space<hbm>>
    %dma_start3A_287 = tpu.memref_squeeze %dma_start3A_286 : memref<1x1x1024xf32, #tpu.memory_space<hbm>> -> memref<1024xf32, #tpu.memory_space<hbm>>
    %dma_start3A_288 = arith.constant 22528 : i32
    %dma_start3A_289 = tpu.memref_slice %arg5[%dma_start3A_288] : memref<65536xf32, #tpu.memory_space<vmem>> -> memref<1024xf32, #tpu.memory_space<vmem>>
    tpu.enqueue_dma source(%dma_start3A_289 : memref<1024xf32, #tpu.memory_space<vmem>>) target(%dma_start3A_287 : memref<1024xf32, #tpu.memory_space<hbm>>) target_semaphore(%arg8 : memref<!tpu.dma_semaphore, #tpu.memory_space<semaphore_mem>>)
    %add3A_290 = arith.constant 23 : i32
    %add3A_291 = arith.addi %mul3A_0, %add3A_290 : i32
    %dma_start3A_292 = arith.constant 23552 : i32
    %dma_start3A_293 = tpu.memref_slice %arg5[%dma_start3A_292] : memref<65536xf32, #tpu.memory_space<vmem>> -> memref<1024xf32, #tpu.memory_space<vmem>>
    %dma_start3A_294 = arith.constant 0 : i32
    %dma_start3A_295 = tpu.memref_slice %arg4[%arg0, %add3A_291, %dma_start3A_294] : memref<2x1024x1024xf32, #tpu.memory_space<hbm>> -> memref<1x1x1024xf32, #tpu.memory_space<hbm>>
    %dma_start3A_296 = tpu.memref_squeeze %dma_start3A_295 : memref<1x1x1024xf32, #tpu.memory_space<hbm>> -> memref<1024xf32, #tpu.memory_space<hbm>>
    %dma_start3A_297 = arith.constant 0 : i32
    %dma_start3A_298 = tpu.memref_slice %arg4[%arg0, %add3A_291, %dma_start3A_297] : memref<2x1024x1024xf32, #tpu.memory_space<hbm>> -> memref<1x1x1024xf32, #tpu.memory_space<hbm>>
    %dma_start3A_299 = tpu.memref_squeeze %dma_start3A_298 : memref<1x1x1024xf32, #tpu.memory_space<hbm>> -> memref<1024xf32, #tpu.memory_space<hbm>>
    %dma_start3A_300 = arith.constant 23552 : i32
    %dma_start3A_301 = tpu.memref_slice %arg5[%dma_start3A_300] : memref<65536xf32, #tpu.memory_space<vmem>> -> memref<1024xf32, #tpu.memory_space<vmem>>
    tpu.enqueue_dma source(%dma_start3A_301 : memref<1024xf32, #tpu.memory_space<vmem>>) target(%dma_start3A_299 : memref<1024xf32, #tpu.memory_space<hbm>>) target_semaphore(%arg8 : memref<!tpu.dma_semaphore, #tpu.memory_space<semaphore_mem>>)
    %add3A_302 = arith.constant 24 : i32
    %add3A_303 = arith.addi %mul3A_0, %add3A_302 : i32
    %dma_start3A_304 = arith.constant 24576 : i32
    %dma_start3A_305 = tpu.memref_slice %arg5[%dma_start3A_304] : memref<65536xf32, #tpu.memory_space<vmem>> -> memref<1024xf32, #tpu.memory_space<vmem>>
    %dma_start3A_306 = arith.constant 0 : i32
    %dma_start3A_307 = tpu.memref_slice %arg4[%arg0, %add3A_303, %dma_start3A_306] : memref<2x1024x1024xf32, #tpu.memory_space<hbm>> -> memref<1x1x1024xf32, #tpu.memory_space<hbm>>
    %dma_start3A_308 = tpu.memref_squeeze %dma_start3A_307 : memref<1x1x1024xf32, #tpu.memory_space<hbm>> -> memref<1024xf32, #tpu.memory_space<hbm>>
    %dma_start3A_309 = arith.constant 0 : i32
    %dma_start3A_310 = tpu.memref_slice %arg4[%arg0, %add3A_303, %dma_start3A_309] : memref<2x1024x1024xf32, #tpu.memory_space<hbm>> -> memref<1x1x1024xf32, #tpu.memory_space<hbm>>
    %dma_start3A_311 = tpu.memref_squeeze %dma_start3A_310 : memref<1x1x1024xf32, #tpu.memory_space<hbm>> -> memref<1024xf32, #tpu.memory_space<hbm>>
    %dma_start3A_312 = arith.constant 24576 : i32
    %dma_start3A_313 = tpu.memref_slice %arg5[%dma_start3A_312] : memref<65536xf32, #tpu.memory_space<vmem>> -> memref<1024xf32, #tpu.memory_space<vmem>>
    tpu.enqueue_dma source(%dma_start3A_313 : memref<1024xf32, #tpu.memory_space<vmem>>) target(%dma_start3A_311 : memref<1024xf32, #tpu.memory_space<hbm>>) target_semaphore(%arg8 : memref<!tpu.dma_semaphore, #tpu.memory_space<semaphore_mem>>)
    %add3A_314 = arith.constant 25 : i32
    %add3A_315 = arith.addi %mul3A_0, %add3A_314 : i32
    %dma_start3A_316 = arith.constant 25600 : i32
    %dma_start3A_317 = tpu.memref_slice %arg5[%dma_start3A_316] : memref<65536xf32, #tpu.memory_space<vmem>> -> memref<1024xf32, #tpu.memory_space<vmem>>
    %dma_start3A_318 = arith.constant 0 : i32
    %dma_start3A_319 = tpu.memref_slice %arg4[%arg0, %add3A_315, %dma_start3A_318] : memref<2x1024x1024xf32, #tpu.memory_space<hbm>> -> memref<1x1x1024xf32, #tpu.memory_space<hbm>>
    %dma_start3A_320 = tpu.memref_squeeze %dma_start3A_319 : memref<1x1x1024xf32, #tpu.memory_space<hbm>> -> memref<1024xf32, #tpu.memory_space<hbm>>
    %dma_start3A_321 = arith.constant 0 : i32
    %dma_start3A_322 = tpu.memref_slice %arg4[%arg0, %add3A_315, %dma_start3A_321] : memref<2x1024x1024xf32, #tpu.memory_space<hbm>> -> memref<1x1x1024xf32, #tpu.memory_space<hbm>>
    %dma_start3A_323 = tpu.memref_squeeze %dma_start3A_322 : memref<1x1x1024xf32, #tpu.memory_space<hbm>> -> memref<1024xf32, #tpu.memory_space<hbm>>
    %dma_start3A_324 = arith.constant 25600 : i32
    %dma_start3A_325 = tpu.memref_slice %arg5[%dma_start3A_324] : memref<65536xf32, #tpu.memory_space<vmem>> -> memref<1024xf32, #tpu.memory_space<vmem>>
    tpu.enqueue_dma source(%dma_start3A_325 : memref<1024xf32, #tpu.memory_space<vmem>>) target(%dma_start3A_323 : memref<1024xf32, #tpu.memory_space<hbm>>) target_semaphore(%arg8 : memref<!tpu.dma_semaphore, #tpu.memory_space<semaphore_mem>>)
    %add3A_326 = arith.constant 26 : i32
    %add3A_327 = arith.addi %mul3A_0, %add3A_326 : i32
    %dma_start3A_328 = arith.constant 26624 : i32
    %dma_start3A_329 = tpu.memref_slice %arg5[%dma_start3A_328] : memref<65536xf32, #tpu.memory_space<vmem>> -> memref<1024xf32, #tpu.memory_space<vmem>>
    %dma_start3A_330 = arith.constant 0 : i32
    %dma_start3A_331 = tpu.memref_slice %arg4[%arg0, %add3A_327, %dma_start3A_330] : memref<2x1024x1024xf32, #tpu.memory_space<hbm>> -> memref<1x1x1024xf32, #tpu.memory_space<hbm>>
    %dma_start3A_332 = tpu.memref_squeeze %dma_start3A_331 : memref<1x1x1024xf32, #tpu.memory_space<hbm>> -> memref<1024xf32, #tpu.memory_space<hbm>>
    %dma_start3A_333 = arith.constant 0 : i32
    %dma_start3A_334 = tpu.memref_slice %arg4[%arg0, %add3A_327, %dma_start3A_333] : memref<2x1024x1024xf32, #tpu.memory_space<hbm>> -> memref<1x1x1024xf32, #tpu.memory_space<hbm>>
    %dma_start3A_335 = tpu.memref_squeeze %dma_start3A_334 : memref<1x1x1024xf32, #tpu.memory_space<hbm>> -> memref<1024xf32, #tpu.memory_space<hbm>>
    %dma_start3A_336 = arith.constant 26624 : i32
    %dma_start3A_337 = tpu.memref_slice %arg5[%dma_start3A_336] : memref<65536xf32, #tpu.memory_space<vmem>> -> memref<1024xf32, #tpu.memory_space<vmem>>
    tpu.enqueue_dma source(%dma_start3A_337 : memref<1024xf32, #tpu.memory_space<vmem>>) target(%dma_start3A_335 : memref<1024xf32, #tpu.memory_space<hbm>>) target_semaphore(%arg8 : memref<!tpu.dma_semaphore, #tpu.memory_space<semaphore_mem>>)
    %add3A_338 = arith.constant 27 : i32
    %add3A_339 = arith.addi %mul3A_0, %add3A_338 : i32
    %dma_start3A_340 = arith.constant 27648 : i32
    %dma_start3A_341 = tpu.memref_slice %arg5[%dma_start3A_340] : memref<65536xf32, #tpu.memory_space<vmem>> -> memref<1024xf32, #tpu.memory_space<vmem>>
    %dma_start3A_342 = arith.constant 0 : i32
    %dma_start3A_343 = tpu.memref_slice %arg4[%arg0, %add3A_339, %dma_start3A_342] : memref<2x1024x1024xf32, #tpu.memory_space<hbm>> -> memref<1x1x1024xf32, #tpu.memory_space<hbm>>
    %dma_start3A_344 = tpu.memref_squeeze %dma_start3A_343 : memref<1x1x1024xf32, #tpu.memory_space<hbm>> -> memref<1024xf32, #tpu.memory_space<hbm>>
    %dma_start3A_345 = arith.constant 0 : i32
    %dma_start3A_346 = tpu.memref_slice %arg4[%arg0, %add3A_339, %dma_start3A_345] : memref<2x1024x1024xf32, #tpu.memory_space<hbm>> -> memref<1x1x1024xf32, #tpu.memory_space<hbm>>
    %dma_start3A_347 = tpu.memref_squeeze %dma_start3A_346 : memref<1x1x1024xf32, #tpu.memory_space<hbm>> -> memref<1024xf32, #tpu.memory_space<hbm>>
    %dma_start3A_348 = arith.constant 27648 : i32
    %dma_start3A_349 = tpu.memref_slice %arg5[%dma_start3A_348] : memref<65536xf32, #tpu.memory_space<vmem>> -> memref<1024xf32, #tpu.memory_space<vmem>>
    tpu.enqueue_dma source(%dma_start3A_349 : memref<1024xf32, #tpu.memory_space<vmem>>) target(%dma_start3A_347 : memref<1024xf32, #tpu.memory_space<hbm>>) target_semaphore(%arg8 : memref<!tpu.dma_semaphore, #tpu.memory_space<semaphore_mem>>)
    %add3A_350 = arith.constant 28 : i32
    %add3A_351 = arith.addi %mul3A_0, %add3A_350 : i32
    %dma_start3A_352 = arith.constant 28672 : i32
    %dma_start3A_353 = tpu.memref_slice %arg5[%dma_start3A_352] : memref<65536xf32, #tpu.memory_space<vmem>> -> memref<1024xf32, #tpu.memory_space<vmem>>
    %dma_start3A_354 = arith.constant 0 : i32
    %dma_start3A_355 = tpu.memref_slice %arg4[%arg0, %add3A_351, %dma_start3A_354] : memref<2x1024x1024xf32, #tpu.memory_space<hbm>> -> memref<1x1x1024xf32, #tpu.memory_space<hbm>>
    %dma_start3A_356 = tpu.memref_squeeze %dma_start3A_355 : memref<1x1x1024xf32, #tpu.memory_space<hbm>> -> memref<1024xf32, #tpu.memory_space<hbm>>
    %dma_start3A_357 = arith.constant 0 : i32
    %dma_start3A_358 = tpu.memref_slice %arg4[%arg0, %add3A_351, %dma_start3A_357] : memref<2x1024x1024xf32, #tpu.memory_space<hbm>> -> memref<1x1x1024xf32, #tpu.memory_space<hbm>>
    %dma_start3A_359 = tpu.memref_squeeze %dma_start3A_358 : memref<1x1x1024xf32, #tpu.memory_space<hbm>> -> memref<1024xf32, #tpu.memory_space<hbm>>
    %dma_start3A_360 = arith.constant 28672 : i32
    %dma_start3A_361 = tpu.memref_slice %arg5[%dma_start3A_360] : memref<65536xf32, #tpu.memory_space<vmem>> -> memref<1024xf32, #tpu.memory_space<vmem>>
    tpu.enqueue_dma source(%dma_start3A_361 : memref<1024xf32, #tpu.memory_space<vmem>>) target(%dma_start3A_359 : memref<1024xf32, #tpu.memory_space<hbm>>) target_semaphore(%arg8 : memref<!tpu.dma_semaphore, #tpu.memory_space<semaphore_mem>>)
    %add3A_362 = arith.constant 29 : i32
    %add3A_363 = arith.addi %mul3A_0, %add3A_362 : i32
    %dma_start3A_364 = arith.constant 29696 : i32
    %dma_start3A_365 = tpu.memref_slice %arg5[%dma_start3A_364] : memref<65536xf32, #tpu.memory_space<vmem>> -> memref<1024xf32, #tpu.memory_space<vmem>>
    %dma_start3A_366 = arith.constant 0 : i32
    %dma_start3A_367 = tpu.memref_slice %arg4[%arg0, %add3A_363, %dma_start3A_366] : memref<2x1024x1024xf32, #tpu.memory_space<hbm>> -> memref<1x1x1024xf32, #tpu.memory_space<hbm>>
    %dma_start3A_368 = tpu.memref_squeeze %dma_start3A_367 : memref<1x1x1024xf32, #tpu.memory_space<hbm>> -> memref<1024xf32, #tpu.memory_space<hbm>>
    %dma_start3A_369 = arith.constant 0 : i32
    %dma_start3A_370 = tpu.memref_slice %arg4[%arg0, %add3A_363, %dma_start3A_369] : memref<2x1024x1024xf32, #tpu.memory_space<hbm>> -> memref<1x1x1024xf32, #tpu.memory_space<hbm>>
    %dma_start3A_371 = tpu.memref_squeeze %dma_start3A_370 : memref<1x1x1024xf32, #tpu.memory_space<hbm>> -> memref<1024xf32, #tpu.memory_space<hbm>>
    %dma_start3A_372 = arith.constant 29696 : i32
    %dma_start3A_373 = tpu.memref_slice %arg5[%dma_start3A_372] : memref<65536xf32, #tpu.memory_space<vmem>> -> memref<1024xf32, #tpu.memory_space<vmem>>
    tpu.enqueue_dma source(%dma_start3A_373 : memref<1024xf32, #tpu.memory_space<vmem>>) target(%dma_start3A_371 : memref<1024xf32, #tpu.memory_space<hbm>>) target_semaphore(%arg8 : memref<!tpu.dma_semaphore, #tpu.memory_space<semaphore_mem>>)
    %add3A_374 = arith.constant 30 : i32
    %add3A_375 = arith.addi %mul3A_0, %add3A_374 : i32
    %dma_start3A_376 = arith.constant 30720 : i32
    %dma_start3A_377 = tpu.memref_slice %arg5[%dma_start3A_376] : memref<65536xf32, #tpu.memory_space<vmem>> -> memref<1024xf32, #tpu.memory_space<vmem>>
    %dma_start3A_378 = arith.constant 0 : i32
    %dma_start3A_379 = tpu.memref_slice %arg4[%arg0, %add3A_375, %dma_start3A_378] : memref<2x1024x1024xf32, #tpu.memory_space<hbm>> -> memref<1x1x1024xf32, #tpu.memory_space<hbm>>
    %dma_start3A_380 = tpu.memref_squeeze %dma_start3A_379 : memref<1x1x1024xf32, #tpu.memory_space<hbm>> -> memref<1024xf32, #tpu.memory_space<hbm>>
    %dma_start3A_381 = arith.constant 0 : i32
    %dma_start3A_382 = tpu.memref_slice %arg4[%arg0, %add3A_375, %dma_start3A_381] : memref<2x1024x1024xf32, #tpu.memory_space<hbm>> -> memref<1x1x1024xf32, #tpu.memory_space<hbm>>
    %dma_start3A_383 = tpu.memref_squeeze %dma_start3A_382 : memref<1x1x1024xf32, #tpu.memory_space<hbm>> -> memref<1024xf32, #tpu.memory_space<hbm>>
    %dma_start3A_384 = arith.constant 30720 : i32
    %dma_start3A_385 = tpu.memref_slice %arg5[%dma_start3A_384] : memref<65536xf32, #tpu.memory_space<vmem>> -> memref<1024xf32, #tpu.memory_space<vmem>>
    tpu.enqueue_dma source(%dma_start3A_385 : memref<1024xf32, #tpu.memory_space<vmem>>) target(%dma_start3A_383 : memref<1024xf32, #tpu.memory_space<hbm>>) target_semaphore(%arg8 : memref<!tpu.dma_semaphore, #tpu.memory_space<semaphore_mem>>)
    %add3A_386 = arith.constant 31 : i32
    %add3A_387 = arith.addi %mul3A_0, %add3A_386 : i32
    %dma_start3A_388 = arith.constant 31744 : i32
    %dma_start3A_389 = tpu.memref_slice %arg5[%dma_start3A_388] : memref<65536xf32, #tpu.memory_space<vmem>> -> memref<1024xf32, #tpu.memory_space<vmem>>
    %dma_start3A_390 = arith.constant 0 : i32
    %dma_start3A_391 = tpu.memref_slice %arg4[%arg0, %add3A_387, %dma_start3A_390] : memref<2x1024x1024xf32, #tpu.memory_space<hbm>> -> memref<1x1x1024xf32, #tpu.memory_space<hbm>>
    %dma_start3A_392 = tpu.memref_squeeze %dma_start3A_391 : memref<1x1x1024xf32, #tpu.memory_space<hbm>> -> memref<1024xf32, #tpu.memory_space<hbm>>
    %dma_start3A_393 = arith.constant 0 : i32
    %dma_start3A_394 = tpu.memref_slice %arg4[%arg0, %add3A_387, %dma_start3A_393] : memref<2x1024x1024xf32, #tpu.memory_space<hbm>> -> memref<1x1x1024xf32, #tpu.memory_space<hbm>>
    %dma_start3A_395 = tpu.memref_squeeze %dma_start3A_394 : memref<1x1x1024xf32, #tpu.memory_space<hbm>> -> memref<1024xf32, #tpu.memory_space<hbm>>
    %dma_start3A_396 = arith.constant 31744 : i32
    %dma_start3A_397 = tpu.memref_slice %arg5[%dma_start3A_396] : memref<65536xf32, #tpu.memory_space<vmem>> -> memref<1024xf32, #tpu.memory_space<vmem>>
    tpu.enqueue_dma source(%dma_start3A_397 : memref<1024xf32, #tpu.memory_space<vmem>>) target(%dma_start3A_395 : memref<1024xf32, #tpu.memory_space<hbm>>) target_semaphore(%arg8 : memref<!tpu.dma_semaphore, #tpu.memory_space<semaphore_mem>>)
    %add3A_398 = arith.constant 32 : i32
    %add3A_399 = arith.addi %mul3A_0, %add3A_398 : i32
    %dma_start3A_400 = arith.constant 32768 : i32
    %dma_start3A_401 = tpu.memref_slice %arg5[%dma_start3A_400] : memref<65536xf32, #tpu.memory_space<vmem>> -> memref<1024xf32, #tpu.memory_space<vmem>>
    %dma_start3A_402 = arith.constant 0 : i32
    %dma_start3A_403 = tpu.memref_slice %arg4[%arg0, %add3A_399, %dma_start3A_402] : memref<2x1024x1024xf32, #tpu.memory_space<hbm>> -> memref<1x1x1024xf32, #tpu.memory_space<hbm>>
    %dma_start3A_404 = tpu.memref_squeeze %dma_start3A_403 : memref<1x1x1024xf32, #tpu.memory_space<hbm>> -> memref<1024xf32, #tpu.memory_space<hbm>>
    %dma_start3A_405 = arith.constant 0 : i32
    %dma_start3A_406 = tpu.memref_slice %arg4[%arg0, %add3A_399, %dma_start3A_405] : memref<2x1024x1024xf32, #tpu.memory_space<hbm>> -> memref<1x1x1024xf32, #tpu.memory_space<hbm>>
    %dma_start3A_407 = tpu.memref_squeeze %dma_start3A_406 : memref<1x1x1024xf32, #tpu.memory_space<hbm>> -> memref<1024xf32, #tpu.memory_space<hbm>>
    %dma_start3A_408 = arith.constant 32768 : i32
    %dma_start3A_409 = tpu.memref_slice %arg5[%dma_start3A_408] : memref<65536xf32, #tpu.memory_space<vmem>> -> memref<1024xf32, #tpu.memory_space<vmem>>
    tpu.enqueue_dma source(%dma_start3A_409 : memref<1024xf32, #tpu.memory_space<vmem>>) target(%dma_start3A_407 : memref<1024xf32, #tpu.memory_space<hbm>>) target_semaphore(%arg8 : memref<!tpu.dma_semaphore, #tpu.memory_space<semaphore_mem>>)
    %add3A_410 = arith.constant 33 : i32
    %add3A_411 = arith.addi %mul3A_0, %add3A_410 : i32
    %dma_start3A_412 = arith.constant 33792 : i32
    %dma_start3A_413 = tpu.memref_slice %arg5[%dma_start3A_412] : memref<65536xf32, #tpu.memory_space<vmem>> -> memref<1024xf32, #tpu.memory_space<vmem>>
    %dma_start3A_414 = arith.constant 0 : i32
    %dma_start3A_415 = tpu.memref_slice %arg4[%arg0, %add3A_411, %dma_start3A_414] : memref<2x1024x1024xf32, #tpu.memory_space<hbm>> -> memref<1x1x1024xf32, #tpu.memory_space<hbm>>
    %dma_start3A_416 = tpu.memref_squeeze %dma_start3A_415 : memref<1x1x1024xf32, #tpu.memory_space<hbm>> -> memref<1024xf32, #tpu.memory_space<hbm>>
    %dma_start3A_417 = arith.constant 0 : i32
    %dma_start3A_418 = tpu.memref_slice %arg4[%arg0, %add3A_411, %dma_start3A_417] : memref<2x1024x1024xf32, #tpu.memory_space<hbm>> -> memref<1x1x1024xf32, #tpu.memory_space<hbm>>
    %dma_start3A_419 = tpu.memref_squeeze %dma_start3A_418 : memref<1x1x1024xf32, #tpu.memory_space<hbm>> -> memref<1024xf32, #tpu.memory_space<hbm>>
    %dma_start3A_420 = arith.constant 33792 : i32
    %dma_start3A_421 = tpu.memref_slice %arg5[%dma_start3A_420] : memref<65536xf32, #tpu.memory_space<vmem>> -> memref<1024xf32, #tpu.memory_space<vmem>>
    tpu.enqueue_dma source(%dma_start3A_421 : memref<1024xf32, #tpu.memory_space<vmem>>) target(%dma_start3A_419 : memref<1024xf32, #tpu.memory_space<hbm>>) target_semaphore(%arg8 : memref<!tpu.dma_semaphore, #tpu.memory_space<semaphore_mem>>)
    %add3A_422 = arith.constant 34 : i32
    %add3A_423 = arith.addi %mul3A_0, %add3A_422 : i32
    %dma_start3A_424 = arith.constant 34816 : i32
    %dma_start3A_425 = tpu.memref_slice %arg5[%dma_start3A_424] : memref<65536xf32, #tpu.memory_space<vmem>> -> memref<1024xf32, #tpu.memory_space<vmem>>
    %dma_start3A_426 = arith.constant 0 : i32
    %dma_start3A_427 = tpu.memref_slice %arg4[%arg0, %add3A_423, %dma_start3A_426] : memref<2x1024x1024xf32, #tpu.memory_space<hbm>> -> memref<1x1x1024xf32, #tpu.memory_space<hbm>>
    %dma_start3A_428 = tpu.memref_squeeze %dma_start3A_427 : memref<1x1x1024xf32, #tpu.memory_space<hbm>> -> memref<1024xf32, #tpu.memory_space<hbm>>
    %dma_start3A_429 = arith.constant 0 : i32
    %dma_start3A_430 = tpu.memref_slice %arg4[%arg0, %add3A_423, %dma_start3A_429] : memref<2x1024x1024xf32, #tpu.memory_space<hbm>> -> memref<1x1x1024xf32, #tpu.memory_space<hbm>>
    %dma_start3A_431 = tpu.memref_squeeze %dma_start3A_430 : memref<1x1x1024xf32, #tpu.memory_space<hbm>> -> memref<1024xf32, #tpu.memory_space<hbm>>
    %dma_start3A_432 = arith.constant 34816 : i32
    %dma_start3A_433 = tpu.memref_slice %arg5[%dma_start3A_432] : memref<65536xf32, #tpu.memory_space<vmem>> -> memref<1024xf32, #tpu.memory_space<vmem>>
    tpu.enqueue_dma source(%dma_start3A_433 : memref<1024xf32, #tpu.memory_space<vmem>>) target(%dma_start3A_431 : memref<1024xf32, #tpu.memory_space<hbm>>) target_semaphore(%arg8 : memref<!tpu.dma_semaphore, #tpu.memory_space<semaphore_mem>>)
    %add3A_434 = arith.constant 35 : i32
    %add3A_435 = arith.addi %mul3A_0, %add3A_434 : i32
    %dma_start3A_436 = arith.constant 35840 : i32
    %dma_start3A_437 = tpu.memref_slice %arg5[%dma_start3A_436] : memref<65536xf32, #tpu.memory_space<vmem>> -> memref<1024xf32, #tpu.memory_space<vmem>>
    %dma_start3A_438 = arith.constant 0 : i32
    %dma_start3A_439 = tpu.memref_slice %arg4[%arg0, %add3A_435, %dma_start3A_438] : memref<2x1024x1024xf32, #tpu.memory_space<hbm>> -> memref<1x1x1024xf32, #tpu.memory_space<hbm>>
    %dma_start3A_440 = tpu.memref_squeeze %dma_start3A_439 : memref<1x1x1024xf32, #tpu.memory_space<hbm>> -> memref<1024xf32, #tpu.memory_space<hbm>>
    %dma_start3A_441 = arith.constant 0 : i32
    %dma_start3A_442 = tpu.memref_slice %arg4[%arg0, %add3A_435, %dma_start3A_441] : memref<2x1024x1024xf32, #tpu.memory_space<hbm>> -> memref<1x1x1024xf32, #tpu.memory_space<hbm>>
    %dma_start3A_443 = tpu.memref_squeeze %dma_start3A_442 : memref<1x1x1024xf32, #tpu.memory_space<hbm>> -> memref<1024xf32, #tpu.memory_space<hbm>>
    %dma_start3A_444 = arith.constant 35840 : i32
    %dma_start3A_445 = tpu.memref_slice %arg5[%dma_start3A_444] : memref<65536xf32, #tpu.memory_space<vmem>> -> memref<1024xf32, #tpu.memory_space<vmem>>
    tpu.enqueue_dma source(%dma_start3A_445 : memref<1024xf32, #tpu.memory_space<vmem>>) target(%dma_start3A_443 : memref<1024xf32, #tpu.memory_space<hbm>>) target_semaphore(%arg8 : memref<!tpu.dma_semaphore, #tpu.memory_space<semaphore_mem>>)
    %add3A_446 = arith.constant 36 : i32
    %add3A_447 = arith.addi %mul3A_0, %add3A_446 : i32
    %dma_start3A_448 = arith.constant 36864 : i32
    %dma_start3A_449 = tpu.memref_slice %arg5[%dma_start3A_448] : memref<65536xf32, #tpu.memory_space<vmem>> -> memref<1024xf32, #tpu.memory_space<vmem>>
    %dma_start3A_450 = arith.constant 0 : i32
    %dma_start3A_451 = tpu.memref_slice %arg4[%arg0, %add3A_447, %dma_start3A_450] : memref<2x1024x1024xf32, #tpu.memory_space<hbm>> -> memref<1x1x1024xf32, #tpu.memory_space<hbm>>
    %dma_start3A_452 = tpu.memref_squeeze %dma_start3A_451 : memref<1x1x1024xf32, #tpu.memory_space<hbm>> -> memref<1024xf32, #tpu.memory_space<hbm>>
    %dma_start3A_453 = arith.constant 0 : i32
    %dma_start3A_454 = tpu.memref_slice %arg4[%arg0, %add3A_447, %dma_start3A_453] : memref<2x1024x1024xf32, #tpu.memory_space<hbm>> -> memref<1x1x1024xf32, #tpu.memory_space<hbm>>
    %dma_start3A_455 = tpu.memref_squeeze %dma_start3A_454 : memref<1x1x1024xf32, #tpu.memory_space<hbm>> -> memref<1024xf32, #tpu.memory_space<hbm>>
    %dma_start3A_456 = arith.constant 36864 : i32
    %dma_start3A_457 = tpu.memref_slice %arg5[%dma_start3A_456] : memref<65536xf32, #tpu.memory_space<vmem>> -> memref<1024xf32, #tpu.memory_space<vmem>>
    tpu.enqueue_dma source(%dma_start3A_457 : memref<1024xf32, #tpu.memory_space<vmem>>) target(%dma_start3A_455 : memref<1024xf32, #tpu.memory_space<hbm>>) target_semaphore(%arg8 : memref<!tpu.dma_semaphore, #tpu.memory_space<semaphore_mem>>)
    %add3A_458 = arith.constant 37 : i32
    %add3A_459 = arith.addi %mul3A_0, %add3A_458 : i32
    %dma_start3A_460 = arith.constant 37888 : i32
    %dma_start3A_461 = tpu.memref_slice %arg5[%dma_start3A_460] : memref<65536xf32, #tpu.memory_space<vmem>> -> memref<1024xf32, #tpu.memory_space<vmem>>
    %dma_start3A_462 = arith.constant 0 : i32
    %dma_start3A_463 = tpu.memref_slice %arg4[%arg0, %add3A_459, %dma_start3A_462] : memref<2x1024x1024xf32, #tpu.memory_space<hbm>> -> memref<1x1x1024xf32, #tpu.memory_space<hbm>>
    %dma_start3A_464 = tpu.memref_squeeze %dma_start3A_463 : memref<1x1x1024xf32, #tpu.memory_space<hbm>> -> memref<1024xf32, #tpu.memory_space<hbm>>
    %dma_start3A_465 = arith.constant 0 : i32
    %dma_start3A_466 = tpu.memref_slice %arg4[%arg0, %add3A_459, %dma_start3A_465] : memref<2x1024x1024xf32, #tpu.memory_space<hbm>> -> memref<1x1x1024xf32, #tpu.memory_space<hbm>>
    %dma_start3A_467 = tpu.memref_squeeze %dma_start3A_466 : memref<1x1x1024xf32, #tpu.memory_space<hbm>> -> memref<1024xf32, #tpu.memory_space<hbm>>
    %dma_start3A_468 = arith.constant 37888 : i32
    %dma_start3A_469 = tpu.memref_slice %arg5[%dma_start3A_468] : memref<65536xf32, #tpu.memory_space<vmem>> -> memref<1024xf32, #tpu.memory_space<vmem>>
    tpu.enqueue_dma source(%dma_start3A_469 : memref<1024xf32, #tpu.memory_space<vmem>>) target(%dma_start3A_467 : memref<1024xf32, #tpu.memory_space<hbm>>) target_semaphore(%arg8 : memref<!tpu.dma_semaphore, #tpu.memory_space<semaphore_mem>>)
    %add3A_470 = arith.constant 38 : i32
    %add3A_471 = arith.addi %mul3A_0, %add3A_470 : i32
    %dma_start3A_472 = arith.constant 38912 : i32
    %dma_start3A_473 = tpu.memref_slice %arg5[%dma_start3A_472] : memref<65536xf32, #tpu.memory_space<vmem>> -> memref<1024xf32, #tpu.memory_space<vmem>>
    %dma_start3A_474 = arith.constant 0 : i32
    %dma_start3A_475 = tpu.memref_slice %arg4[%arg0, %add3A_471, %dma_start3A_474] : memref<2x1024x1024xf32, #tpu.memory_space<hbm>> -> memref<1x1x1024xf32, #tpu.memory_space<hbm>>
    %dma_start3A_476 = tpu.memref_squeeze %dma_start3A_475 : memref<1x1x1024xf32, #tpu.memory_space<hbm>> -> memref<1024xf32, #tpu.memory_space<hbm>>
    %dma_start3A_477 = arith.constant 0 : i32
    %dma_start3A_478 = tpu.memref_slice %arg4[%arg0, %add3A_471, %dma_start3A_477] : memref<2x1024x1024xf32, #tpu.memory_space<hbm>> -> memref<1x1x1024xf32, #tpu.memory_space<hbm>>
    %dma_start3A_479 = tpu.memref_squeeze %dma_start3A_478 : memref<1x1x1024xf32, #tpu.memory_space<hbm>> -> memref<1024xf32, #tpu.memory_space<hbm>>
    %dma_start3A_480 = arith.constant 38912 : i32
    %dma_start3A_481 = tpu.memref_slice %arg5[%dma_start3A_480] : memref<65536xf32, #tpu.memory_space<vmem>> -> memref<1024xf32, #tpu.memory_space<vmem>>
    tpu.enqueue_dma source(%dma_start3A_481 : memref<1024xf32, #tpu.memory_space<vmem>>) target(%dma_start3A_479 : memref<1024xf32, #tpu.memory_space<hbm>>) target_semaphore(%arg8 : memref<!tpu.dma_semaphore, #tpu.memory_space<semaphore_mem>>)
    %add3A_482 = arith.constant 39 : i32
    %add3A_483 = arith.addi %mul3A_0, %add3A_482 : i32
    %dma_start3A_484 = arith.constant 39936 : i32
    %dma_start3A_485 = tpu.memref_slice %arg5[%dma_start3A_484] : memref<65536xf32, #tpu.memory_space<vmem>> -> memref<1024xf32, #tpu.memory_space<vmem>>
    %dma_start3A_486 = arith.constant 0 : i32
    %dma_start3A_487 = tpu.memref_slice %arg4[%arg0, %add3A_483, %dma_start3A_486] : memref<2x1024x1024xf32, #tpu.memory_space<hbm>> -> memref<1x1x1024xf32, #tpu.memory_space<hbm>>
    %dma_start3A_488 = tpu.memref_squeeze %dma_start3A_487 : memref<1x1x1024xf32, #tpu.memory_space<hbm>> -> memref<1024xf32, #tpu.memory_space<hbm>>
    %dma_start3A_489 = arith.constant 0 : i32
    %dma_start3A_490 = tpu.memref_slice %arg4[%arg0, %add3A_483, %dma_start3A_489] : memref<2x1024x1024xf32, #tpu.memory_space<hbm>> -> memref<1x1x1024xf32, #tpu.memory_space<hbm>>
    %dma_start3A_491 = tpu.memref_squeeze %dma_start3A_490 : memref<1x1x1024xf32, #tpu.memory_space<hbm>> -> memref<1024xf32, #tpu.memory_space<hbm>>
    %dma_start3A_492 = arith.constant 39936 : i32
    %dma_start3A_493 = tpu.memref_slice %arg5[%dma_start3A_492] : memref<65536xf32, #tpu.memory_space<vmem>> -> memref<1024xf32, #tpu.memory_space<vmem>>
    tpu.enqueue_dma source(%dma_start3A_493 : memref<1024xf32, #tpu.memory_space<vmem>>) target(%dma_start3A_491 : memref<1024xf32, #tpu.memory_space<hbm>>) target_semaphore(%arg8 : memref<!tpu.dma_semaphore, #tpu.memory_space<semaphore_mem>>)
    %add3A_494 = arith.constant 40 : i32
    %add3A_495 = arith.addi %mul3A_0, %add3A_494 : i32
    %dma_start3A_496 = arith.constant 40960 : i32
    %dma_start3A_497 = tpu.memref_slice %arg5[%dma_start3A_496] : memref<65536xf32, #tpu.memory_space<vmem>> -> memref<1024xf32, #tpu.memory_space<vmem>>
    %dma_start3A_498 = arith.constant 0 : i32
    %dma_start3A_499 = tpu.memref_slice %arg4[%arg0, %add3A_495, %dma_start3A_498] : memref<2x1024x1024xf32, #tpu.memory_space<hbm>> -> memref<1x1x1024xf32, #tpu.memory_space<hbm>>
    %dma_start3A_500 = tpu.memref_squeeze %dma_start3A_499 : memref<1x1x1024xf32, #tpu.memory_space<hbm>> -> memref<1024xf32, #tpu.memory_space<hbm>>
    %dma_start3A_501 = arith.constant 0 : i32
    %dma_start3A_502 = tpu.memref_slice %arg4[%arg0, %add3A_495, %dma_start3A_501] : memref<2x1024x1024xf32, #tpu.memory_space<hbm>> -> memref<1x1x1024xf32, #tpu.memory_space<hbm>>
    %dma_start3A_503 = tpu.memref_squeeze %dma_start3A_502 : memref<1x1x1024xf32, #tpu.memory_space<hbm>> -> memref<1024xf32, #tpu.memory_space<hbm>>
    %dma_start3A_504 = arith.constant 40960 : i32
    %dma_start3A_505 = tpu.memref_slice %arg5[%dma_start3A_504] : memref<65536xf32, #tpu.memory_space<vmem>> -> memref<1024xf32, #tpu.memory_space<vmem>>
    tpu.enqueue_dma source(%dma_start3A_505 : memref<1024xf32, #tpu.memory_space<vmem>>) target(%dma_start3A_503 : memref<1024xf32, #tpu.memory_space<hbm>>) target_semaphore(%arg8 : memref<!tpu.dma_semaphore, #tpu.memory_space<semaphore_mem>>)
    %add3A_506 = arith.constant 41 : i32
    %add3A_507 = arith.addi %mul3A_0, %add3A_506 : i32
    %dma_start3A_508 = arith.constant 41984 : i32
    %dma_start3A_509 = tpu.memref_slice %arg5[%dma_start3A_508] : memref<65536xf32, #tpu.memory_space<vmem>> -> memref<1024xf32, #tpu.memory_space<vmem>>
    %dma_start3A_510 = arith.constant 0 : i32
    %dma_start3A_511 = tpu.memref_slice %arg4[%arg0, %add3A_507, %dma_start3A_510] : memref<2x1024x1024xf32, #tpu.memory_space<hbm>> -> memref<1x1x1024xf32, #tpu.memory_space<hbm>>
    %dma_start3A_512 = tpu.memref_squeeze %dma_start3A_511 : memref<1x1x1024xf32, #tpu.memory_space<hbm>> -> memref<1024xf32, #tpu.memory_space<hbm>>
    %dma_start3A_513 = arith.constant 0 : i32
    %dma_start3A_514 = tpu.memref_slice %arg4[%arg0, %add3A_507, %dma_start3A_513] : memref<2x1024x1024xf32, #tpu.memory_space<hbm>> -> memref<1x1x1024xf32, #tpu.memory_space<hbm>>
    %dma_start3A_515 = tpu.memref_squeeze %dma_start3A_514 : memref<1x1x1024xf32, #tpu.memory_space<hbm>> -> memref<1024xf32, #tpu.memory_space<hbm>>
    %dma_start3A_516 = arith.constant 41984 : i32
    %dma_start3A_517 = tpu.memref_slice %arg5[%dma_start3A_516] : memref<65536xf32, #tpu.memory_space<vmem>> -> memref<1024xf32, #tpu.memory_space<vmem>>
    tpu.enqueue_dma source(%dma_start3A_517 : memref<1024xf32, #tpu.memory_space<vmem>>) target(%dma_start3A_515 : memref<1024xf32, #tpu.memory_space<hbm>>) target_semaphore(%arg8 : memref<!tpu.dma_semaphore, #tpu.memory_space<semaphore_mem>>)
    %add3A_518 = arith.constant 42 : i32
    %add3A_519 = arith.addi %mul3A_0, %add3A_518 : i32
    %dma_start3A_520 = arith.constant 43008 : i32
    %dma_start3A_521 = tpu.memref_slice %arg5[%dma_start3A_520] : memref<65536xf32, #tpu.memory_space<vmem>> -> memref<1024xf32, #tpu.memory_space<vmem>>
    %dma_start3A_522 = arith.constant 0 : i32
    %dma_start3A_523 = tpu.memref_slice %arg4[%arg0, %add3A_519, %dma_start3A_522] : memref<2x1024x1024xf32, #tpu.memory_space<hbm>> -> memref<1x1x1024xf32, #tpu.memory_space<hbm>>
    %dma_start3A_524 = tpu.memref_squeeze %dma_start3A_523 : memref<1x1x1024xf32, #tpu.memory_space<hbm>> -> memref<1024xf32, #tpu.memory_space<hbm>>
    %dma_start3A_525 = arith.constant 0 : i32
    %dma_start3A_526 = tpu.memref_slice %arg4[%arg0, %add3A_519, %dma_start3A_525] : memref<2x1024x1024xf32, #tpu.memory_space<hbm>> -> memref<1x1x1024xf32, #tpu.memory_space<hbm>>
    %dma_start3A_527 = tpu.memref_squeeze %dma_start3A_526 : memref<1x1x1024xf32, #tpu.memory_space<hbm>> -> memref<1024xf32, #tpu.memory_space<hbm>>
    %dma_start3A_528 = arith.constant 43008 : i32
    %dma_start3A_529 = tpu.memref_slice %arg5[%dma_start3A_528] : memref<65536xf32, #tpu.memory_space<vmem>> -> memref<1024xf32, #tpu.memory_space<vmem>>
    tpu.enqueue_dma source(%dma_start3A_529 : memref<1024xf32, #tpu.memory_space<vmem>>) target(%dma_start3A_527 : memref<1024xf32, #tpu.memory_space<hbm>>) target_semaphore(%arg8 : memref<!tpu.dma_semaphore, #tpu.memory_space<semaphore_mem>>)
    %add3A_530 = arith.constant 43 : i32
    %add3A_531 = arith.addi %mul3A_0, %add3A_530 : i32
    %dma_start3A_532 = arith.constant 44032 : i32
    %dma_start3A_533 = tpu.memref_slice %arg5[%dma_start3A_532] : memref<65536xf32, #tpu.memory_space<vmem>> -> memref<1024xf32, #tpu.memory_space<vmem>>
    %dma_start3A_534 = arith.constant 0 : i32
    %dma_start3A_535 = tpu.memref_slice %arg4[%arg0, %add3A_531, %dma_start3A_534] : memref<2x1024x1024xf32, #tpu.memory_space<hbm>> -> memref<1x1x1024xf32, #tpu.memory_space<hbm>>
    %dma_start3A_536 = tpu.memref_squeeze %dma_start3A_535 : memref<1x1x1024xf32, #tpu.memory_space<hbm>> -> memref<1024xf32, #tpu.memory_space<hbm>>
    %dma_start3A_537 = arith.constant 0 : i32
    %dma_start3A_538 = tpu.memref_slice %arg4[%arg0, %add3A_531, %dma_start3A_537] : memref<2x1024x1024xf32, #tpu.memory_space<hbm>> -> memref<1x1x1024xf32, #tpu.memory_space<hbm>>
    %dma_start3A_539 = tpu.memref_squeeze %dma_start3A_538 : memref<1x1x1024xf32, #tpu.memory_space<hbm>> -> memref<1024xf32, #tpu.memory_space<hbm>>
    %dma_start3A_540 = arith.constant 44032 : i32
    %dma_start3A_541 = tpu.memref_slice %arg5[%dma_start3A_540] : memref<65536xf32, #tpu.memory_space<vmem>> -> memref<1024xf32, #tpu.memory_space<vmem>>
    tpu.enqueue_dma source(%dma_start3A_541 : memref<1024xf32, #tpu.memory_space<vmem>>) target(%dma_start3A_539 : memref<1024xf32, #tpu.memory_space<hbm>>) target_semaphore(%arg8 : memref<!tpu.dma_semaphore, #tpu.memory_space<semaphore_mem>>)
    %add3A_542 = arith.constant 44 : i32
    %add3A_543 = arith.addi %mul3A_0, %add3A_542 : i32
    %dma_start3A_544 = arith.constant 45056 : i32
    %dma_start3A_545 = tpu.memref_slice %arg5[%dma_start3A_544] : memref<65536xf32, #tpu.memory_space<vmem>> -> memref<1024xf32, #tpu.memory_space<vmem>>
    %dma_start3A_546 = arith.constant 0 : i32
    %dma_start3A_547 = tpu.memref_slice %arg4[%arg0, %add3A_543, %dma_start3A_546] : memref<2x1024x1024xf32, #tpu.memory_space<hbm>> -> memref<1x1x1024xf32, #tpu.memory_space<hbm>>
    %dma_start3A_548 = tpu.memref_squeeze %dma_start3A_547 : memref<1x1x1024xf32, #tpu.memory_space<hbm>> -> memref<1024xf32, #tpu.memory_space<hbm>>
    %dma_start3A_549 = arith.constant 0 : i32
    %dma_start3A_550 = tpu.memref_slice %arg4[%arg0, %add3A_543, %dma_start3A_549] : memref<2x1024x1024xf32, #tpu.memory_space<hbm>> -> memref<1x1x1024xf32, #tpu.memory_space<hbm>>
    %dma_start3A_551 = tpu.memref_squeeze %dma_start3A_550 : memref<1x1x1024xf32, #tpu.memory_space<hbm>> -> memref<1024xf32, #tpu.memory_space<hbm>>
    %dma_start3A_552 = arith.constant 45056 : i32
    %dma_start3A_553 = tpu.memref_slice %arg5[%dma_start3A_552] : memref<65536xf32, #tpu.memory_space<vmem>> -> memref<1024xf32, #tpu.memory_space<vmem>>
    tpu.enqueue_dma source(%dma_start3A_553 : memref<1024xf32, #tpu.memory_space<vmem>>) target(%dma_start3A_551 : memref<1024xf32, #tpu.memory_space<hbm>>) target_semaphore(%arg8 : memref<!tpu.dma_semaphore, #tpu.memory_space<semaphore_mem>>)
    %add3A_554 = arith.constant 45 : i32
    %add3A_555 = arith.addi %mul3A_0, %add3A_554 : i32
    %dma_start3A_556 = arith.constant 46080 : i32
    %dma_start3A_557 = tpu.memref_slice %arg5[%dma_start3A_556] : memref<65536xf32, #tpu.memory_space<vmem>> -> memref<1024xf32, #tpu.memory_space<vmem>>
    %dma_start3A_558 = arith.constant 0 : i32
    %dma_start3A_559 = tpu.memref_slice %arg4[%arg0, %add3A_555, %dma_start3A_558] : memref<2x1024x1024xf32, #tpu.memory_space<hbm>> -> memref<1x1x1024xf32, #tpu.memory_space<hbm>>
    %dma_start3A_560 = tpu.memref_squeeze %dma_start3A_559 : memref<1x1x1024xf32, #tpu.memory_space<hbm>> -> memref<1024xf32, #tpu.memory_space<hbm>>
    %dma_start3A_561 = arith.constant 0 : i32
    %dma_start3A_562 = tpu.memref_slice %arg4[%arg0, %add3A_555, %dma_start3A_561] : memref<2x1024x1024xf32, #tpu.memory_space<hbm>> -> memref<1x1x1024xf32, #tpu.memory_space<hbm>>
    %dma_start3A_563 = tpu.memref_squeeze %dma_start3A_562 : memref<1x1x1024xf32, #tpu.memory_space<hbm>> -> memref<1024xf32, #tpu.memory_space<hbm>>
    %dma_start3A_564 = arith.constant 46080 : i32
    %dma_start3A_565 = tpu.memref_slice %arg5[%dma_start3A_564] : memref<65536xf32, #tpu.memory_space<vmem>> -> memref<1024xf32, #tpu.memory_space<vmem>>
    tpu.enqueue_dma source(%dma_start3A_565 : memref<1024xf32, #tpu.memory_space<vmem>>) target(%dma_start3A_563 : memref<1024xf32, #tpu.memory_space<hbm>>) target_semaphore(%arg8 : memref<!tpu.dma_semaphore, #tpu.memory_space<semaphore_mem>>)
    %add3A_566 = arith.constant 46 : i32
    %add3A_567 = arith.addi %mul3A_0, %add3A_566 : i32
    %dma_start3A_568 = arith.constant 47104 : i32
    %dma_start3A_569 = tpu.memref_slice %arg5[%dma_start3A_568] : memref<65536xf32, #tpu.memory_space<vmem>> -> memref<1024xf32, #tpu.memory_space<vmem>>
    %dma_start3A_570 = arith.constant 0 : i32
    %dma_start3A_571 = tpu.memref_slice %arg4[%arg0, %add3A_567, %dma_start3A_570] : memref<2x1024x1024xf32, #tpu.memory_space<hbm>> -> memref<1x1x1024xf32, #tpu.memory_space<hbm>>
    %dma_start3A_572 = tpu.memref_squeeze %dma_start3A_571 : memref<1x1x1024xf32, #tpu.memory_space<hbm>> -> memref<1024xf32, #tpu.memory_space<hbm>>
    %dma_start3A_573 = arith.constant 0 : i32
    %dma_start3A_574 = tpu.memref_slice %arg4[%arg0, %add3A_567, %dma_start3A_573] : memref<2x1024x1024xf32, #tpu.memory_space<hbm>> -> memref<1x1x1024xf32, #tpu.memory_space<hbm>>
    %dma_start3A_575 = tpu.memref_squeeze %dma_start3A_574 : memref<1x1x1024xf32, #tpu.memory_space<hbm>> -> memref<1024xf32, #tpu.memory_space<hbm>>
    %dma_start3A_576 = arith.constant 47104 : i32
    %dma_start3A_577 = tpu.memref_slice %arg5[%dma_start3A_576] : memref<65536xf32, #tpu.memory_space<vmem>> -> memref<1024xf32, #tpu.memory_space<vmem>>
    tpu.enqueue_dma source(%dma_start3A_577 : memref<1024xf32, #tpu.memory_space<vmem>>) target(%dma_start3A_575 : memref<1024xf32, #tpu.memory_space<hbm>>) target_semaphore(%arg8 : memref<!tpu.dma_semaphore, #tpu.memory_space<semaphore_mem>>)
    %add3A_578 = arith.constant 47 : i32
    %add3A_579 = arith.addi %mul3A_0, %add3A_578 : i32
    %dma_start3A_580 = arith.constant 48128 : i32
    %dma_start3A_581 = tpu.memref_slice %arg5[%dma_start3A_580] : memref<65536xf32, #tpu.memory_space<vmem>> -> memref<1024xf32, #tpu.memory_space<vmem>>
    %dma_start3A_582 = arith.constant 0 : i32
    %dma_start3A_583 = tpu.memref_slice %arg4[%arg0, %add3A_579, %dma_start3A_582] : memref<2x1024x1024xf32, #tpu.memory_space<hbm>> -> memref<1x1x1024xf32, #tpu.memory_space<hbm>>
    %dma_start3A_584 = tpu.memref_squeeze %dma_start3A_583 : memref<1x1x1024xf32, #tpu.memory_space<hbm>> -> memref<1024xf32, #tpu.memory_space<hbm>>
    %dma_start3A_585 = arith.constant 0 : i32
    %dma_start3A_586 = tpu.memref_slice %arg4[%arg0, %add3A_579, %dma_start3A_585] : memref<2x1024x1024xf32, #tpu.memory_space<hbm>> -> memref<1x1x1024xf32, #tpu.memory_space<hbm>>
    %dma_start3A_587 = tpu.memref_squeeze %dma_start3A_586 : memref<1x1x1024xf32, #tpu.memory_space<hbm>> -> memref<1024xf32, #tpu.memory_space<hbm>>
    %dma_start3A_588 = arith.constant 48128 : i32
    %dma_start3A_589 = tpu.memref_slice %arg5[%dma_start3A_588] : memref<65536xf32, #tpu.memory_space<vmem>> -> memref<1024xf32, #tpu.memory_space<vmem>>
    tpu.enqueue_dma source(%dma_start3A_589 : memref<1024xf32, #tpu.memory_space<vmem>>) target(%dma_start3A_587 : memref<1024xf32, #tpu.memory_space<hbm>>) target_semaphore(%arg8 : memref<!tpu.dma_semaphore, #tpu.memory_space<semaphore_mem>>)
    %add3A_590 = arith.constant 48 : i32
    %add3A_591 = arith.addi %mul3A_0, %add3A_590 : i32
    %dma_start3A_592 = arith.constant 49152 : i32
    %dma_start3A_593 = tpu.memref_slice %arg5[%dma_start3A_592] : memref<65536xf32, #tpu.memory_space<vmem>> -> memref<1024xf32, #tpu.memory_space<vmem>>
    %dma_start3A_594 = arith.constant 0 : i32
    %dma_start3A_595 = tpu.memref_slice %arg4[%arg0, %add3A_591, %dma_start3A_594] : memref<2x1024x1024xf32, #tpu.memory_space<hbm>> -> memref<1x1x1024xf32, #tpu.memory_space<hbm>>
    %dma_start3A_596 = tpu.memref_squeeze %dma_start3A_595 : memref<1x1x1024xf32, #tpu.memory_space<hbm>> -> memref<1024xf32, #tpu.memory_space<hbm>>
    %dma_start3A_597 = arith.constant 0 : i32
    %dma_start3A_598 = tpu.memref_slice %arg4[%arg0, %add3A_591, %dma_start3A_597] : memref<2x1024x1024xf32, #tpu.memory_space<hbm>> -> memref<1x1x1024xf32, #tpu.memory_space<hbm>>
    %dma_start3A_599 = tpu.memref_squeeze %dma_start3A_598 : memref<1x1x1024xf32, #tpu.memory_space<hbm>> -> memref<1024xf32, #tpu.memory_space<hbm>>
    %dma_start3A_600 = arith.constant 49152 : i32
    %dma_start3A_601 = tpu.memref_slice %arg5[%dma_start3A_600] : memref<65536xf32, #tpu.memory_space<vmem>> -> memref<1024xf32, #tpu.memory_space<vmem>>
    tpu.enqueue_dma source(%dma_start3A_601 : memref<1024xf32, #tpu.memory_space<vmem>>) target(%dma_start3A_599 : memref<1024xf32, #tpu.memory_space<hbm>>) target_semaphore(%arg8 : memref<!tpu.dma_semaphore, #tpu.memory_space<semaphore_mem>>)
    %add3A_602 = arith.constant 49 : i32
    %add3A_603 = arith.addi %mul3A_0, %add3A_602 : i32
    %dma_start3A_604 = arith.constant 50176 : i32
    %dma_start3A_605 = tpu.memref_slice %arg5[%dma_start3A_604] : memref<65536xf32, #tpu.memory_space<vmem>> -> memref<1024xf32, #tpu.memory_space<vmem>>
    %dma_start3A_606 = arith.constant 0 : i32
    %dma_start3A_607 = tpu.memref_slice %arg4[%arg0, %add3A_603, %dma_start3A_606] : memref<2x1024x1024xf32, #tpu.memory_space<hbm>> -> memref<1x1x1024xf32, #tpu.memory_space<hbm>>
    %dma_start3A_608 = tpu.memref_squeeze %dma_start3A_607 : memref<1x1x1024xf32, #tpu.memory_space<hbm>> -> memref<1024xf32, #tpu.memory_space<hbm>>
    %dma_start3A_609 = arith.constant 0 : i32
    %dma_start3A_610 = tpu.memref_slice %arg4[%arg0, %add3A_603, %dma_start3A_609] : memref<2x1024x1024xf32, #tpu.memory_space<hbm>> -> memref<1x1x1024xf32, #tpu.memory_space<hbm>>
    %dma_start3A_611 = tpu.memref_squeeze %dma_start3A_610 : memref<1x1x1024xf32, #tpu.memory_space<hbm>> -> memref<1024xf32, #tpu.memory_space<hbm>>
    %dma_start3A_612 = arith.constant 50176 : i32
    %dma_start3A_613 = tpu.memref_slice %arg5[%dma_start3A_612] : memref<65536xf32, #tpu.memory_space<vmem>> -> memref<1024xf32, #tpu.memory_space<vmem>>
    tpu.enqueue_dma source(%dma_start3A_613 : memref<1024xf32, #tpu.memory_space<vmem>>) target(%dma_start3A_611 : memref<1024xf32, #tpu.memory_space<hbm>>) target_semaphore(%arg8 : memref<!tpu.dma_semaphore, #tpu.memory_space<semaphore_mem>>)
    %add3A_614 = arith.constant 50 : i32
    %add3A_615 = arith.addi %mul3A_0, %add3A_614 : i32
    %dma_start3A_616 = arith.constant 51200 : i32
    %dma_start3A_617 = tpu.memref_slice %arg5[%dma_start3A_616] : memref<65536xf32, #tpu.memory_space<vmem>> -> memref<1024xf32, #tpu.memory_space<vmem>>
    %dma_start3A_618 = arith.constant 0 : i32
    %dma_start3A_619 = tpu.memref_slice %arg4[%arg0, %add3A_615, %dma_start3A_618] : memref<2x1024x1024xf32, #tpu.memory_space<hbm>> -> memref<1x1x1024xf32, #tpu.memory_space<hbm>>
    %dma_start3A_620 = tpu.memref_squeeze %dma_start3A_619 : memref<1x1x1024xf32, #tpu.memory_space<hbm>> -> memref<1024xf32, #tpu.memory_space<hbm>>
    %dma_start3A_621 = arith.constant 0 : i32
    %dma_start3A_622 = tpu.memref_slice %arg4[%arg0, %add3A_615, %dma_start3A_621] : memref<2x1024x1024xf32, #tpu.memory_space<hbm>> -> memref<1x1x1024xf32, #tpu.memory_space<hbm>>
    %dma_start3A_623 = tpu.memref_squeeze %dma_start3A_622 : memref<1x1x1024xf32, #tpu.memory_space<hbm>> -> memref<1024xf32, #tpu.memory_space<hbm>>
    %dma_start3A_624 = arith.constant 51200 : i32
    %dma_start3A_625 = tpu.memref_slice %arg5[%dma_start3A_624] : memref<65536xf32, #tpu.memory_space<vmem>> -> memref<1024xf32, #tpu.memory_space<vmem>>
    tpu.enqueue_dma source(%dma_start3A_625 : memref<1024xf32, #tpu.memory_space<vmem>>) target(%dma_start3A_623 : memref<1024xf32, #tpu.memory_space<hbm>>) target_semaphore(%arg8 : memref<!tpu.dma_semaphore, #tpu.memory_space<semaphore_mem>>)
    %add3A_626 = arith.constant 51 : i32
    %add3A_627 = arith.addi %mul3A_0, %add3A_626 : i32
    %dma_start3A_628 = arith.constant 52224 : i32
    %dma_start3A_629 = tpu.memref_slice %arg5[%dma_start3A_628] : memref<65536xf32, #tpu.memory_space<vmem>> -> memref<1024xf32, #tpu.memory_space<vmem>>
    %dma_start3A_630 = arith.constant 0 : i32
    %dma_start3A_631 = tpu.memref_slice %arg4[%arg0, %add3A_627, %dma_start3A_630] : memref<2x1024x1024xf32, #tpu.memory_space<hbm>> -> memref<1x1x1024xf32, #tpu.memory_space<hbm>>
    %dma_start3A_632 = tpu.memref_squeeze %dma_start3A_631 : memref<1x1x1024xf32, #tpu.memory_space<hbm>> -> memref<1024xf32, #tpu.memory_space<hbm>>
    %dma_start3A_633 = arith.constant 0 : i32
    %dma_start3A_634 = tpu.memref_slice %arg4[%arg0, %add3A_627, %dma_start3A_633] : memref<2x1024x1024xf32, #tpu.memory_space<hbm>> -> memref<1x1x1024xf32, #tpu.memory_space<hbm>>
    %dma_start3A_635 = tpu.memref_squeeze %dma_start3A_634 : memref<1x1x1024xf32, #tpu.memory_space<hbm>> -> memref<1024xf32, #tpu.memory_space<hbm>>
    %dma_start3A_636 = arith.constant 52224 : i32
    %dma_start3A_637 = tpu.memref_slice %arg5[%dma_start3A_636] : memref<65536xf32, #tpu.memory_space<vmem>> -> memref<1024xf32, #tpu.memory_space<vmem>>
    tpu.enqueue_dma source(%dma_start3A_637 : memref<1024xf32, #tpu.memory_space<vmem>>) target(%dma_start3A_635 : memref<1024xf32, #tpu.memory_space<hbm>>) target_semaphore(%arg8 : memref<!tpu.dma_semaphore, #tpu.memory_space<semaphore_mem>>)
    %add3A_638 = arith.constant 52 : i32
    %add3A_639 = arith.addi %mul3A_0, %add3A_638 : i32
    %dma_start3A_640 = arith.constant 53248 : i32
    %dma_start3A_641 = tpu.memref_slice %arg5[%dma_start3A_640] : memref<65536xf32, #tpu.memory_space<vmem>> -> memref<1024xf32, #tpu.memory_space<vmem>>
    %dma_start3A_642 = arith.constant 0 : i32
    %dma_start3A_643 = tpu.memref_slice %arg4[%arg0, %add3A_639, %dma_start3A_642] : memref<2x1024x1024xf32, #tpu.memory_space<hbm>> -> memref<1x1x1024xf32, #tpu.memory_space<hbm>>
    %dma_start3A_644 = tpu.memref_squeeze %dma_start3A_643 : memref<1x1x1024xf32, #tpu.memory_space<hbm>> -> memref<1024xf32, #tpu.memory_space<hbm>>
    %dma_start3A_645 = arith.constant 0 : i32
    %dma_start3A_646 = tpu.memref_slice %arg4[%arg0, %add3A_639, %dma_start3A_645] : memref<2x1024x1024xf32, #tpu.memory_space<hbm>> -> memref<1x1x1024xf32, #tpu.memory_space<hbm>>
    %dma_start3A_647 = tpu.memref_squeeze %dma_start3A_646 : memref<1x1x1024xf32, #tpu.memory_space<hbm>> -> memref<1024xf32, #tpu.memory_space<hbm>>
    %dma_start3A_648 = arith.constant 53248 : i32
    %dma_start3A_649 = tpu.memref_slice %arg5[%dma_start3A_648] : memref<65536xf32, #tpu.memory_space<vmem>> -> memref<1024xf32, #tpu.memory_space<vmem>>
    tpu.enqueue_dma source(%dma_start3A_649 : memref<1024xf32, #tpu.memory_space<vmem>>) target(%dma_start3A_647 : memref<1024xf32, #tpu.memory_space<hbm>>) target_semaphore(%arg8 : memref<!tpu.dma_semaphore, #tpu.memory_space<semaphore_mem>>)
    %add3A_650 = arith.constant 53 : i32
    %add3A_651 = arith.addi %mul3A_0, %add3A_650 : i32
    %dma_start3A_652 = arith.constant 54272 : i32
    %dma_start3A_653 = tpu.memref_slice %arg5[%dma_start3A_652] : memref<65536xf32, #tpu.memory_space<vmem>> -> memref<1024xf32, #tpu.memory_space<vmem>>
    %dma_start3A_654 = arith.constant 0 : i32
    %dma_start3A_655 = tpu.memref_slice %arg4[%arg0, %add3A_651, %dma_start3A_654] : memref<2x1024x1024xf32, #tpu.memory_space<hbm>> -> memref<1x1x1024xf32, #tpu.memory_space<hbm>>
    %dma_start3A_656 = tpu.memref_squeeze %dma_start3A_655 : memref<1x1x1024xf32, #tpu.memory_space<hbm>> -> memref<1024xf32, #tpu.memory_space<hbm>>
    %dma_start3A_657 = arith.constant 0 : i32
    %dma_start3A_658 = tpu.memref_slice %arg4[%arg0, %add3A_651, %dma_start3A_657] : memref<2x1024x1024xf32, #tpu.memory_space<hbm>> -> memref<1x1x1024xf32, #tpu.memory_space<hbm>>
    %dma_start3A_659 = tpu.memref_squeeze %dma_start3A_658 : memref<1x1x1024xf32, #tpu.memory_space<hbm>> -> memref<1024xf32, #tpu.memory_space<hbm>>
    %dma_start3A_660 = arith.constant 54272 : i32
    %dma_start3A_661 = tpu.memref_slice %arg5[%dma_start3A_660] : memref<65536xf32, #tpu.memory_space<vmem>> -> memref<1024xf32, #tpu.memory_space<vmem>>
    tpu.enqueue_dma source(%dma_start3A_661 : memref<1024xf32, #tpu.memory_space<vmem>>) target(%dma_start3A_659 : memref<1024xf32, #tpu.memory_space<hbm>>) target_semaphore(%arg8 : memref<!tpu.dma_semaphore, #tpu.memory_space<semaphore_mem>>)
    %add3A_662 = arith.constant 54 : i32
    %add3A_663 = arith.addi %mul3A_0, %add3A_662 : i32
    %dma_start3A_664 = arith.constant 55296 : i32
    %dma_start3A_665 = tpu.memref_slice %arg5[%dma_start3A_664] : memref<65536xf32, #tpu.memory_space<vmem>> -> memref<1024xf32, #tpu.memory_space<vmem>>
    %dma_start3A_666 = arith.constant 0 : i32
    %dma_start3A_667 = tpu.memref_slice %arg4[%arg0, %add3A_663, %dma_start3A_666] : memref<2x1024x1024xf32, #tpu.memory_space<hbm>> -> memref<1x1x1024xf32, #tpu.memory_space<hbm>>
    %dma_start3A_668 = tpu.memref_squeeze %dma_start3A_667 : memref<1x1x1024xf32, #tpu.memory_space<hbm>> -> memref<1024xf32, #tpu.memory_space<hbm>>
    %dma_start3A_669 = arith.constant 0 : i32
    %dma_start3A_670 = tpu.memref_slice %arg4[%arg0, %add3A_663, %dma_start3A_669] : memref<2x1024x1024xf32, #tpu.memory_space<hbm>> -> memref<1x1x1024xf32, #tpu.memory_space<hbm>>
    %dma_start3A_671 = tpu.memref_squeeze %dma_start3A_670 : memref<1x1x1024xf32, #tpu.memory_space<hbm>> -> memref<1024xf32, #tpu.memory_space<hbm>>
    %dma_start3A_672 = arith.constant 55296 : i32
    %dma_start3A_673 = tpu.memref_slice %arg5[%dma_start3A_672] : memref<65536xf32, #tpu.memory_space<vmem>> -> memref<1024xf32, #tpu.memory_space<vmem>>
    tpu.enqueue_dma source(%dma_start3A_673 : memref<1024xf32, #tpu.memory_space<vmem>>) target(%dma_start3A_671 : memref<1024xf32, #tpu.memory_space<hbm>>) target_semaphore(%arg8 : memref<!tpu.dma_semaphore, #tpu.memory_space<semaphore_mem>>)
    %add3A_674 = arith.constant 55 : i32
    %add3A_675 = arith.addi %mul3A_0, %add3A_674 : i32
    %dma_start3A_676 = arith.constant 56320 : i32
    %dma_start3A_677 = tpu.memref_slice %arg5[%dma_start3A_676] : memref<65536xf32, #tpu.memory_space<vmem>> -> memref<1024xf32, #tpu.memory_space<vmem>>
    %dma_start3A_678 = arith.constant 0 : i32
    %dma_start3A_679 = tpu.memref_slice %arg4[%arg0, %add3A_675, %dma_start3A_678] : memref<2x1024x1024xf32, #tpu.memory_space<hbm>> -> memref<1x1x1024xf32, #tpu.memory_space<hbm>>
    %dma_start3A_680 = tpu.memref_squeeze %dma_start3A_679 : memref<1x1x1024xf32, #tpu.memory_space<hbm>> -> memref<1024xf32, #tpu.memory_space<hbm>>
    %dma_start3A_681 = arith.constant 0 : i32
    %dma_start3A_682 = tpu.memref_slice %arg4[%arg0, %add3A_675, %dma_start3A_681] : memref<2x1024x1024xf32, #tpu.memory_space<hbm>> -> memref<1x1x1024xf32, #tpu.memory_space<hbm>>
    %dma_start3A_683 = tpu.memref_squeeze %dma_start3A_682 : memref<1x1x1024xf32, #tpu.memory_space<hbm>> -> memref<1024xf32, #tpu.memory_space<hbm>>
    %dma_start3A_684 = arith.constant 56320 : i32
    %dma_start3A_685 = tpu.memref_slice %arg5[%dma_start3A_684] : memref<65536xf32, #tpu.memory_space<vmem>> -> memref<1024xf32, #tpu.memory_space<vmem>>
    tpu.enqueue_dma source(%dma_start3A_685 : memref<1024xf32, #tpu.memory_space<vmem>>) target(%dma_start3A_683 : memref<1024xf32, #tpu.memory_space<hbm>>) target_semaphore(%arg8 : memref<!tpu.dma_semaphore, #tpu.memory_space<semaphore_mem>>)
    %add3A_686 = arith.constant 56 : i32
    %add3A_687 = arith.addi %mul3A_0, %add3A_686 : i32
    %dma_start3A_688 = arith.constant 57344 : i32
    %dma_start3A_689 = tpu.memref_slice %arg5[%dma_start3A_688] : memref<65536xf32, #tpu.memory_space<vmem>> -> memref<1024xf32, #tpu.memory_space<vmem>>
    %dma_start3A_690 = arith.constant 0 : i32
    %dma_start3A_691 = tpu.memref_slice %arg4[%arg0, %add3A_687, %dma_start3A_690] : memref<2x1024x1024xf32, #tpu.memory_space<hbm>> -> memref<1x1x1024xf32, #tpu.memory_space<hbm>>
    %dma_start3A_692 = tpu.memref_squeeze %dma_start3A_691 : memref<1x1x1024xf32, #tpu.memory_space<hbm>> -> memref<1024xf32, #tpu.memory_space<hbm>>
    %dma_start3A_693 = arith.constant 0 : i32
    %dma_start3A_694 = tpu.memref_slice %arg4[%arg0, %add3A_687, %dma_start3A_693] : memref<2x1024x1024xf32, #tpu.memory_space<hbm>> -> memref<1x1x1024xf32, #tpu.memory_space<hbm>>
    %dma_start3A_695 = tpu.memref_squeeze %dma_start3A_694 : memref<1x1x1024xf32, #tpu.memory_space<hbm>> -> memref<1024xf32, #tpu.memory_space<hbm>>
    %dma_start3A_696 = arith.constant 57344 : i32
    %dma_start3A_697 = tpu.memref_slice %arg5[%dma_start3A_696] : memref<65536xf32, #tpu.memory_space<vmem>> -> memref<1024xf32, #tpu.memory_space<vmem>>
    tpu.enqueue_dma source(%dma_start3A_697 : memref<1024xf32, #tpu.memory_space<vmem>>) target(%dma_start3A_695 : memref<1024xf32, #tpu.memory_space<hbm>>) target_semaphore(%arg8 : memref<!tpu.dma_semaphore, #tpu.memory_space<semaphore_mem>>)
    %add3A_698 = arith.constant 57 : i32
    %add3A_699 = arith.addi %mul3A_0, %add3A_698 : i32
    %dma_start3A_700 = arith.constant 58368 : i32
    %dma_start3A_701 = tpu.memref_slice %arg5[%dma_start3A_700] : memref<65536xf32, #tpu.memory_space<vmem>> -> memref<1024xf32, #tpu.memory_space<vmem>>
    %dma_start3A_702 = arith.constant 0 : i32
    %dma_start3A_703 = tpu.memref_slice %arg4[%arg0, %add3A_699, %dma_start3A_702] : memref<2x1024x1024xf32, #tpu.memory_space<hbm>> -> memref<1x1x1024xf32, #tpu.memory_space<hbm>>
    %dma_start3A_704 = tpu.memref_squeeze %dma_start3A_703 : memref<1x1x1024xf32, #tpu.memory_space<hbm>> -> memref<1024xf32, #tpu.memory_space<hbm>>
    %dma_start3A_705 = arith.constant 0 : i32
    %dma_start3A_706 = tpu.memref_slice %arg4[%arg0, %add3A_699, %dma_start3A_705] : memref<2x1024x1024xf32, #tpu.memory_space<hbm>> -> memref<1x1x1024xf32, #tpu.memory_space<hbm>>
    %dma_start3A_707 = tpu.memref_squeeze %dma_start3A_706 : memref<1x1x1024xf32, #tpu.memory_space<hbm>> -> memref<1024xf32, #tpu.memory_space<hbm>>
    %dma_start3A_708 = arith.constant 58368 : i32
    %dma_start3A_709 = tpu.memref_slice %arg5[%dma_start3A_708] : memref<65536xf32, #tpu.memory_space<vmem>> -> memref<1024xf32, #tpu.memory_space<vmem>>
    tpu.enqueue_dma source(%dma_start3A_709 : memref<1024xf32, #tpu.memory_space<vmem>>) target(%dma_start3A_707 : memref<1024xf32, #tpu.memory_space<hbm>>) target_semaphore(%arg8 : memref<!tpu.dma_semaphore, #tpu.memory_space<semaphore_mem>>)
    %add3A_710 = arith.constant 58 : i32
    %add3A_711 = arith.addi %mul3A_0, %add3A_710 : i32
    %dma_start3A_712 = arith.constant 59392 : i32
    %dma_start3A_713 = tpu.memref_slice %arg5[%dma_start3A_712] : memref<65536xf32, #tpu.memory_space<vmem>> -> memref<1024xf32, #tpu.memory_space<vmem>>
    %dma_start3A_714 = arith.constant 0 : i32
    %dma_start3A_715 = tpu.memref_slice %arg4[%arg0, %add3A_711, %dma_start3A_714] : memref<2x1024x1024xf32, #tpu.memory_space<hbm>> -> memref<1x1x1024xf32, #tpu.memory_space<hbm>>
    %dma_start3A_716 = tpu.memref_squeeze %dma_start3A_715 : memref<1x1x1024xf32, #tpu.memory_space<hbm>> -> memref<1024xf32, #tpu.memory_space<hbm>>
    %dma_start3A_717 = arith.constant 0 : i32
    %dma_start3A_718 = tpu.memref_slice %arg4[%arg0, %add3A_711, %dma_start3A_717] : memref<2x1024x1024xf32, #tpu.memory_space<hbm>> -> memref<1x1x1024xf32, #tpu.memory_space<hbm>>
    %dma_start3A_719 = tpu.memref_squeeze %dma_start3A_718 : memref<1x1x1024xf32, #tpu.memory_space<hbm>> -> memref<1024xf32, #tpu.memory_space<hbm>>
    %dma_start3A_720 = arith.constant 59392 : i32
    %dma_start3A_721 = tpu.memref_slice %arg5[%dma_start3A_720] : memref<65536xf32, #tpu.memory_space<vmem>> -> memref<1024xf32, #tpu.memory_space<vmem>>
    tpu.enqueue_dma source(%dma_start3A_721 : memref<1024xf32, #tpu.memory_space<vmem>>) target(%dma_start3A_719 : memref<1024xf32, #tpu.memory_space<hbm>>) target_semaphore(%arg8 : memref<!tpu.dma_semaphore, #tpu.memory_space<semaphore_mem>>)
    %add3A_722 = arith.constant 59 : i32
    %add3A_723 = arith.addi %mul3A_0, %add3A_722 : i32
    %dma_start3A_724 = arith.constant 60416 : i32
    %dma_start3A_725 = tpu.memref_slice %arg5[%dma_start3A_724] : memref<65536xf32, #tpu.memory_space<vmem>> -> memref<1024xf32, #tpu.memory_space<vmem>>
    %dma_start3A_726 = arith.constant 0 : i32
    %dma_start3A_727 = tpu.memref_slice %arg4[%arg0, %add3A_723, %dma_start3A_726] : memref<2x1024x1024xf32, #tpu.memory_space<hbm>> -> memref<1x1x1024xf32, #tpu.memory_space<hbm>>
    %dma_start3A_728 = tpu.memref_squeeze %dma_start3A_727 : memref<1x1x1024xf32, #tpu.memory_space<hbm>> -> memref<1024xf32, #tpu.memory_space<hbm>>
    %dma_start3A_729 = arith.constant 0 : i32
    %dma_start3A_730 = tpu.memref_slice %arg4[%arg0, %add3A_723, %dma_start3A_729] : memref<2x1024x1024xf32, #tpu.memory_space<hbm>> -> memref<1x1x1024xf32, #tpu.memory_space<hbm>>
    %dma_start3A_731 = tpu.memref_squeeze %dma_start3A_730 : memref<1x1x1024xf32, #tpu.memory_space<hbm>> -> memref<1024xf32, #tpu.memory_space<hbm>>
    %dma_start3A_732 = arith.constant 60416 : i32
    %dma_start3A_733 = tpu.memref_slice %arg5[%dma_start3A_732] : memref<65536xf32, #tpu.memory_space<vmem>> -> memref<1024xf32, #tpu.memory_space<vmem>>
    tpu.enqueue_dma source(%dma_start3A_733 : memref<1024xf32, #tpu.memory_space<vmem>>) target(%dma_start3A_731 : memref<1024xf32, #tpu.memory_space<hbm>>) target_semaphore(%arg8 : memref<!tpu.dma_semaphore, #tpu.memory_space<semaphore_mem>>)
    %add3A_734 = arith.constant 60 : i32
    %add3A_735 = arith.addi %mul3A_0, %add3A_734 : i32
    %dma_start3A_736 = arith.constant 61440 : i32
    %dma_start3A_737 = tpu.memref_slice %arg5[%dma_start3A_736] : memref<65536xf32, #tpu.memory_space<vmem>> -> memref<1024xf32, #tpu.memory_space<vmem>>
    %dma_start3A_738 = arith.constant 0 : i32
    %dma_start3A_739 = tpu.memref_slice %arg4[%arg0, %add3A_735, %dma_start3A_738] : memref<2x1024x1024xf32, #tpu.memory_space<hbm>> -> memref<1x1x1024xf32, #tpu.memory_space<hbm>>
    %dma_start3A_740 = tpu.memref_squeeze %dma_start3A_739 : memref<1x1x1024xf32, #tpu.memory_space<hbm>> -> memref<1024xf32, #tpu.memory_space<hbm>>
    %dma_start3A_741 = arith.constant 0 : i32
    %dma_start3A_742 = tpu.memref_slice %arg4[%arg0, %add3A_735, %dma_start3A_741] : memref<2x1024x1024xf32, #tpu.memory_space<hbm>> -> memref<1x1x1024xf32, #tpu.memory_space<hbm>>
    %dma_start3A_743 = tpu.memref_squeeze %dma_start3A_742 : memref<1x1x1024xf32, #tpu.memory_space<hbm>> -> memref<1024xf32, #tpu.memory_space<hbm>>
    %dma_start3A_744 = arith.constant 61440 : i32
    %dma_start3A_745 = tpu.memref_slice %arg5[%dma_start3A_744] : memref<65536xf32, #tpu.memory_space<vmem>> -> memref<1024xf32, #tpu.memory_space<vmem>>
    tpu.enqueue_dma source(%dma_start3A_745 : memref<1024xf32, #tpu.memory_space<vmem>>) target(%dma_start3A_743 : memref<1024xf32, #tpu.memory_space<hbm>>) target_semaphore(%arg8 : memref<!tpu.dma_semaphore, #tpu.memory_space<semaphore_mem>>)
    %add3A_746 = arith.constant 61 : i32
    %add3A_747 = arith.addi %mul3A_0, %add3A_746 : i32
    %dma_start3A_748 = arith.constant 62464 : i32
    %dma_start3A_749 = tpu.memref_slice %arg5[%dma_start3A_748] : memref<65536xf32, #tpu.memory_space<vmem>> -> memref<1024xf32, #tpu.memory_space<vmem>>
    %dma_start3A_750 = arith.constant 0 : i32
    %dma_start3A_751 = tpu.memref_slice %arg4[%arg0, %add3A_747, %dma_start3A_750] : memref<2x1024x1024xf32, #tpu.memory_space<hbm>> -> memref<1x1x1024xf32, #tpu.memory_space<hbm>>
    %dma_start3A_752 = tpu.memref_squeeze %dma_start3A_751 : memref<1x1x1024xf32, #tpu.memory_space<hbm>> -> memref<1024xf32, #tpu.memory_space<hbm>>
    %dma_start3A_753 = arith.constant 0 : i32
    %dma_start3A_754 = tpu.memref_slice %arg4[%arg0, %add3A_747, %dma_start3A_753] : memref<2x1024x1024xf32, #tpu.memory_space<hbm>> -> memref<1x1x1024xf32, #tpu.memory_space<hbm>>
    %dma_start3A_755 = tpu.memref_squeeze %dma_start3A_754 : memref<1x1x1024xf32, #tpu.memory_space<hbm>> -> memref<1024xf32, #tpu.memory_space<hbm>>
    %dma_start3A_756 = arith.constant 62464 : i32
    %dma_start3A_757 = tpu.memref_slice %arg5[%dma_start3A_756] : memref<65536xf32, #tpu.memory_space<vmem>> -> memref<1024xf32, #tpu.memory_space<vmem>>
    tpu.enqueue_dma source(%dma_start3A_757 : memref<1024xf32, #tpu.memory_space<vmem>>) target(%dma_start3A_755 : memref<1024xf32, #tpu.memory_space<hbm>>) target_semaphore(%arg8 : memref<!tpu.dma_semaphore, #tpu.memory_space<semaphore_mem>>)
    %add3A_758 = arith.constant 62 : i32
    %add3A_759 = arith.addi %mul3A_0, %add3A_758 : i32
    %dma_start3A_760 = arith.constant 63488 : i32
    %dma_start3A_761 = tpu.memref_slice %arg5[%dma_start3A_760] : memref<65536xf32, #tpu.memory_space<vmem>> -> memref<1024xf32, #tpu.memory_space<vmem>>
    %dma_start3A_762 = arith.constant 0 : i32
    %dma_start3A_763 = tpu.memref_slice %arg4[%arg0, %add3A_759, %dma_start3A_762] : memref<2x1024x1024xf32, #tpu.memory_space<hbm>> -> memref<1x1x1024xf32, #tpu.memory_space<hbm>>
    %dma_start3A_764 = tpu.memref_squeeze %dma_start3A_763 : memref<1x1x1024xf32, #tpu.memory_space<hbm>> -> memref<1024xf32, #tpu.memory_space<hbm>>
    %dma_start3A_765 = arith.constant 0 : i32
    %dma_start3A_766 = tpu.memref_slice %arg4[%arg0, %add3A_759, %dma_start3A_765] : memref<2x1024x1024xf32, #tpu.memory_space<hbm>> -> memref<1x1x1024xf32, #tpu.memory_space<hbm>>
    %dma_start3A_767 = tpu.memref_squeeze %dma_start3A_766 : memref<1x1x1024xf32, #tpu.memory_space<hbm>> -> memref<1024xf32, #tpu.memory_space<hbm>>
    %dma_start3A_768 = arith.constant 63488 : i32
    %dma_start3A_769 = tpu.memref_slice %arg5[%dma_start3A_768] : memref<65536xf32, #tpu.memory_space<vmem>> -> memref<1024xf32, #tpu.memory_space<vmem>>
    tpu.enqueue_dma source(%dma_start3A_769 : memref<1024xf32, #tpu.memory_space<vmem>>) target(%dma_start3A_767 : memref<1024xf32, #tpu.memory_space<hbm>>) target_semaphore(%arg8 : memref<!tpu.dma_semaphore, #tpu.memory_space<semaphore_mem>>)
    %add3A_770 = arith.constant 63 : i32
    %add3A_771 = arith.addi %mul3A_0, %add3A_770 : i32
    %dma_start3A_772 = arith.constant 64512 : i32
    %dma_start3A_773 = tpu.memref_slice %arg5[%dma_start3A_772] : memref<65536xf32, #tpu.memory_space<vmem>> -> memref<1024xf32, #tpu.memory_space<vmem>>
    %dma_start3A_774 = arith.constant 0 : i32
    %dma_start3A_775 = tpu.memref_slice %arg4[%arg0, %add3A_771, %dma_start3A_774] : memref<2x1024x1024xf32, #tpu.memory_space<hbm>> -> memref<1x1x1024xf32, #tpu.memory_space<hbm>>
    %dma_start3A_776 = tpu.memref_squeeze %dma_start3A_775 : memref<1x1x1024xf32, #tpu.memory_space<hbm>> -> memref<1024xf32, #tpu.memory_space<hbm>>
    %dma_start3A_777 = arith.constant 0 : i32
    %dma_start3A_778 = tpu.memref_slice %arg4[%arg0, %add3A_771, %dma_start3A_777] : memref<2x1024x1024xf32, #tpu.memory_space<hbm>> -> memref<1x1x1024xf32, #tpu.memory_space<hbm>>
    %dma_start3A_779 = tpu.memref_squeeze %dma_start3A_778 : memref<1x1x1024xf32, #tpu.memory_space<hbm>> -> memref<1024xf32, #tpu.memory_space<hbm>>
    %dma_start3A_780 = arith.constant 64512 : i32
    %dma_start3A_781 = tpu.memref_slice %arg5[%dma_start3A_780] : memref<65536xf32, #tpu.memory_space<vmem>> -> memref<1024xf32, #tpu.memory_space<vmem>>
    tpu.enqueue_dma source(%dma_start3A_781 : memref<1024xf32, #tpu.memory_space<vmem>>) target(%dma_start3A_779 : memref<1024xf32, #tpu.memory_space<hbm>>) target_semaphore(%arg8 : memref<!tpu.dma_semaphore, #tpu.memory_space<semaphore_mem>>)
    %dma_wait3A = arith.constant 0 : i32
    %dma_wait3A_782 = tpu.memref_slice %arg5[%dma_wait3A] : memref<65536xf32, #tpu.memory_space<vmem>> -> memref<1024xf32, #tpu.memory_space<vmem>>
    %dma_wait3A_783 = arith.constant 0 : i32
    %dma_wait3A_784 = tpu.memref_slice %arg4[%arg0, %add3A_16, %dma_wait3A_783] : memref<2x1024x1024xf32, #tpu.memory_space<hbm>> -> memref<1x1x1024xf32, #tpu.memory_space<hbm>>
    %dma_wait3A_785 = tpu.memref_squeeze %dma_wait3A_784 : memref<1x1x1024xf32, #tpu.memory_space<hbm>> -> memref<1024xf32, #tpu.memory_space<hbm>>
    %dma_wait3A_786 = arith.constant 0 : i32
    %dma_wait3A_787 = tpu.memref_slice %arg4[%arg0, %add3A_16, %dma_wait3A_786] : memref<2x1024x1024xf32, #tpu.memory_space<hbm>> -> memref<1x1x1024xf32, #tpu.memory_space<hbm>>
    %dma_wait3A_788 = tpu.memref_squeeze %dma_wait3A_787 : memref<1x1x1024xf32, #tpu.memory_space<hbm>> -> memref<1024xf32, #tpu.memory_space<hbm>>
    %dma_wait3A_789 = arith.constant 0 : i32
    %dma_wait3A_790 = tpu.memref_slice %arg5[%dma_wait3A_789] : memref<65536xf32, #tpu.memory_space<vmem>> -> memref<1024xf32, #tpu.memory_space<vmem>>
    tpu.wait_dma2 semaphore(%arg8 : memref<!tpu.dma_semaphore, #tpu.memory_space<semaphore_mem>>) src(%dma_wait3A_790 : memref<1024xf32, #tpu.memory_space<vmem>>) dst(%dma_wait3A_788 : memref<1024xf32, #tpu.memory_space<hbm>>)
    %dma_wait3A_791 = arith.constant 1024 : i32
    %dma_wait3A_792 = tpu.memref_slice %arg5[%dma_wait3A_791] : memref<65536xf32, #tpu.memory_space<vmem>> -> memref<1024xf32, #tpu.memory_space<vmem>>
    %dma_wait3A_793 = arith.constant 0 : i32
    %dma_wait3A_794 = tpu.memref_slice %arg4[%arg0, %add3A_27, %dma_wait3A_793] : memref<2x1024x1024xf32, #tpu.memory_space<hbm>> -> memref<1x1x1024xf32, #tpu.memory_space<hbm>>
    %dma_wait3A_795 = tpu.memref_squeeze %dma_wait3A_794 : memref<1x1x1024xf32, #tpu.memory_space<hbm>> -> memref<1024xf32, #tpu.memory_space<hbm>>
    %dma_wait3A_796 = arith.constant 0 : i32
    %dma_wait3A_797 = tpu.memref_slice %arg4[%arg0, %add3A_27, %dma_wait3A_796] : memref<2x1024x1024xf32, #tpu.memory_space<hbm>> -> memref<1x1x1024xf32, #tpu.memory_space<hbm>>
    %dma_wait3A_798 = tpu.memref_squeeze %dma_wait3A_797 : memref<1x1x1024xf32, #tpu.memory_space<hbm>> -> memref<1024xf32, #tpu.memory_space<hbm>>
    %dma_wait3A_799 = arith.constant 1024 : i32
    %dma_wait3A_800 = tpu.memref_slice %arg5[%dma_wait3A_799] : memref<65536xf32, #tpu.memory_space<vmem>> -> memref<1024xf32, #tpu.memory_space<vmem>>
    tpu.wait_dma2 semaphore(%arg8 : memref<!tpu.dma_semaphore, #tpu.memory_space<semaphore_mem>>) src(%dma_wait3A_800 : memref<1024xf32, #tpu.memory_space<vmem>>) dst(%dma_wait3A_798 : memref<1024xf32, #tpu.memory_space<hbm>>)
    %dma_wait3A_801 = arith.constant 2048 : i32
    %dma_wait3A_802 = tpu.memref_slice %arg5[%dma_wait3A_801] : memref<65536xf32, #tpu.memory_space<vmem>> -> memref<1024xf32, #tpu.memory_space<vmem>>
    %dma_wait3A_803 = arith.constant 0 : i32
    %dma_wait3A_804 = tpu.memref_slice %arg4[%arg0, %add3A_39, %dma_wait3A_803] : memref<2x1024x1024xf32, #tpu.memory_space<hbm>> -> memref<1x1x1024xf32, #tpu.memory_space<hbm>>
    %dma_wait3A_805 = tpu.memref_squeeze %dma_wait3A_804 : memref<1x1x1024xf32, #tpu.memory_space<hbm>> -> memref<1024xf32, #tpu.memory_space<hbm>>
    %dma_wait3A_806 = arith.constant 0 : i32
    %dma_wait3A_807 = tpu.memref_slice %arg4[%arg0, %add3A_39, %dma_wait3A_806] : memref<2x1024x1024xf32, #tpu.memory_space<hbm>> -> memref<1x1x1024xf32, #tpu.memory_space<hbm>>
    %dma_wait3A_808 = tpu.memref_squeeze %dma_wait3A_807 : memref<1x1x1024xf32, #tpu.memory_space<hbm>> -> memref<1024xf32, #tpu.memory_space<hbm>>
    %dma_wait3A_809 = arith.constant 2048 : i32
    %dma_wait3A_810 = tpu.memref_slice %arg5[%dma_wait3A_809] : memref<65536xf32, #tpu.memory_space<vmem>> -> memref<1024xf32, #tpu.memory_space<vmem>>
    tpu.wait_dma2 semaphore(%arg8 : memref<!tpu.dma_semaphore, #tpu.memory_space<semaphore_mem>>) src(%dma_wait3A_810 : memref<1024xf32, #tpu.memory_space<vmem>>) dst(%dma_wait3A_808 : memref<1024xf32, #tpu.memory_space<hbm>>)
    %dma_wait3A_811 = arith.constant 3072 : i32
    %dma_wait3A_812 = tpu.memref_slice %arg5[%dma_wait3A_811] : memref<65536xf32, #tpu.memory_space<vmem>> -> memref<1024xf32, #tpu.memory_space<vmem>>
    %dma_wait3A_813 = arith.constant 0 : i32
    %dma_wait3A_814 = tpu.memref_slice %arg4[%arg0, %add3A_51, %dma_wait3A_813] : memref<2x1024x1024xf32, #tpu.memory_space<hbm>> -> memref<1x1x1024xf32, #tpu.memory_space<hbm>>
    %dma_wait3A_815 = tpu.memref_squeeze %dma_wait3A_814 : memref<1x1x1024xf32, #tpu.memory_space<hbm>> -> memref<1024xf32, #tpu.memory_space<hbm>>
    %dma_wait3A_816 = arith.constant 0 : i32
    %dma_wait3A_817 = tpu.memref_slice %arg4[%arg0, %add3A_51, %dma_wait3A_816] : memref<2x1024x1024xf32, #tpu.memory_space<hbm>> -> memref<1x1x1024xf32, #tpu.memory_space<hbm>>
    %dma_wait3A_818 = tpu.memref_squeeze %dma_wait3A_817 : memref<1x1x1024xf32, #tpu.memory_space<hbm>> -> memref<1024xf32, #tpu.memory_space<hbm>>
    %dma_wait3A_819 = arith.constant 3072 : i32
    %dma_wait3A_820 = tpu.memref_slice %arg5[%dma_wait3A_819] : memref<65536xf32, #tpu.memory_space<vmem>> -> memref<1024xf32, #tpu.memory_space<vmem>>
    tpu.wait_dma2 semaphore(%arg8 : memref<!tpu.dma_semaphore, #tpu.memory_space<semaphore_mem>>) src(%dma_wait3A_820 : memref<1024xf32, #tpu.memory_space<vmem>>) dst(%dma_wait3A_818 : memref<1024xf32, #tpu.memory_space<hbm>>)
    %dma_wait3A_821 = arith.constant 4096 : i32
    %dma_wait3A_822 = tpu.memref_slice %arg5[%dma_wait3A_821] : memref<65536xf32, #tpu.memory_space<vmem>> -> memref<1024xf32, #tpu.memory_space<vmem>>
    %dma_wait3A_823 = arith.constant 0 : i32
    %dma_wait3A_824 = tpu.memref_slice %arg4[%arg0, %add3A_63, %dma_wait3A_823] : memref<2x1024x1024xf32, #tpu.memory_space<hbm>> -> memref<1x1x1024xf32, #tpu.memory_space<hbm>>
    %dma_wait3A_825 = tpu.memref_squeeze %dma_wait3A_824 : memref<1x1x1024xf32, #tpu.memory_space<hbm>> -> memref<1024xf32, #tpu.memory_space<hbm>>
    %dma_wait3A_826 = arith.constant 0 : i32
    %dma_wait3A_827 = tpu.memref_slice %arg4[%arg0, %add3A_63, %dma_wait3A_826] : memref<2x1024x1024xf32, #tpu.memory_space<hbm>> -> memref<1x1x1024xf32, #tpu.memory_space<hbm>>
    %dma_wait3A_828 = tpu.memref_squeeze %dma_wait3A_827 : memref<1x1x1024xf32, #tpu.memory_space<hbm>> -> memref<1024xf32, #tpu.memory_space<hbm>>
    %dma_wait3A_829 = arith.constant 4096 : i32
    %dma_wait3A_830 = tpu.memref_slice %arg5[%dma_wait3A_829] : memref<65536xf32, #tpu.memory_space<vmem>> -> memref<1024xf32, #tpu.memory_space<vmem>>
    tpu.wait_dma2 semaphore(%arg8 : memref<!tpu.dma_semaphore, #tpu.memory_space<semaphore_mem>>) src(%dma_wait3A_830 : memref<1024xf32, #tpu.memory_space<vmem>>) dst(%dma_wait3A_828 : memref<1024xf32, #tpu.memory_space<hbm>>)
    %dma_wait3A_831 = arith.constant 5120 : i32
    %dma_wait3A_832 = tpu.memref_slice %arg5[%dma_wait3A_831] : memref<65536xf32, #tpu.memory_space<vmem>> -> memref<1024xf32, #tpu.memory_space<vmem>>
    %dma_wait3A_833 = arith.constant 0 : i32
    %dma_wait3A_834 = tpu.memref_slice %arg4[%arg0, %add3A_75, %dma_wait3A_833] : memref<2x1024x1024xf32, #tpu.memory_space<hbm>> -> memref<1x1x1024xf32, #tpu.memory_space<hbm>>
    %dma_wait3A_835 = tpu.memref_squeeze %dma_wait3A_834 : memref<1x1x1024xf32, #tpu.memory_space<hbm>> -> memref<1024xf32, #tpu.memory_space<hbm>>
    %dma_wait3A_836 = arith.constant 0 : i32
    %dma_wait3A_837 = tpu.memref_slice %arg4[%arg0, %add3A_75, %dma_wait3A_836] : memref<2x1024x1024xf32, #tpu.memory_space<hbm>> -> memref<1x1x1024xf32, #tpu.memory_space<hbm>>
    %dma_wait3A_838 = tpu.memref_squeeze %dma_wait3A_837 : memref<1x1x1024xf32, #tpu.memory_space<hbm>> -> memref<1024xf32, #tpu.memory_space<hbm>>
    %dma_wait3A_839 = arith.constant 5120 : i32
    %dma_wait3A_840 = tpu.memref_slice %arg5[%dma_wait3A_839] : memref<65536xf32, #tpu.memory_space<vmem>> -> memref<1024xf32, #tpu.memory_space<vmem>>
    tpu.wait_dma2 semaphore(%arg8 : memref<!tpu.dma_semaphore, #tpu.memory_space<semaphore_mem>>) src(%dma_wait3A_840 : memref<1024xf32, #tpu.memory_space<vmem>>) dst(%dma_wait3A_838 : memref<1024xf32, #tpu.memory_space<hbm>>)
    %dma_wait3A_841 = arith.constant 6144 : i32
    %dma_wait3A_842 = tpu.memref_slice %arg5[%dma_wait3A_841] : memref<65536xf32, #tpu.memory_space<vmem>> -> memref<1024xf32, #tpu.memory_space<vmem>>
    %dma_wait3A_843 = arith.constant 0 : i32
    %dma_wait3A_844 = tpu.memref_slice %arg4[%arg0, %add3A_87, %dma_wait3A_843] : memref<2x1024x1024xf32, #tpu.memory_space<hbm>> -> memref<1x1x1024xf32, #tpu.memory_space<hbm>>
    %dma_wait3A_845 = tpu.memref_squeeze %dma_wait3A_844 : memref<1x1x1024xf32, #tpu.memory_space<hbm>> -> memref<1024xf32, #tpu.memory_space<hbm>>
    %dma_wait3A_846 = arith.constant 0 : i32
    %dma_wait3A_847 = tpu.memref_slice %arg4[%arg0, %add3A_87, %dma_wait3A_846] : memref<2x1024x1024xf32, #tpu.memory_space<hbm>> -> memref<1x1x1024xf32, #tpu.memory_space<hbm>>
    %dma_wait3A_848 = tpu.memref_squeeze %dma_wait3A_847 : memref<1x1x1024xf32, #tpu.memory_space<hbm>> -> memref<1024xf32, #tpu.memory_space<hbm>>
    %dma_wait3A_849 = arith.constant 6144 : i32
    %dma_wait3A_850 = tpu.memref_slice %arg5[%dma_wait3A_849] : memref<65536xf32, #tpu.memory_space<vmem>> -> memref<1024xf32, #tpu.memory_space<vmem>>
    tpu.wait_dma2 semaphore(%arg8 : memref<!tpu.dma_semaphore, #tpu.memory_space<semaphore_mem>>) src(%dma_wait3A_850 : memref<1024xf32, #tpu.memory_space<vmem>>) dst(%dma_wait3A_848 : memref<1024xf32, #tpu.memory_space<hbm>>)
    %dma_wait3A_851 = arith.constant 7168 : i32
    %dma_wait3A_852 = tpu.memref_slice %arg5[%dma_wait3A_851] : memref<65536xf32, #tpu.memory_space<vmem>> -> memref<1024xf32, #tpu.memory_space<vmem>>
    %dma_wait3A_853 = arith.constant 0 : i32
    %dma_wait3A_854 = tpu.memref_slice %arg4[%arg0, %add3A_99, %dma_wait3A_853] : memref<2x1024x1024xf32, #tpu.memory_space<hbm>> -> memref<1x1x1024xf32, #tpu.memory_space<hbm>>
    %dma_wait3A_855 = tpu.memref_squeeze %dma_wait3A_854 : memref<1x1x1024xf32, #tpu.memory_space<hbm>> -> memref<1024xf32, #tpu.memory_space<hbm>>
    %dma_wait3A_856 = arith.constant 0 : i32
    %dma_wait3A_857 = tpu.memref_slice %arg4[%arg0, %add3A_99, %dma_wait3A_856] : memref<2x1024x1024xf32, #tpu.memory_space<hbm>> -> memref<1x1x1024xf32, #tpu.memory_space<hbm>>
    %dma_wait3A_858 = tpu.memref_squeeze %dma_wait3A_857 : memref<1x1x1024xf32, #tpu.memory_space<hbm>> -> memref<1024xf32, #tpu.memory_space<hbm>>
    %dma_wait3A_859 = arith.constant 7168 : i32
    %dma_wait3A_860 = tpu.memref_slice %arg5[%dma_wait3A_859] : memref<65536xf32, #tpu.memory_space<vmem>> -> memref<1024xf32, #tpu.memory_space<vmem>>
    tpu.wait_dma2 semaphore(%arg8 : memref<!tpu.dma_semaphore, #tpu.memory_space<semaphore_mem>>) src(%dma_wait3A_860 : memref<1024xf32, #tpu.memory_space<vmem>>) dst(%dma_wait3A_858 : memref<1024xf32, #tpu.memory_space<hbm>>)
    %dma_wait3A_861 = arith.constant 8192 : i32
    %dma_wait3A_862 = tpu.memref_slice %arg5[%dma_wait3A_861] : memref<65536xf32, #tpu.memory_space<vmem>> -> memref<1024xf32, #tpu.memory_space<vmem>>
    %dma_wait3A_863 = arith.constant 0 : i32
    %dma_wait3A_864 = tpu.memref_slice %arg4[%arg0, %add3A_111, %dma_wait3A_863] : memref<2x1024x1024xf32, #tpu.memory_space<hbm>> -> memref<1x1x1024xf32, #tpu.memory_space<hbm>>
    %dma_wait3A_865 = tpu.memref_squeeze %dma_wait3A_864 : memref<1x1x1024xf32, #tpu.memory_space<hbm>> -> memref<1024xf32, #tpu.memory_space<hbm>>
    %dma_wait3A_866 = arith.constant 0 : i32
    %dma_wait3A_867 = tpu.memref_slice %arg4[%arg0, %add3A_111, %dma_wait3A_866] : memref<2x1024x1024xf32, #tpu.memory_space<hbm>> -> memref<1x1x1024xf32, #tpu.memory_space<hbm>>
    %dma_wait3A_868 = tpu.memref_squeeze %dma_wait3A_867 : memref<1x1x1024xf32, #tpu.memory_space<hbm>> -> memref<1024xf32, #tpu.memory_space<hbm>>
    %dma_wait3A_869 = arith.constant 8192 : i32
    %dma_wait3A_870 = tpu.memref_slice %arg5[%dma_wait3A_869] : memref<65536xf32, #tpu.memory_space<vmem>> -> memref<1024xf32, #tpu.memory_space<vmem>>
    tpu.wait_dma2 semaphore(%arg8 : memref<!tpu.dma_semaphore, #tpu.memory_space<semaphore_mem>>) src(%dma_wait3A_870 : memref<1024xf32, #tpu.memory_space<vmem>>) dst(%dma_wait3A_868 : memref<1024xf32, #tpu.memory_space<hbm>>)
    %dma_wait3A_871 = arith.constant 9216 : i32
    %dma_wait3A_872 = tpu.memref_slice %arg5[%dma_wait3A_871] : memref<65536xf32, #tpu.memory_space<vmem>> -> memref<1024xf32, #tpu.memory_space<vmem>>
    %dma_wait3A_873 = arith.constant 0 : i32
    %dma_wait3A_874 = tpu.memref_slice %arg4[%arg0, %add3A_123, %dma_wait3A_873] : memref<2x1024x1024xf32, #tpu.memory_space<hbm>> -> memref<1x1x1024xf32, #tpu.memory_space<hbm>>
    %dma_wait3A_875 = tpu.memref_squeeze %dma_wait3A_874 : memref<1x1x1024xf32, #tpu.memory_space<hbm>> -> memref<1024xf32, #tpu.memory_space<hbm>>
    %dma_wait3A_876 = arith.constant 0 : i32
    %dma_wait3A_877 = tpu.memref_slice %arg4[%arg0, %add3A_123, %dma_wait3A_876] : memref<2x1024x1024xf32, #tpu.memory_space<hbm>> -> memref<1x1x1024xf32, #tpu.memory_space<hbm>>
    %dma_wait3A_878 = tpu.memref_squeeze %dma_wait3A_877 : memref<1x1x1024xf32, #tpu.memory_space<hbm>> -> memref<1024xf32, #tpu.memory_space<hbm>>
    %dma_wait3A_879 = arith.constant 9216 : i32
    %dma_wait3A_880 = tpu.memref_slice %arg5[%dma_wait3A_879] : memref<65536xf32, #tpu.memory_space<vmem>> -> memref<1024xf32, #tpu.memory_space<vmem>>
    tpu.wait_dma2 semaphore(%arg8 : memref<!tpu.dma_semaphore, #tpu.memory_space<semaphore_mem>>) src(%dma_wait3A_880 : memref<1024xf32, #tpu.memory_space<vmem>>) dst(%dma_wait3A_878 : memref<1024xf32, #tpu.memory_space<hbm>>)
    %dma_wait3A_881 = arith.constant 10240 : i32
    %dma_wait3A_882 = tpu.memref_slice %arg5[%dma_wait3A_881] : memref<65536xf32, #tpu.memory_space<vmem>> -> memref<1024xf32, #tpu.memory_space<vmem>>
    %dma_wait3A_883 = arith.constant 0 : i32
    %dma_wait3A_884 = tpu.memref_slice %arg4[%arg0, %add3A_135, %dma_wait3A_883] : memref<2x1024x1024xf32, #tpu.memory_space<hbm>> -> memref<1x1x1024xf32, #tpu.memory_space<hbm>>
    %dma_wait3A_885 = tpu.memref_squeeze %dma_wait3A_884 : memref<1x1x1024xf32, #tpu.memory_space<hbm>> -> memref<1024xf32, #tpu.memory_space<hbm>>
    %dma_wait3A_886 = arith.constant 0 : i32
    %dma_wait3A_887 = tpu.memref_slice %arg4[%arg0, %add3A_135, %dma_wait3A_886] : memref<2x1024x1024xf32, #tpu.memory_space<hbm>> -> memref<1x1x1024xf32, #tpu.memory_space<hbm>>
    %dma_wait3A_888 = tpu.memref_squeeze %dma_wait3A_887 : memref<1x1x1024xf32, #tpu.memory_space<hbm>> -> memref<1024xf32, #tpu.memory_space<hbm>>
    %dma_wait3A_889 = arith.constant 10240 : i32
    %dma_wait3A_890 = tpu.memref_slice %arg5[%dma_wait3A_889] : memref<65536xf32, #tpu.memory_space<vmem>> -> memref<1024xf32, #tpu.memory_space<vmem>>
    tpu.wait_dma2 semaphore(%arg8 : memref<!tpu.dma_semaphore, #tpu.memory_space<semaphore_mem>>) src(%dma_wait3A_890 : memref<1024xf32, #tpu.memory_space<vmem>>) dst(%dma_wait3A_888 : memref<1024xf32, #tpu.memory_space<hbm>>)
    %dma_wait3A_891 = arith.constant 11264 : i32
    %dma_wait3A_892 = tpu.memref_slice %arg5[%dma_wait3A_891] : memref<65536xf32, #tpu.memory_space<vmem>> -> memref<1024xf32, #tpu.memory_space<vmem>>
    %dma_wait3A_893 = arith.constant 0 : i32
    %dma_wait3A_894 = tpu.memref_slice %arg4[%arg0, %add3A_147, %dma_wait3A_893] : memref<2x1024x1024xf32, #tpu.memory_space<hbm>> -> memref<1x1x1024xf32, #tpu.memory_space<hbm>>
    %dma_wait3A_895 = tpu.memref_squeeze %dma_wait3A_894 : memref<1x1x1024xf32, #tpu.memory_space<hbm>> -> memref<1024xf32, #tpu.memory_space<hbm>>
    %dma_wait3A_896 = arith.constant 0 : i32
    %dma_wait3A_897 = tpu.memref_slice %arg4[%arg0, %add3A_147, %dma_wait3A_896] : memref<2x1024x1024xf32, #tpu.memory_space<hbm>> -> memref<1x1x1024xf32, #tpu.memory_space<hbm>>
    %dma_wait3A_898 = tpu.memref_squeeze %dma_wait3A_897 : memref<1x1x1024xf32, #tpu.memory_space<hbm>> -> memref<1024xf32, #tpu.memory_space<hbm>>
    %dma_wait3A_899 = arith.constant 11264 : i32
    %dma_wait3A_900 = tpu.memref_slice %arg5[%dma_wait3A_899] : memref<65536xf32, #tpu.memory_space<vmem>> -> memref<1024xf32, #tpu.memory_space<vmem>>
    tpu.wait_dma2 semaphore(%arg8 : memref<!tpu.dma_semaphore, #tpu.memory_space<semaphore_mem>>) src(%dma_wait3A_900 : memref<1024xf32, #tpu.memory_space<vmem>>) dst(%dma_wait3A_898 : memref<1024xf32, #tpu.memory_space<hbm>>)
    %dma_wait3A_901 = arith.constant 12288 : i32
    %dma_wait3A_902 = tpu.memref_slice %arg5[%dma_wait3A_901] : memref<65536xf32, #tpu.memory_space<vmem>> -> memref<1024xf32, #tpu.memory_space<vmem>>
    %dma_wait3A_903 = arith.constant 0 : i32
    %dma_wait3A_904 = tpu.memref_slice %arg4[%arg0, %add3A_159, %dma_wait3A_903] : memref<2x1024x1024xf32, #tpu.memory_space<hbm>> -> memref<1x1x1024xf32, #tpu.memory_space<hbm>>
    %dma_wait3A_905 = tpu.memref_squeeze %dma_wait3A_904 : memref<1x1x1024xf32, #tpu.memory_space<hbm>> -> memref<1024xf32, #tpu.memory_space<hbm>>
    %dma_wait3A_906 = arith.constant 0 : i32
    %dma_wait3A_907 = tpu.memref_slice %arg4[%arg0, %add3A_159, %dma_wait3A_906] : memref<2x1024x1024xf32, #tpu.memory_space<hbm>> -> memref<1x1x1024xf32, #tpu.memory_space<hbm>>
    %dma_wait3A_908 = tpu.memref_squeeze %dma_wait3A_907 : memref<1x1x1024xf32, #tpu.memory_space<hbm>> -> memref<1024xf32, #tpu.memory_space<hbm>>
    %dma_wait3A_909 = arith.constant 12288 : i32
    %dma_wait3A_910 = tpu.memref_slice %arg5[%dma_wait3A_909] : memref<65536xf32, #tpu.memory_space<vmem>> -> memref<1024xf32, #tpu.memory_space<vmem>>
    tpu.wait_dma2 semaphore(%arg8 : memref<!tpu.dma_semaphore, #tpu.memory_space<semaphore_mem>>) src(%dma_wait3A_910 : memref<1024xf32, #tpu.memory_space<vmem>>) dst(%dma_wait3A_908 : memref<1024xf32, #tpu.memory_space<hbm>>)
    %dma_wait3A_911 = arith.constant 13312 : i32
    %dma_wait3A_912 = tpu.memref_slice %arg5[%dma_wait3A_911] : memref<65536xf32, #tpu.memory_space<vmem>> -> memref<1024xf32, #tpu.memory_space<vmem>>
    %dma_wait3A_913 = arith.constant 0 : i32
    %dma_wait3A_914 = tpu.memref_slice %arg4[%arg0, %add3A_171, %dma_wait3A_913] : memref<2x1024x1024xf32, #tpu.memory_space<hbm>> -> memref<1x1x1024xf32, #tpu.memory_space<hbm>>
    %dma_wait3A_915 = tpu.memref_squeeze %dma_wait3A_914 : memref<1x1x1024xf32, #tpu.memory_space<hbm>> -> memref<1024xf32, #tpu.memory_space<hbm>>
    %dma_wait3A_916 = arith.constant 0 : i32
    %dma_wait3A_917 = tpu.memref_slice %arg4[%arg0, %add3A_171, %dma_wait3A_916] : memref<2x1024x1024xf32, #tpu.memory_space<hbm>> -> memref<1x1x1024xf32, #tpu.memory_space<hbm>>
    %dma_wait3A_918 = tpu.memref_squeeze %dma_wait3A_917 : memref<1x1x1024xf32, #tpu.memory_space<hbm>> -> memref<1024xf32, #tpu.memory_space<hbm>>
    %dma_wait3A_919 = arith.constant 13312 : i32
    %dma_wait3A_920 = tpu.memref_slice %arg5[%dma_wait3A_919] : memref<65536xf32, #tpu.memory_space<vmem>> -> memref<1024xf32, #tpu.memory_space<vmem>>
    tpu.wait_dma2 semaphore(%arg8 : memref<!tpu.dma_semaphore, #tpu.memory_space<semaphore_mem>>) src(%dma_wait3A_920 : memref<1024xf32, #tpu.memory_space<vmem>>) dst(%dma_wait3A_918 : memref<1024xf32, #tpu.memory_space<hbm>>)
    %dma_wait3A_921 = arith.constant 14336 : i32
    %dma_wait3A_922 = tpu.memref_slice %arg5[%dma_wait3A_921] : memref<65536xf32, #tpu.memory_space<vmem>> -> memref<1024xf32, #tpu.memory_space<vmem>>
    %dma_wait3A_923 = arith.constant 0 : i32
    %dma_wait3A_924 = tpu.memref_slice %arg4[%arg0, %add3A_183, %dma_wait3A_923] : memref<2x1024x1024xf32, #tpu.memory_space<hbm>> -> memref<1x1x1024xf32, #tpu.memory_space<hbm>>
    %dma_wait3A_925 = tpu.memref_squeeze %dma_wait3A_924 : memref<1x1x1024xf32, #tpu.memory_space<hbm>> -> memref<1024xf32, #tpu.memory_space<hbm>>
    %dma_wait3A_926 = arith.constant 0 : i32
    %dma_wait3A_927 = tpu.memref_slice %arg4[%arg0, %add3A_183, %dma_wait3A_926] : memref<2x1024x1024xf32, #tpu.memory_space<hbm>> -> memref<1x1x1024xf32, #tpu.memory_space<hbm>>
    %dma_wait3A_928 = tpu.memref_squeeze %dma_wait3A_927 : memref<1x1x1024xf32, #tpu.memory_space<hbm>> -> memref<1024xf32, #tpu.memory_space<hbm>>
    %dma_wait3A_929 = arith.constant 14336 : i32
    %dma_wait3A_930 = tpu.memref_slice %arg5[%dma_wait3A_929] : memref<65536xf32, #tpu.memory_space<vmem>> -> memref<1024xf32, #tpu.memory_space<vmem>>
    tpu.wait_dma2 semaphore(%arg8 : memref<!tpu.dma_semaphore, #tpu.memory_space<semaphore_mem>>) src(%dma_wait3A_930 : memref<1024xf32, #tpu.memory_space<vmem>>) dst(%dma_wait3A_928 : memref<1024xf32, #tpu.memory_space<hbm>>)
    %dma_wait3A_931 = arith.constant 15360 : i32
    %dma_wait3A_932 = tpu.memref_slice %arg5[%dma_wait3A_931] : memref<65536xf32, #tpu.memory_space<vmem>> -> memref<1024xf32, #tpu.memory_space<vmem>>
    %dma_wait3A_933 = arith.constant 0 : i32
    %dma_wait3A_934 = tpu.memref_slice %arg4[%arg0, %add3A_195, %dma_wait3A_933] : memref<2x1024x1024xf32, #tpu.memory_space<hbm>> -> memref<1x1x1024xf32, #tpu.memory_space<hbm>>
    %dma_wait3A_935 = tpu.memref_squeeze %dma_wait3A_934 : memref<1x1x1024xf32, #tpu.memory_space<hbm>> -> memref<1024xf32, #tpu.memory_space<hbm>>
    %dma_wait3A_936 = arith.constant 0 : i32
    %dma_wait3A_937 = tpu.memref_slice %arg4[%arg0, %add3A_195, %dma_wait3A_936] : memref<2x1024x1024xf32, #tpu.memory_space<hbm>> -> memref<1x1x1024xf32, #tpu.memory_space<hbm>>
    %dma_wait3A_938 = tpu.memref_squeeze %dma_wait3A_937 : memref<1x1x1024xf32, #tpu.memory_space<hbm>> -> memref<1024xf32, #tpu.memory_space<hbm>>
    %dma_wait3A_939 = arith.constant 15360 : i32
    %dma_wait3A_940 = tpu.memref_slice %arg5[%dma_wait3A_939] : memref<65536xf32, #tpu.memory_space<vmem>> -> memref<1024xf32, #tpu.memory_space<vmem>>
    tpu.wait_dma2 semaphore(%arg8 : memref<!tpu.dma_semaphore, #tpu.memory_space<semaphore_mem>>) src(%dma_wait3A_940 : memref<1024xf32, #tpu.memory_space<vmem>>) dst(%dma_wait3A_938 : memref<1024xf32, #tpu.memory_space<hbm>>)
    %dma_wait3A_941 = arith.constant 16384 : i32
    %dma_wait3A_942 = tpu.memref_slice %arg5[%dma_wait3A_941] : memref<65536xf32, #tpu.memory_space<vmem>> -> memref<1024xf32, #tpu.memory_space<vmem>>
    %dma_wait3A_943 = arith.constant 0 : i32
    %dma_wait3A_944 = tpu.memref_slice %arg4[%arg0, %add3A_207, %dma_wait3A_943] : memref<2x1024x1024xf32, #tpu.memory_space<hbm>> -> memref<1x1x1024xf32, #tpu.memory_space<hbm>>
    %dma_wait3A_945 = tpu.memref_squeeze %dma_wait3A_944 : memref<1x1x1024xf32, #tpu.memory_space<hbm>> -> memref<1024xf32, #tpu.memory_space<hbm>>
    %dma_wait3A_946 = arith.constant 0 : i32
    %dma_wait3A_947 = tpu.memref_slice %arg4[%arg0, %add3A_207, %dma_wait3A_946] : memref<2x1024x1024xf32, #tpu.memory_space<hbm>> -> memref<1x1x1024xf32, #tpu.memory_space<hbm>>
    %dma_wait3A_948 = tpu.memref_squeeze %dma_wait3A_947 : memref<1x1x1024xf32, #tpu.memory_space<hbm>> -> memref<1024xf32, #tpu.memory_space<hbm>>
    %dma_wait3A_949 = arith.constant 16384 : i32
    %dma_wait3A_950 = tpu.memref_slice %arg5[%dma_wait3A_949] : memref<65536xf32, #tpu.memory_space<vmem>> -> memref<1024xf32, #tpu.memory_space<vmem>>
    tpu.wait_dma2 semaphore(%arg8 : memref<!tpu.dma_semaphore, #tpu.memory_space<semaphore_mem>>) src(%dma_wait3A_950 : memref<1024xf32, #tpu.memory_space<vmem>>) dst(%dma_wait3A_948 : memref<1024xf32, #tpu.memory_space<hbm>>)
    %dma_wait3A_951 = arith.constant 17408 : i32
    %dma_wait3A_952 = tpu.memref_slice %arg5[%dma_wait3A_951] : memref<65536xf32, #tpu.memory_space<vmem>> -> memref<1024xf32, #tpu.memory_space<vmem>>
    %dma_wait3A_953 = arith.constant 0 : i32
    %dma_wait3A_954 = tpu.memref_slice %arg4[%arg0, %add3A_219, %dma_wait3A_953] : memref<2x1024x1024xf32, #tpu.memory_space<hbm>> -> memref<1x1x1024xf32, #tpu.memory_space<hbm>>
    %dma_wait3A_955 = tpu.memref_squeeze %dma_wait3A_954 : memref<1x1x1024xf32, #tpu.memory_space<hbm>> -> memref<1024xf32, #tpu.memory_space<hbm>>
    %dma_wait3A_956 = arith.constant 0 : i32
    %dma_wait3A_957 = tpu.memref_slice %arg4[%arg0, %add3A_219, %dma_wait3A_956] : memref<2x1024x1024xf32, #tpu.memory_space<hbm>> -> memref<1x1x1024xf32, #tpu.memory_space<hbm>>
    %dma_wait3A_958 = tpu.memref_squeeze %dma_wait3A_957 : memref<1x1x1024xf32, #tpu.memory_space<hbm>> -> memref<1024xf32, #tpu.memory_space<hbm>>
    %dma_wait3A_959 = arith.constant 17408 : i32
    %dma_wait3A_960 = tpu.memref_slice %arg5[%dma_wait3A_959] : memref<65536xf32, #tpu.memory_space<vmem>> -> memref<1024xf32, #tpu.memory_space<vmem>>
    tpu.wait_dma2 semaphore(%arg8 : memref<!tpu.dma_semaphore, #tpu.memory_space<semaphore_mem>>) src(%dma_wait3A_960 : memref<1024xf32, #tpu.memory_space<vmem>>) dst(%dma_wait3A_958 : memref<1024xf32, #tpu.memory_space<hbm>>)
    %dma_wait3A_961 = arith.constant 18432 : i32
    %dma_wait3A_962 = tpu.memref_slice %arg5[%dma_wait3A_961] : memref<65536xf32, #tpu.memory_space<vmem>> -> memref<1024xf32, #tpu.memory_space<vmem>>
    %dma_wait3A_963 = arith.constant 0 : i32
    %dma_wait3A_964 = tpu.memref_slice %arg4[%arg0, %add3A_231, %dma_wait3A_963] : memref<2x1024x1024xf32, #tpu.memory_space<hbm>> -> memref<1x1x1024xf32, #tpu.memory_space<hbm>>
    %dma_wait3A_965 = tpu.memref_squeeze %dma_wait3A_964 : memref<1x1x1024xf32, #tpu.memory_space<hbm>> -> memref<1024xf32, #tpu.memory_space<hbm>>
    %dma_wait3A_966 = arith.constant 0 : i32
    %dma_wait3A_967 = tpu.memref_slice %arg4[%arg0, %add3A_231, %dma_wait3A_966] : memref<2x1024x1024xf32, #tpu.memory_space<hbm>> -> memref<1x1x1024xf32, #tpu.memory_space<hbm>>
    %dma_wait3A_968 = tpu.memref_squeeze %dma_wait3A_967 : memref<1x1x1024xf32, #tpu.memory_space<hbm>> -> memref<1024xf32, #tpu.memory_space<hbm>>
    %dma_wait3A_969 = arith.constant 18432 : i32
    %dma_wait3A_970 = tpu.memref_slice %arg5[%dma_wait3A_969] : memref<65536xf32, #tpu.memory_space<vmem>> -> memref<1024xf32, #tpu.memory_space<vmem>>
    tpu.wait_dma2 semaphore(%arg8 : memref<!tpu.dma_semaphore, #tpu.memory_space<semaphore_mem>>) src(%dma_wait3A_970 : memref<1024xf32, #tpu.memory_space<vmem>>) dst(%dma_wait3A_968 : memref<1024xf32, #tpu.memory_space<hbm>>)
    %dma_wait3A_971 = arith.constant 19456 : i32
    %dma_wait3A_972 = tpu.memref_slice %arg5[%dma_wait3A_971] : memref<65536xf32, #tpu.memory_space<vmem>> -> memref<1024xf32, #tpu.memory_space<vmem>>
    %dma_wait3A_973 = arith.constant 0 : i32
    %dma_wait3A_974 = tpu.memref_slice %arg4[%arg0, %add3A_243, %dma_wait3A_973] : memref<2x1024x1024xf32, #tpu.memory_space<hbm>> -> memref<1x1x1024xf32, #tpu.memory_space<hbm>>
    %dma_wait3A_975 = tpu.memref_squeeze %dma_wait3A_974 : memref<1x1x1024xf32, #tpu.memory_space<hbm>> -> memref<1024xf32, #tpu.memory_space<hbm>>
    %dma_wait3A_976 = arith.constant 0 : i32
    %dma_wait3A_977 = tpu.memref_slice %arg4[%arg0, %add3A_243, %dma_wait3A_976] : memref<2x1024x1024xf32, #tpu.memory_space<hbm>> -> memref<1x1x1024xf32, #tpu.memory_space<hbm>>
    %dma_wait3A_978 = tpu.memref_squeeze %dma_wait3A_977 : memref<1x1x1024xf32, #tpu.memory_space<hbm>> -> memref<1024xf32, #tpu.memory_space<hbm>>
    %dma_wait3A_979 = arith.constant 19456 : i32
    %dma_wait3A_980 = tpu.memref_slice %arg5[%dma_wait3A_979] : memref<65536xf32, #tpu.memory_space<vmem>> -> memref<1024xf32, #tpu.memory_space<vmem>>
    tpu.wait_dma2 semaphore(%arg8 : memref<!tpu.dma_semaphore, #tpu.memory_space<semaphore_mem>>) src(%dma_wait3A_980 : memref<1024xf32, #tpu.memory_space<vmem>>) dst(%dma_wait3A_978 : memref<1024xf32, #tpu.memory_space<hbm>>)
    %dma_wait3A_981 = arith.constant 20480 : i32
    %dma_wait3A_982 = tpu.memref_slice %arg5[%dma_wait3A_981] : memref<65536xf32, #tpu.memory_space<vmem>> -> memref<1024xf32, #tpu.memory_space<vmem>>
    %dma_wait3A_983 = arith.constant 0 : i32
    %dma_wait3A_984 = tpu.memref_slice %arg4[%arg0, %add3A_255, %dma_wait3A_983] : memref<2x1024x1024xf32, #tpu.memory_space<hbm>> -> memref<1x1x1024xf32, #tpu.memory_space<hbm>>
    %dma_wait3A_985 = tpu.memref_squeeze %dma_wait3A_984 : memref<1x1x1024xf32, #tpu.memory_space<hbm>> -> memref<1024xf32, #tpu.memory_space<hbm>>
    %dma_wait3A_986 = arith.constant 0 : i32
    %dma_wait3A_987 = tpu.memref_slice %arg4[%arg0, %add3A_255, %dma_wait3A_986] : memref<2x1024x1024xf32, #tpu.memory_space<hbm>> -> memref<1x1x1024xf32, #tpu.memory_space<hbm>>
    %dma_wait3A_988 = tpu.memref_squeeze %dma_wait3A_987 : memref<1x1x1024xf32, #tpu.memory_space<hbm>> -> memref<1024xf32, #tpu.memory_space<hbm>>
    %dma_wait3A_989 = arith.constant 20480 : i32
    %dma_wait3A_990 = tpu.memref_slice %arg5[%dma_wait3A_989] : memref<65536xf32, #tpu.memory_space<vmem>> -> memref<1024xf32, #tpu.memory_space<vmem>>
    tpu.wait_dma2 semaphore(%arg8 : memref<!tpu.dma_semaphore, #tpu.memory_space<semaphore_mem>>) src(%dma_wait3A_990 : memref<1024xf32, #tpu.memory_space<vmem>>) dst(%dma_wait3A_988 : memref<1024xf32, #tpu.memory_space<hbm>>)
    %dma_wait3A_991 = arith.constant 21504 : i32
    %dma_wait3A_992 = tpu.memref_slice %arg5[%dma_wait3A_991] : memref<65536xf32, #tpu.memory_space<vmem>> -> memref<1024xf32, #tpu.memory_space<vmem>>
    %dma_wait3A_993 = arith.constant 0 : i32
    %dma_wait3A_994 = tpu.memref_slice %arg4[%arg0, %add3A_267, %dma_wait3A_993] : memref<2x1024x1024xf32, #tpu.memory_space<hbm>> -> memref<1x1x1024xf32, #tpu.memory_space<hbm>>
    %dma_wait3A_995 = tpu.memref_squeeze %dma_wait3A_994 : memref<1x1x1024xf32, #tpu.memory_space<hbm>> -> memref<1024xf32, #tpu.memory_space<hbm>>
    %dma_wait3A_996 = arith.constant 0 : i32
    %dma_wait3A_997 = tpu.memref_slice %arg4[%arg0, %add3A_267, %dma_wait3A_996] : memref<2x1024x1024xf32, #tpu.memory_space<hbm>> -> memref<1x1x1024xf32, #tpu.memory_space<hbm>>
    %dma_wait3A_998 = tpu.memref_squeeze %dma_wait3A_997 : memref<1x1x1024xf32, #tpu.memory_space<hbm>> -> memref<1024xf32, #tpu.memory_space<hbm>>
    %dma_wait3A_999 = arith.constant 21504 : i32
    %dma_wait3A_1000 = tpu.memref_slice %arg5[%dma_wait3A_999] : memref<65536xf32, #tpu.memory_space<vmem>> -> memref<1024xf32, #tpu.memory_space<vmem>>
    tpu.wait_dma2 semaphore(%arg8 : memref<!tpu.dma_semaphore, #tpu.memory_space<semaphore_mem>>) src(%dma_wait3A_1000 : memref<1024xf32, #tpu.memory_space<vmem>>) dst(%dma_wait3A_998 : memref<1024xf32, #tpu.memory_space<hbm>>)
    %dma_wait3A_1001 = arith.constant 22528 : i32
    %dma_wait3A_1002 = tpu.memref_slice %arg5[%dma_wait3A_1001] : memref<65536xf32, #tpu.memory_space<vmem>> -> memref<1024xf32, #tpu.memory_space<vmem>>
    %dma_wait3A_1003 = arith.constant 0 : i32
    %dma_wait3A_1004 = tpu.memref_slice %arg4[%arg0, %add3A_279, %dma_wait3A_1003] : memref<2x1024x1024xf32, #tpu.memory_space<hbm>> -> memref<1x1x1024xf32, #tpu.memory_space<hbm>>
    %dma_wait3A_1005 = tpu.memref_squeeze %dma_wait3A_1004 : memref<1x1x1024xf32, #tpu.memory_space<hbm>> -> memref<1024xf32, #tpu.memory_space<hbm>>
    %dma_wait3A_1006 = arith.constant 0 : i32
    %dma_wait3A_1007 = tpu.memref_slice %arg4[%arg0, %add3A_279, %dma_wait3A_1006] : memref<2x1024x1024xf32, #tpu.memory_space<hbm>> -> memref<1x1x1024xf32, #tpu.memory_space<hbm>>
    %dma_wait3A_1008 = tpu.memref_squeeze %dma_wait3A_1007 : memref<1x1x1024xf32, #tpu.memory_space<hbm>> -> memref<1024xf32, #tpu.memory_space<hbm>>
    %dma_wait3A_1009 = arith.constant 22528 : i32
    %dma_wait3A_1010 = tpu.memref_slice %arg5[%dma_wait3A_1009] : memref<65536xf32, #tpu.memory_space<vmem>> -> memref<1024xf32, #tpu.memory_space<vmem>>
    tpu.wait_dma2 semaphore(%arg8 : memref<!tpu.dma_semaphore, #tpu.memory_space<semaphore_mem>>) src(%dma_wait3A_1010 : memref<1024xf32, #tpu.memory_space<vmem>>) dst(%dma_wait3A_1008 : memref<1024xf32, #tpu.memory_space<hbm>>)
    %dma_wait3A_1011 = arith.constant 23552 : i32
    %dma_wait3A_1012 = tpu.memref_slice %arg5[%dma_wait3A_1011] : memref<65536xf32, #tpu.memory_space<vmem>> -> memref<1024xf32, #tpu.memory_space<vmem>>
    %dma_wait3A_1013 = arith.constant 0 : i32
    %dma_wait3A_1014 = tpu.memref_slice %arg4[%arg0, %add3A_291, %dma_wait3A_1013] : memref<2x1024x1024xf32, #tpu.memory_space<hbm>> -> memref<1x1x1024xf32, #tpu.memory_space<hbm>>
    %dma_wait3A_1015 = tpu.memref_squeeze %dma_wait3A_1014 : memref<1x1x1024xf32, #tpu.memory_space<hbm>> -> memref<1024xf32, #tpu.memory_space<hbm>>
    %dma_wait3A_1016 = arith.constant 0 : i32
    %dma_wait3A_1017 = tpu.memref_slice %arg4[%arg0, %add3A_291, %dma_wait3A_1016] : memref<2x1024x1024xf32, #tpu.memory_space<hbm>> -> memref<1x1x1024xf32, #tpu.memory_space<hbm>>
    %dma_wait3A_1018 = tpu.memref_squeeze %dma_wait3A_1017 : memref<1x1x1024xf32, #tpu.memory_space<hbm>> -> memref<1024xf32, #tpu.memory_space<hbm>>
    %dma_wait3A_1019 = arith.constant 23552 : i32
    %dma_wait3A_1020 = tpu.memref_slice %arg5[%dma_wait3A_1019] : memref<65536xf32, #tpu.memory_space<vmem>> -> memref<1024xf32, #tpu.memory_space<vmem>>
    tpu.wait_dma2 semaphore(%arg8 : memref<!tpu.dma_semaphore, #tpu.memory_space<semaphore_mem>>) src(%dma_wait3A_1020 : memref<1024xf32, #tpu.memory_space<vmem>>) dst(%dma_wait3A_1018 : memref<1024xf32, #tpu.memory_space<hbm>>)
    %dma_wait3A_1021 = arith.constant 24576 : i32
    %dma_wait3A_1022 = tpu.memref_slice %arg5[%dma_wait3A_1021] : memref<65536xf32, #tpu.memory_space<vmem>> -> memref<1024xf32, #tpu.memory_space<vmem>>
    %dma_wait3A_1023 = arith.constant 0 : i32
    %dma_wait3A_1024 = tpu.memref_slice %arg4[%arg0, %add3A_303, %dma_wait3A_1023] : memref<2x1024x1024xf32, #tpu.memory_space<hbm>> -> memref<1x1x1024xf32, #tpu.memory_space<hbm>>
    %dma_wait3A_1025 = tpu.memref_squeeze %dma_wait3A_1024 : memref<1x1x1024xf32, #tpu.memory_space<hbm>> -> memref<1024xf32, #tpu.memory_space<hbm>>
    %dma_wait3A_1026 = arith.constant 0 : i32
    %dma_wait3A_1027 = tpu.memref_slice %arg4[%arg0, %add3A_303, %dma_wait3A_1026] : memref<2x1024x1024xf32, #tpu.memory_space<hbm>> -> memref<1x1x1024xf32, #tpu.memory_space<hbm>>
    %dma_wait3A_1028 = tpu.memref_squeeze %dma_wait3A_1027 : memref<1x1x1024xf32, #tpu.memory_space<hbm>> -> memref<1024xf32, #tpu.memory_space<hbm>>
    %dma_wait3A_1029 = arith.constant 24576 : i32
    %dma_wait3A_1030 = tpu.memref_slice %arg5[%dma_wait3A_1029] : memref<65536xf32, #tpu.memory_space<vmem>> -> memref<1024xf32, #tpu.memory_space<vmem>>
    tpu.wait_dma2 semaphore(%arg8 : memref<!tpu.dma_semaphore, #tpu.memory_space<semaphore_mem>>) src(%dma_wait3A_1030 : memref<1024xf32, #tpu.memory_space<vmem>>) dst(%dma_wait3A_1028 : memref<1024xf32, #tpu.memory_space<hbm>>)
    %dma_wait3A_1031 = arith.constant 25600 : i32
    %dma_wait3A_1032 = tpu.memref_slice %arg5[%dma_wait3A_1031] : memref<65536xf32, #tpu.memory_space<vmem>> -> memref<1024xf32, #tpu.memory_space<vmem>>
    %dma_wait3A_1033 = arith.constant 0 : i32
    %dma_wait3A_1034 = tpu.memref_slice %arg4[%arg0, %add3A_315, %dma_wait3A_1033] : memref<2x1024x1024xf32, #tpu.memory_space<hbm>> -> memref<1x1x1024xf32, #tpu.memory_space<hbm>>
    %dma_wait3A_1035 = tpu.memref_squeeze %dma_wait3A_1034 : memref<1x1x1024xf32, #tpu.memory_space<hbm>> -> memref<1024xf32, #tpu.memory_space<hbm>>
    %dma_wait3A_1036 = arith.constant 0 : i32
    %dma_wait3A_1037 = tpu.memref_slice %arg4[%arg0, %add3A_315, %dma_wait3A_1036] : memref<2x1024x1024xf32, #tpu.memory_space<hbm>> -> memref<1x1x1024xf32, #tpu.memory_space<hbm>>
    %dma_wait3A_1038 = tpu.memref_squeeze %dma_wait3A_1037 : memref<1x1x1024xf32, #tpu.memory_space<hbm>> -> memref<1024xf32, #tpu.memory_space<hbm>>
    %dma_wait3A_1039 = arith.constant 25600 : i32
    %dma_wait3A_1040 = tpu.memref_slice %arg5[%dma_wait3A_1039] : memref<65536xf32, #tpu.memory_space<vmem>> -> memref<1024xf32, #tpu.memory_space<vmem>>
    tpu.wait_dma2 semaphore(%arg8 : memref<!tpu.dma_semaphore, #tpu.memory_space<semaphore_mem>>) src(%dma_wait3A_1040 : memref<1024xf32, #tpu.memory_space<vmem>>) dst(%dma_wait3A_1038 : memref<1024xf32, #tpu.memory_space<hbm>>)
    %dma_wait3A_1041 = arith.constant 26624 : i32
    %dma_wait3A_1042 = tpu.memref_slice %arg5[%dma_wait3A_1041] : memref<65536xf32, #tpu.memory_space<vmem>> -> memref<1024xf32, #tpu.memory_space<vmem>>
    %dma_wait3A_1043 = arith.constant 0 : i32
    %dma_wait3A_1044 = tpu.memref_slice %arg4[%arg0, %add3A_327, %dma_wait3A_1043] : memref<2x1024x1024xf32, #tpu.memory_space<hbm>> -> memref<1x1x1024xf32, #tpu.memory_space<hbm>>
    %dma_wait3A_1045 = tpu.memref_squeeze %dma_wait3A_1044 : memref<1x1x1024xf32, #tpu.memory_space<hbm>> -> memref<1024xf32, #tpu.memory_space<hbm>>
    %dma_wait3A_1046 = arith.constant 0 : i32
    %dma_wait3A_1047 = tpu.memref_slice %arg4[%arg0, %add3A_327, %dma_wait3A_1046] : memref<2x1024x1024xf32, #tpu.memory_space<hbm>> -> memref<1x1x1024xf32, #tpu.memory_space<hbm>>
    %dma_wait3A_1048 = tpu.memref_squeeze %dma_wait3A_1047 : memref<1x1x1024xf32, #tpu.memory_space<hbm>> -> memref<1024xf32, #tpu.memory_space<hbm>>
    %dma_wait3A_1049 = arith.constant 26624 : i32
    %dma_wait3A_1050 = tpu.memref_slice %arg5[%dma_wait3A_1049] : memref<65536xf32, #tpu.memory_space<vmem>> -> memref<1024xf32, #tpu.memory_space<vmem>>
    tpu.wait_dma2 semaphore(%arg8 : memref<!tpu.dma_semaphore, #tpu.memory_space<semaphore_mem>>) src(%dma_wait3A_1050 : memref<1024xf32, #tpu.memory_space<vmem>>) dst(%dma_wait3A_1048 : memref<1024xf32, #tpu.memory_space<hbm>>)
    %dma_wait3A_1051 = arith.constant 27648 : i32
    %dma_wait3A_1052 = tpu.memref_slice %arg5[%dma_wait3A_1051] : memref<65536xf32, #tpu.memory_space<vmem>> -> memref<1024xf32, #tpu.memory_space<vmem>>
    %dma_wait3A_1053 = arith.constant 0 : i32
    %dma_wait3A_1054 = tpu.memref_slice %arg4[%arg0, %add3A_339, %dma_wait3A_1053] : memref<2x1024x1024xf32, #tpu.memory_space<hbm>> -> memref<1x1x1024xf32, #tpu.memory_space<hbm>>
    %dma_wait3A_1055 = tpu.memref_squeeze %dma_wait3A_1054 : memref<1x1x1024xf32, #tpu.memory_space<hbm>> -> memref<1024xf32, #tpu.memory_space<hbm>>
    %dma_wait3A_1056 = arith.constant 0 : i32
    %dma_wait3A_1057 = tpu.memref_slice %arg4[%arg0, %add3A_339, %dma_wait3A_1056] : memref<2x1024x1024xf32, #tpu.memory_space<hbm>> -> memref<1x1x1024xf32, #tpu.memory_space<hbm>>
    %dma_wait3A_1058 = tpu.memref_squeeze %dma_wait3A_1057 : memref<1x1x1024xf32, #tpu.memory_space<hbm>> -> memref<1024xf32, #tpu.memory_space<hbm>>
    %dma_wait3A_1059 = arith.constant 27648 : i32
    %dma_wait3A_1060 = tpu.memref_slice %arg5[%dma_wait3A_1059] : memref<65536xf32, #tpu.memory_space<vmem>> -> memref<1024xf32, #tpu.memory_space<vmem>>
    tpu.wait_dma2 semaphore(%arg8 : memref<!tpu.dma_semaphore, #tpu.memory_space<semaphore_mem>>) src(%dma_wait3A_1060 : memref<1024xf32, #tpu.memory_space<vmem>>) dst(%dma_wait3A_1058 : memref<1024xf32, #tpu.memory_space<hbm>>)
    %dma_wait3A_1061 = arith.constant 28672 : i32
    %dma_wait3A_1062 = tpu.memref_slice %arg5[%dma_wait3A_1061] : memref<65536xf32, #tpu.memory_space<vmem>> -> memref<1024xf32, #tpu.memory_space<vmem>>
    %dma_wait3A_1063 = arith.constant 0 : i32
    %dma_wait3A_1064 = tpu.memref_slice %arg4[%arg0, %add3A_351, %dma_wait3A_1063] : memref<2x1024x1024xf32, #tpu.memory_space<hbm>> -> memref<1x1x1024xf32, #tpu.memory_space<hbm>>
    %dma_wait3A_1065 = tpu.memref_squeeze %dma_wait3A_1064 : memref<1x1x1024xf32, #tpu.memory_space<hbm>> -> memref<1024xf32, #tpu.memory_space<hbm>>
    %dma_wait3A_1066 = arith.constant 0 : i32
    %dma_wait3A_1067 = tpu.memref_slice %arg4[%arg0, %add3A_351, %dma_wait3A_1066] : memref<2x1024x1024xf32, #tpu.memory_space<hbm>> -> memref<1x1x1024xf32, #tpu.memory_space<hbm>>
    %dma_wait3A_1068 = tpu.memref_squeeze %dma_wait3A_1067 : memref<1x1x1024xf32, #tpu.memory_space<hbm>> -> memref<1024xf32, #tpu.memory_space<hbm>>
    %dma_wait3A_1069 = arith.constant 28672 : i32
    %dma_wait3A_1070 = tpu.memref_slice %arg5[%dma_wait3A_1069] : memref<65536xf32, #tpu.memory_space<vmem>> -> memref<1024xf32, #tpu.memory_space<vmem>>
    tpu.wait_dma2 semaphore(%arg8 : memref<!tpu.dma_semaphore, #tpu.memory_space<semaphore_mem>>) src(%dma_wait3A_1070 : memref<1024xf32, #tpu.memory_space<vmem>>) dst(%dma_wait3A_1068 : memref<1024xf32, #tpu.memory_space<hbm>>)
    %dma_wait3A_1071 = arith.constant 29696 : i32
    %dma_wait3A_1072 = tpu.memref_slice %arg5[%dma_wait3A_1071] : memref<65536xf32, #tpu.memory_space<vmem>> -> memref<1024xf32, #tpu.memory_space<vmem>>
    %dma_wait3A_1073 = arith.constant 0 : i32
    %dma_wait3A_1074 = tpu.memref_slice %arg4[%arg0, %add3A_363, %dma_wait3A_1073] : memref<2x1024x1024xf32, #tpu.memory_space<hbm>> -> memref<1x1x1024xf32, #tpu.memory_space<hbm>>
    %dma_wait3A_1075 = tpu.memref_squeeze %dma_wait3A_1074 : memref<1x1x1024xf32, #tpu.memory_space<hbm>> -> memref<1024xf32, #tpu.memory_space<hbm>>
    %dma_wait3A_1076 = arith.constant 0 : i32
    %dma_wait3A_1077 = tpu.memref_slice %arg4[%arg0, %add3A_363, %dma_wait3A_1076] : memref<2x1024x1024xf32, #tpu.memory_space<hbm>> -> memref<1x1x1024xf32, #tpu.memory_space<hbm>>
    %dma_wait3A_1078 = tpu.memref_squeeze %dma_wait3A_1077 : memref<1x1x1024xf32, #tpu.memory_space<hbm>> -> memref<1024xf32, #tpu.memory_space<hbm>>
    %dma_wait3A_1079 = arith.constant 29696 : i32
    %dma_wait3A_1080 = tpu.memref_slice %arg5[%dma_wait3A_1079] : memref<65536xf32, #tpu.memory_space<vmem>> -> memref<1024xf32, #tpu.memory_space<vmem>>
    tpu.wait_dma2 semaphore(%arg8 : memref<!tpu.dma_semaphore, #tpu.memory_space<semaphore_mem>>) src(%dma_wait3A_1080 : memref<1024xf32, #tpu.memory_space<vmem>>) dst(%dma_wait3A_1078 : memref<1024xf32, #tpu.memory_space<hbm>>)
    %dma_wait3A_1081 = arith.constant 30720 : i32
    %dma_wait3A_1082 = tpu.memref_slice %arg5[%dma_wait3A_1081] : memref<65536xf32, #tpu.memory_space<vmem>> -> memref<1024xf32, #tpu.memory_space<vmem>>
    %dma_wait3A_1083 = arith.constant 0 : i32
    %dma_wait3A_1084 = tpu.memref_slice %arg4[%arg0, %add3A_375, %dma_wait3A_1083] : memref<2x1024x1024xf32, #tpu.memory_space<hbm>> -> memref<1x1x1024xf32, #tpu.memory_space<hbm>>
    %dma_wait3A_1085 = tpu.memref_squeeze %dma_wait3A_1084 : memref<1x1x1024xf32, #tpu.memory_space<hbm>> -> memref<1024xf32, #tpu.memory_space<hbm>>
    %dma_wait3A_1086 = arith.constant 0 : i32
    %dma_wait3A_1087 = tpu.memref_slice %arg4[%arg0, %add3A_375, %dma_wait3A_1086] : memref<2x1024x1024xf32, #tpu.memory_space<hbm>> -> memref<1x1x1024xf32, #tpu.memory_space<hbm>>
    %dma_wait3A_1088 = tpu.memref_squeeze %dma_wait3A_1087 : memref<1x1x1024xf32, #tpu.memory_space<hbm>> -> memref<1024xf32, #tpu.memory_space<hbm>>
    %dma_wait3A_1089 = arith.constant 30720 : i32
    %dma_wait3A_1090 = tpu.memref_slice %arg5[%dma_wait3A_1089] : memref<65536xf32, #tpu.memory_space<vmem>> -> memref<1024xf32, #tpu.memory_space<vmem>>
    tpu.wait_dma2 semaphore(%arg8 : memref<!tpu.dma_semaphore, #tpu.memory_space<semaphore_mem>>) src(%dma_wait3A_1090 : memref<1024xf32, #tpu.memory_space<vmem>>) dst(%dma_wait3A_1088 : memref<1024xf32, #tpu.memory_space<hbm>>)
    %dma_wait3A_1091 = arith.constant 31744 : i32
    %dma_wait3A_1092 = tpu.memref_slice %arg5[%dma_wait3A_1091] : memref<65536xf32, #tpu.memory_space<vmem>> -> memref<1024xf32, #tpu.memory_space<vmem>>
    %dma_wait3A_1093 = arith.constant 0 : i32
    %dma_wait3A_1094 = tpu.memref_slice %arg4[%arg0, %add3A_387, %dma_wait3A_1093] : memref<2x1024x1024xf32, #tpu.memory_space<hbm>> -> memref<1x1x1024xf32, #tpu.memory_space<hbm>>
    %dma_wait3A_1095 = tpu.memref_squeeze %dma_wait3A_1094 : memref<1x1x1024xf32, #tpu.memory_space<hbm>> -> memref<1024xf32, #tpu.memory_space<hbm>>
    %dma_wait3A_1096 = arith.constant 0 : i32
    %dma_wait3A_1097 = tpu.memref_slice %arg4[%arg0, %add3A_387, %dma_wait3A_1096] : memref<2x1024x1024xf32, #tpu.memory_space<hbm>> -> memref<1x1x1024xf32, #tpu.memory_space<hbm>>
    %dma_wait3A_1098 = tpu.memref_squeeze %dma_wait3A_1097 : memref<1x1x1024xf32, #tpu.memory_space<hbm>> -> memref<1024xf32, #tpu.memory_space<hbm>>
    %dma_wait3A_1099 = arith.constant 31744 : i32
    %dma_wait3A_1100 = tpu.memref_slice %arg5[%dma_wait3A_1099] : memref<65536xf32, #tpu.memory_space<vmem>> -> memref<1024xf32, #tpu.memory_space<vmem>>
    tpu.wait_dma2 semaphore(%arg8 : memref<!tpu.dma_semaphore, #tpu.memory_space<semaphore_mem>>) src(%dma_wait3A_1100 : memref<1024xf32, #tpu.memory_space<vmem>>) dst(%dma_wait3A_1098 : memref<1024xf32, #tpu.memory_space<hbm>>)
    %dma_wait3A_1101 = arith.constant 32768 : i32
    %dma_wait3A_1102 = tpu.memref_slice %arg5[%dma_wait3A_1101] : memref<65536xf32, #tpu.memory_space<vmem>> -> memref<1024xf32, #tpu.memory_space<vmem>>
    %dma_wait3A_1103 = arith.constant 0 : i32
    %dma_wait3A_1104 = tpu.memref_slice %arg4[%arg0, %add3A_399, %dma_wait3A_1103] : memref<2x1024x1024xf32, #tpu.memory_space<hbm>> -> memref<1x1x1024xf32, #tpu.memory_space<hbm>>
    %dma_wait3A_1105 = tpu.memref_squeeze %dma_wait3A_1104 : memref<1x1x1024xf32, #tpu.memory_space<hbm>> -> memref<1024xf32, #tpu.memory_space<hbm>>
    %dma_wait3A_1106 = arith.constant 0 : i32
    %dma_wait3A_1107 = tpu.memref_slice %arg4[%arg0, %add3A_399, %dma_wait3A_1106] : memref<2x1024x1024xf32, #tpu.memory_space<hbm>> -> memref<1x1x1024xf32, #tpu.memory_space<hbm>>
    %dma_wait3A_1108 = tpu.memref_squeeze %dma_wait3A_1107 : memref<1x1x1024xf32, #tpu.memory_space<hbm>> -> memref<1024xf32, #tpu.memory_space<hbm>>
    %dma_wait3A_1109 = arith.constant 32768 : i32
    %dma_wait3A_1110 = tpu.memref_slice %arg5[%dma_wait3A_1109] : memref<65536xf32, #tpu.memory_space<vmem>> -> memref<1024xf32, #tpu.memory_space<vmem>>
    tpu.wait_dma2 semaphore(%arg8 : memref<!tpu.dma_semaphore, #tpu.memory_space<semaphore_mem>>) src(%dma_wait3A_1110 : memref<1024xf32, #tpu.memory_space<vmem>>) dst(%dma_wait3A_1108 : memref<1024xf32, #tpu.memory_space<hbm>>)
    %dma_wait3A_1111 = arith.constant 33792 : i32
    %dma_wait3A_1112 = tpu.memref_slice %arg5[%dma_wait3A_1111] : memref<65536xf32, #tpu.memory_space<vmem>> -> memref<1024xf32, #tpu.memory_space<vmem>>
    %dma_wait3A_1113 = arith.constant 0 : i32
    %dma_wait3A_1114 = tpu.memref_slice %arg4[%arg0, %add3A_411, %dma_wait3A_1113] : memref<2x1024x1024xf32, #tpu.memory_space<hbm>> -> memref<1x1x1024xf32, #tpu.memory_space<hbm>>
    %dma_wait3A_1115 = tpu.memref_squeeze %dma_wait3A_1114 : memref<1x1x1024xf32, #tpu.memory_space<hbm>> -> memref<1024xf32, #tpu.memory_space<hbm>>
    %dma_wait3A_1116 = arith.constant 0 : i32
    %dma_wait3A_1117 = tpu.memref_slice %arg4[%arg0, %add3A_411, %dma_wait3A_1116] : memref<2x1024x1024xf32, #tpu.memory_space<hbm>> -> memref<1x1x1024xf32, #tpu.memory_space<hbm>>
    %dma_wait3A_1118 = tpu.memref_squeeze %dma_wait3A_1117 : memref<1x1x1024xf32, #tpu.memory_space<hbm>> -> memref<1024xf32, #tpu.memory_space<hbm>>
    %dma_wait3A_1119 = arith.constant 33792 : i32
    %dma_wait3A_1120 = tpu.memref_slice %arg5[%dma_wait3A_1119] : memref<65536xf32, #tpu.memory_space<vmem>> -> memref<1024xf32, #tpu.memory_space<vmem>>
    tpu.wait_dma2 semaphore(%arg8 : memref<!tpu.dma_semaphore, #tpu.memory_space<semaphore_mem>>) src(%dma_wait3A_1120 : memref<1024xf32, #tpu.memory_space<vmem>>) dst(%dma_wait3A_1118 : memref<1024xf32, #tpu.memory_space<hbm>>)
    %dma_wait3A_1121 = arith.constant 34816 : i32
    %dma_wait3A_1122 = tpu.memref_slice %arg5[%dma_wait3A_1121] : memref<65536xf32, #tpu.memory_space<vmem>> -> memref<1024xf32, #tpu.memory_space<vmem>>
    %dma_wait3A_1123 = arith.constant 0 : i32
    %dma_wait3A_1124 = tpu.memref_slice %arg4[%arg0, %add3A_423, %dma_wait3A_1123] : memref<2x1024x1024xf32, #tpu.memory_space<hbm>> -> memref<1x1x1024xf32, #tpu.memory_space<hbm>>
    %dma_wait3A_1125 = tpu.memref_squeeze %dma_wait3A_1124 : memref<1x1x1024xf32, #tpu.memory_space<hbm>> -> memref<1024xf32, #tpu.memory_space<hbm>>
    %dma_wait3A_1126 = arith.constant 0 : i32
    %dma_wait3A_1127 = tpu.memref_slice %arg4[%arg0, %add3A_423, %dma_wait3A_1126] : memref<2x1024x1024xf32, #tpu.memory_space<hbm>> -> memref<1x1x1024xf32, #tpu.memory_space<hbm>>
    %dma_wait3A_1128 = tpu.memref_squeeze %dma_wait3A_1127 : memref<1x1x1024xf32, #tpu.memory_space<hbm>> -> memref<1024xf32, #tpu.memory_space<hbm>>
    %dma_wait3A_1129 = arith.constant 34816 : i32
    %dma_wait3A_1130 = tpu.memref_slice %arg5[%dma_wait3A_1129] : memref<65536xf32, #tpu.memory_space<vmem>> -> memref<1024xf32, #tpu.memory_space<vmem>>
    tpu.wait_dma2 semaphore(%arg8 : memref<!tpu.dma_semaphore, #tpu.memory_space<semaphore_mem>>) src(%dma_wait3A_1130 : memref<1024xf32, #tpu.memory_space<vmem>>) dst(%dma_wait3A_1128 : memref<1024xf32, #tpu.memory_space<hbm>>)
    %dma_wait3A_1131 = arith.constant 35840 : i32
    %dma_wait3A_1132 = tpu.memref_slice %arg5[%dma_wait3A_1131] : memref<65536xf32, #tpu.memory_space<vmem>> -> memref<1024xf32, #tpu.memory_space<vmem>>
    %dma_wait3A_1133 = arith.constant 0 : i32
    %dma_wait3A_1134 = tpu.memref_slice %arg4[%arg0, %add3A_435, %dma_wait3A_1133] : memref<2x1024x1024xf32, #tpu.memory_space<hbm>> -> memref<1x1x1024xf32, #tpu.memory_space<hbm>>
    %dma_wait3A_1135 = tpu.memref_squeeze %dma_wait3A_1134 : memref<1x1x1024xf32, #tpu.memory_space<hbm>> -> memref<1024xf32, #tpu.memory_space<hbm>>
    %dma_wait3A_1136 = arith.constant 0 : i32
    %dma_wait3A_1137 = tpu.memref_slice %arg4[%arg0, %add3A_435, %dma_wait3A_1136] : memref<2x1024x1024xf32, #tpu.memory_space<hbm>> -> memref<1x1x1024xf32, #tpu.memory_space<hbm>>
    %dma_wait3A_1138 = tpu.memref_squeeze %dma_wait3A_1137 : memref<1x1x1024xf32, #tpu.memory_space<hbm>> -> memref<1024xf32, #tpu.memory_space<hbm>>
    %dma_wait3A_1139 = arith.constant 35840 : i32
    %dma_wait3A_1140 = tpu.memref_slice %arg5[%dma_wait3A_1139] : memref<65536xf32, #tpu.memory_space<vmem>> -> memref<1024xf32, #tpu.memory_space<vmem>>
    tpu.wait_dma2 semaphore(%arg8 : memref<!tpu.dma_semaphore, #tpu.memory_space<semaphore_mem>>) src(%dma_wait3A_1140 : memref<1024xf32, #tpu.memory_space<vmem>>) dst(%dma_wait3A_1138 : memref<1024xf32, #tpu.memory_space<hbm>>)
    %dma_wait3A_1141 = arith.constant 36864 : i32
    %dma_wait3A_1142 = tpu.memref_slice %arg5[%dma_wait3A_1141] : memref<65536xf32, #tpu.memory_space<vmem>> -> memref<1024xf32, #tpu.memory_space<vmem>>
    %dma_wait3A_1143 = arith.constant 0 : i32
    %dma_wait3A_1144 = tpu.memref_slice %arg4[%arg0, %add3A_447, %dma_wait3A_1143] : memref<2x1024x1024xf32, #tpu.memory_space<hbm>> -> memref<1x1x1024xf32, #tpu.memory_space<hbm>>
    %dma_wait3A_1145 = tpu.memref_squeeze %dma_wait3A_1144 : memref<1x1x1024xf32, #tpu.memory_space<hbm>> -> memref<1024xf32, #tpu.memory_space<hbm>>
    %dma_wait3A_1146 = arith.constant 0 : i32
    %dma_wait3A_1147 = tpu.memref_slice %arg4[%arg0, %add3A_447, %dma_wait3A_1146] : memref<2x1024x1024xf32, #tpu.memory_space<hbm>> -> memref<1x1x1024xf32, #tpu.memory_space<hbm>>
    %dma_wait3A_1148 = tpu.memref_squeeze %dma_wait3A_1147 : memref<1x1x1024xf32, #tpu.memory_space<hbm>> -> memref<1024xf32, #tpu.memory_space<hbm>>
    %dma_wait3A_1149 = arith.constant 36864 : i32
    %dma_wait3A_1150 = tpu.memref_slice %arg5[%dma_wait3A_1149] : memref<65536xf32, #tpu.memory_space<vmem>> -> memref<1024xf32, #tpu.memory_space<vmem>>
    tpu.wait_dma2 semaphore(%arg8 : memref<!tpu.dma_semaphore, #tpu.memory_space<semaphore_mem>>) src(%dma_wait3A_1150 : memref<1024xf32, #tpu.memory_space<vmem>>) dst(%dma_wait3A_1148 : memref<1024xf32, #tpu.memory_space<hbm>>)
    %dma_wait3A_1151 = arith.constant 37888 : i32
    %dma_wait3A_1152 = tpu.memref_slice %arg5[%dma_wait3A_1151] : memref<65536xf32, #tpu.memory_space<vmem>> -> memref<1024xf32, #tpu.memory_space<vmem>>
    %dma_wait3A_1153 = arith.constant 0 : i32
    %dma_wait3A_1154 = tpu.memref_slice %arg4[%arg0, %add3A_459, %dma_wait3A_1153] : memref<2x1024x1024xf32, #tpu.memory_space<hbm>> -> memref<1x1x1024xf32, #tpu.memory_space<hbm>>
    %dma_wait3A_1155 = tpu.memref_squeeze %dma_wait3A_1154 : memref<1x1x1024xf32, #tpu.memory_space<hbm>> -> memref<1024xf32, #tpu.memory_space<hbm>>
    %dma_wait3A_1156 = arith.constant 0 : i32
    %dma_wait3A_1157 = tpu.memref_slice %arg4[%arg0, %add3A_459, %dma_wait3A_1156] : memref<2x1024x1024xf32, #tpu.memory_space<hbm>> -> memref<1x1x1024xf32, #tpu.memory_space<hbm>>
    %dma_wait3A_1158 = tpu.memref_squeeze %dma_wait3A_1157 : memref<1x1x1024xf32, #tpu.memory_space<hbm>> -> memref<1024xf32, #tpu.memory_space<hbm>>
    %dma_wait3A_1159 = arith.constant 37888 : i32
    %dma_wait3A_1160 = tpu.memref_slice %arg5[%dma_wait3A_1159] : memref<65536xf32, #tpu.memory_space<vmem>> -> memref<1024xf32, #tpu.memory_space<vmem>>
    tpu.wait_dma2 semaphore(%arg8 : memref<!tpu.dma_semaphore, #tpu.memory_space<semaphore_mem>>) src(%dma_wait3A_1160 : memref<1024xf32, #tpu.memory_space<vmem>>) dst(%dma_wait3A_1158 : memref<1024xf32, #tpu.memory_space<hbm>>)
    %dma_wait3A_1161 = arith.constant 38912 : i32
    %dma_wait3A_1162 = tpu.memref_slice %arg5[%dma_wait3A_1161] : memref<65536xf32, #tpu.memory_space<vmem>> -> memref<1024xf32, #tpu.memory_space<vmem>>
    %dma_wait3A_1163 = arith.constant 0 : i32
    %dma_wait3A_1164 = tpu.memref_slice %arg4[%arg0, %add3A_471, %dma_wait3A_1163] : memref<2x1024x1024xf32, #tpu.memory_space<hbm>> -> memref<1x1x1024xf32, #tpu.memory_space<hbm>>
    %dma_wait3A_1165 = tpu.memref_squeeze %dma_wait3A_1164 : memref<1x1x1024xf32, #tpu.memory_space<hbm>> -> memref<1024xf32, #tpu.memory_space<hbm>>
    %dma_wait3A_1166 = arith.constant 0 : i32
    %dma_wait3A_1167 = tpu.memref_slice %arg4[%arg0, %add3A_471, %dma_wait3A_1166] : memref<2x1024x1024xf32, #tpu.memory_space<hbm>> -> memref<1x1x1024xf32, #tpu.memory_space<hbm>>
    %dma_wait3A_1168 = tpu.memref_squeeze %dma_wait3A_1167 : memref<1x1x1024xf32, #tpu.memory_space<hbm>> -> memref<1024xf32, #tpu.memory_space<hbm>>
    %dma_wait3A_1169 = arith.constant 38912 : i32
    %dma_wait3A_1170 = tpu.memref_slice %arg5[%dma_wait3A_1169] : memref<65536xf32, #tpu.memory_space<vmem>> -> memref<1024xf32, #tpu.memory_space<vmem>>
    tpu.wait_dma2 semaphore(%arg8 : memref<!tpu.dma_semaphore, #tpu.memory_space<semaphore_mem>>) src(%dma_wait3A_1170 : memref<1024xf32, #tpu.memory_space<vmem>>) dst(%dma_wait3A_1168 : memref<1024xf32, #tpu.memory_space<hbm>>)
    %dma_wait3A_1171 = arith.constant 39936 : i32
    %dma_wait3A_1172 = tpu.memref_slice %arg5[%dma_wait3A_1171] : memref<65536xf32, #tpu.memory_space<vmem>> -> memref<1024xf32, #tpu.memory_space<vmem>>
    %dma_wait3A_1173 = arith.constant 0 : i32
    %dma_wait3A_1174 = tpu.memref_slice %arg4[%arg0, %add3A_483, %dma_wait3A_1173] : memref<2x1024x1024xf32, #tpu.memory_space<hbm>> -> memref<1x1x1024xf32, #tpu.memory_space<hbm>>
    %dma_wait3A_1175 = tpu.memref_squeeze %dma_wait3A_1174 : memref<1x1x1024xf32, #tpu.memory_space<hbm>> -> memref<1024xf32, #tpu.memory_space<hbm>>
    %dma_wait3A_1176 = arith.constant 0 : i32
    %dma_wait3A_1177 = tpu.memref_slice %arg4[%arg0, %add3A_483, %dma_wait3A_1176] : memref<2x1024x1024xf32, #tpu.memory_space<hbm>> -> memref<1x1x1024xf32, #tpu.memory_space<hbm>>
    %dma_wait3A_1178 = tpu.memref_squeeze %dma_wait3A_1177 : memref<1x1x1024xf32, #tpu.memory_space<hbm>> -> memref<1024xf32, #tpu.memory_space<hbm>>
    %dma_wait3A_1179 = arith.constant 39936 : i32
    %dma_wait3A_1180 = tpu.memref_slice %arg5[%dma_wait3A_1179] : memref<65536xf32, #tpu.memory_space<vmem>> -> memref<1024xf32, #tpu.memory_space<vmem>>
    tpu.wait_dma2 semaphore(%arg8 : memref<!tpu.dma_semaphore, #tpu.memory_space<semaphore_mem>>) src(%dma_wait3A_1180 : memref<1024xf32, #tpu.memory_space<vmem>>) dst(%dma_wait3A_1178 : memref<1024xf32, #tpu.memory_space<hbm>>)
    %dma_wait3A_1181 = arith.constant 40960 : i32
    %dma_wait3A_1182 = tpu.memref_slice %arg5[%dma_wait3A_1181] : memref<65536xf32, #tpu.memory_space<vmem>> -> memref<1024xf32, #tpu.memory_space<vmem>>
    %dma_wait3A_1183 = arith.constant 0 : i32
    %dma_wait3A_1184 = tpu.memref_slice %arg4[%arg0, %add3A_495, %dma_wait3A_1183] : memref<2x1024x1024xf32, #tpu.memory_space<hbm>> -> memref<1x1x1024xf32, #tpu.memory_space<hbm>>
    %dma_wait3A_1185 = tpu.memref_squeeze %dma_wait3A_1184 : memref<1x1x1024xf32, #tpu.memory_space<hbm>> -> memref<1024xf32, #tpu.memory_space<hbm>>
    %dma_wait3A_1186 = arith.constant 0 : i32
    %dma_wait3A_1187 = tpu.memref_slice %arg4[%arg0, %add3A_495, %dma_wait3A_1186] : memref<2x1024x1024xf32, #tpu.memory_space<hbm>> -> memref<1x1x1024xf32, #tpu.memory_space<hbm>>
    %dma_wait3A_1188 = tpu.memref_squeeze %dma_wait3A_1187 : memref<1x1x1024xf32, #tpu.memory_space<hbm>> -> memref<1024xf32, #tpu.memory_space<hbm>>
    %dma_wait3A_1189 = arith.constant 40960 : i32
    %dma_wait3A_1190 = tpu.memref_slice %arg5[%dma_wait3A_1189] : memref<65536xf32, #tpu.memory_space<vmem>> -> memref<1024xf32, #tpu.memory_space<vmem>>
    tpu.wait_dma2 semaphore(%arg8 : memref<!tpu.dma_semaphore, #tpu.memory_space<semaphore_mem>>) src(%dma_wait3A_1190 : memref<1024xf32, #tpu.memory_space<vmem>>) dst(%dma_wait3A_1188 : memref<1024xf32, #tpu.memory_space<hbm>>)
    %dma_wait3A_1191 = arith.constant 41984 : i32
    %dma_wait3A_1192 = tpu.memref_slice %arg5[%dma_wait3A_1191] : memref<65536xf32, #tpu.memory_space<vmem>> -> memref<1024xf32, #tpu.memory_space<vmem>>
    %dma_wait3A_1193 = arith.constant 0 : i32
    %dma_wait3A_1194 = tpu.memref_slice %arg4[%arg0, %add3A_507, %dma_wait3A_1193] : memref<2x1024x1024xf32, #tpu.memory_space<hbm>> -> memref<1x1x1024xf32, #tpu.memory_space<hbm>>
    %dma_wait3A_1195 = tpu.memref_squeeze %dma_wait3A_1194 : memref<1x1x1024xf32, #tpu.memory_space<hbm>> -> memref<1024xf32, #tpu.memory_space<hbm>>
    %dma_wait3A_1196 = arith.constant 0 : i32
    %dma_wait3A_1197 = tpu.memref_slice %arg4[%arg0, %add3A_507, %dma_wait3A_1196] : memref<2x1024x1024xf32, #tpu.memory_space<hbm>> -> memref<1x1x1024xf32, #tpu.memory_space<hbm>>
    %dma_wait3A_1198 = tpu.memref_squeeze %dma_wait3A_1197 : memref<1x1x1024xf32, #tpu.memory_space<hbm>> -> memref<1024xf32, #tpu.memory_space<hbm>>
    %dma_wait3A_1199 = arith.constant 41984 : i32
    %dma_wait3A_1200 = tpu.memref_slice %arg5[%dma_wait3A_1199] : memref<65536xf32, #tpu.memory_space<vmem>> -> memref<1024xf32, #tpu.memory_space<vmem>>
    tpu.wait_dma2 semaphore(%arg8 : memref<!tpu.dma_semaphore, #tpu.memory_space<semaphore_mem>>) src(%dma_wait3A_1200 : memref<1024xf32, #tpu.memory_space<vmem>>) dst(%dma_wait3A_1198 : memref<1024xf32, #tpu.memory_space<hbm>>)
    %dma_wait3A_1201 = arith.constant 43008 : i32
    %dma_wait3A_1202 = tpu.memref_slice %arg5[%dma_wait3A_1201] : memref<65536xf32, #tpu.memory_space<vmem>> -> memref<1024xf32, #tpu.memory_space<vmem>>
    %dma_wait3A_1203 = arith.constant 0 : i32
    %dma_wait3A_1204 = tpu.memref_slice %arg4[%arg0, %add3A_519, %dma_wait3A_1203] : memref<2x1024x1024xf32, #tpu.memory_space<hbm>> -> memref<1x1x1024xf32, #tpu.memory_space<hbm>>
    %dma_wait3A_1205 = tpu.memref_squeeze %dma_wait3A_1204 : memref<1x1x1024xf32, #tpu.memory_space<hbm>> -> memref<1024xf32, #tpu.memory_space<hbm>>
    %dma_wait3A_1206 = arith.constant 0 : i32
    %dma_wait3A_1207 = tpu.memref_slice %arg4[%arg0, %add3A_519, %dma_wait3A_1206] : memref<2x1024x1024xf32, #tpu.memory_space<hbm>> -> memref<1x1x1024xf32, #tpu.memory_space<hbm>>
    %dma_wait3A_1208 = tpu.memref_squeeze %dma_wait3A_1207 : memref<1x1x1024xf32, #tpu.memory_space<hbm>> -> memref<1024xf32, #tpu.memory_space<hbm>>
    %dma_wait3A_1209 = arith.constant 43008 : i32
    %dma_wait3A_1210 = tpu.memref_slice %arg5[%dma_wait3A_1209] : memref<65536xf32, #tpu.memory_space<vmem>> -> memref<1024xf32, #tpu.memory_space<vmem>>
    tpu.wait_dma2 semaphore(%arg8 : memref<!tpu.dma_semaphore, #tpu.memory_space<semaphore_mem>>) src(%dma_wait3A_1210 : memref<1024xf32, #tpu.memory_space<vmem>>) dst(%dma_wait3A_1208 : memref<1024xf32, #tpu.memory_space<hbm>>)
    %dma_wait3A_1211 = arith.constant 44032 : i32
    %dma_wait3A_1212 = tpu.memref_slice %arg5[%dma_wait3A_1211] : memref<65536xf32, #tpu.memory_space<vmem>> -> memref<1024xf32, #tpu.memory_space<vmem>>
    %dma_wait3A_1213 = arith.constant 0 : i32
    %dma_wait3A_1214 = tpu.memref_slice %arg4[%arg0, %add3A_531, %dma_wait3A_1213] : memref<2x1024x1024xf32, #tpu.memory_space<hbm>> -> memref<1x1x1024xf32, #tpu.memory_space<hbm>>
    %dma_wait3A_1215 = tpu.memref_squeeze %dma_wait3A_1214 : memref<1x1x1024xf32, #tpu.memory_space<hbm>> -> memref<1024xf32, #tpu.memory_space<hbm>>
    %dma_wait3A_1216 = arith.constant 0 : i32
    %dma_wait3A_1217 = tpu.memref_slice %arg4[%arg0, %add3A_531, %dma_wait3A_1216] : memref<2x1024x1024xf32, #tpu.memory_space<hbm>> -> memref<1x1x1024xf32, #tpu.memory_space<hbm>>
    %dma_wait3A_1218 = tpu.memref_squeeze %dma_wait3A_1217 : memref<1x1x1024xf32, #tpu.memory_space<hbm>> -> memref<1024xf32, #tpu.memory_space<hbm>>
    %dma_wait3A_1219 = arith.constant 44032 : i32
    %dma_wait3A_1220 = tpu.memref_slice %arg5[%dma_wait3A_1219] : memref<65536xf32, #tpu.memory_space<vmem>> -> memref<1024xf32, #tpu.memory_space<vmem>>
    tpu.wait_dma2 semaphore(%arg8 : memref<!tpu.dma_semaphore, #tpu.memory_space<semaphore_mem>>) src(%dma_wait3A_1220 : memref<1024xf32, #tpu.memory_space<vmem>>) dst(%dma_wait3A_1218 : memref<1024xf32, #tpu.memory_space<hbm>>)
    %dma_wait3A_1221 = arith.constant 45056 : i32
    %dma_wait3A_1222 = tpu.memref_slice %arg5[%dma_wait3A_1221] : memref<65536xf32, #tpu.memory_space<vmem>> -> memref<1024xf32, #tpu.memory_space<vmem>>
    %dma_wait3A_1223 = arith.constant 0 : i32
    %dma_wait3A_1224 = tpu.memref_slice %arg4[%arg0, %add3A_543, %dma_wait3A_1223] : memref<2x1024x1024xf32, #tpu.memory_space<hbm>> -> memref<1x1x1024xf32, #tpu.memory_space<hbm>>
    %dma_wait3A_1225 = tpu.memref_squeeze %dma_wait3A_1224 : memref<1x1x1024xf32, #tpu.memory_space<hbm>> -> memref<1024xf32, #tpu.memory_space<hbm>>
    %dma_wait3A_1226 = arith.constant 0 : i32
    %dma_wait3A_1227 = tpu.memref_slice %arg4[%arg0, %add3A_543, %dma_wait3A_1226] : memref<2x1024x1024xf32, #tpu.memory_space<hbm>> -> memref<1x1x1024xf32, #tpu.memory_space<hbm>>
    %dma_wait3A_1228 = tpu.memref_squeeze %dma_wait3A_1227 : memref<1x1x1024xf32, #tpu.memory_space<hbm>> -> memref<1024xf32, #tpu.memory_space<hbm>>
    %dma_wait3A_1229 = arith.constant 45056 : i32
    %dma_wait3A_1230 = tpu.memref_slice %arg5[%dma_wait3A_1229] : memref<65536xf32, #tpu.memory_space<vmem>> -> memref<1024xf32, #tpu.memory_space<vmem>>
    tpu.wait_dma2 semaphore(%arg8 : memref<!tpu.dma_semaphore, #tpu.memory_space<semaphore_mem>>) src(%dma_wait3A_1230 : memref<1024xf32, #tpu.memory_space<vmem>>) dst(%dma_wait3A_1228 : memref<1024xf32, #tpu.memory_space<hbm>>)
    %dma_wait3A_1231 = arith.constant 46080 : i32
    %dma_wait3A_1232 = tpu.memref_slice %arg5[%dma_wait3A_1231] : memref<65536xf32, #tpu.memory_space<vmem>> -> memref<1024xf32, #tpu.memory_space<vmem>>
    %dma_wait3A_1233 = arith.constant 0 : i32
    %dma_wait3A_1234 = tpu.memref_slice %arg4[%arg0, %add3A_555, %dma_wait3A_1233] : memref<2x1024x1024xf32, #tpu.memory_space<hbm>> -> memref<1x1x1024xf32, #tpu.memory_space<hbm>>
    %dma_wait3A_1235 = tpu.memref_squeeze %dma_wait3A_1234 : memref<1x1x1024xf32, #tpu.memory_space<hbm>> -> memref<1024xf32, #tpu.memory_space<hbm>>
    %dma_wait3A_1236 = arith.constant 0 : i32
    %dma_wait3A_1237 = tpu.memref_slice %arg4[%arg0, %add3A_555, %dma_wait3A_1236] : memref<2x1024x1024xf32, #tpu.memory_space<hbm>> -> memref<1x1x1024xf32, #tpu.memory_space<hbm>>
    %dma_wait3A_1238 = tpu.memref_squeeze %dma_wait3A_1237 : memref<1x1x1024xf32, #tpu.memory_space<hbm>> -> memref<1024xf32, #tpu.memory_space<hbm>>
    %dma_wait3A_1239 = arith.constant 46080 : i32
    %dma_wait3A_1240 = tpu.memref_slice %arg5[%dma_wait3A_1239] : memref<65536xf32, #tpu.memory_space<vmem>> -> memref<1024xf32, #tpu.memory_space<vmem>>
    tpu.wait_dma2 semaphore(%arg8 : memref<!tpu.dma_semaphore, #tpu.memory_space<semaphore_mem>>) src(%dma_wait3A_1240 : memref<1024xf32, #tpu.memory_space<vmem>>) dst(%dma_wait3A_1238 : memref<1024xf32, #tpu.memory_space<hbm>>)
    %dma_wait3A_1241 = arith.constant 47104 : i32
    %dma_wait3A_1242 = tpu.memref_slice %arg5[%dma_wait3A_1241] : memref<65536xf32, #tpu.memory_space<vmem>> -> memref<1024xf32, #tpu.memory_space<vmem>>
    %dma_wait3A_1243 = arith.constant 0 : i32
    %dma_wait3A_1244 = tpu.memref_slice %arg4[%arg0, %add3A_567, %dma_wait3A_1243] : memref<2x1024x1024xf32, #tpu.memory_space<hbm>> -> memref<1x1x1024xf32, #tpu.memory_space<hbm>>
    %dma_wait3A_1245 = tpu.memref_squeeze %dma_wait3A_1244 : memref<1x1x1024xf32, #tpu.memory_space<hbm>> -> memref<1024xf32, #tpu.memory_space<hbm>>
    %dma_wait3A_1246 = arith.constant 0 : i32
    %dma_wait3A_1247 = tpu.memref_slice %arg4[%arg0, %add3A_567, %dma_wait3A_1246] : memref<2x1024x1024xf32, #tpu.memory_space<hbm>> -> memref<1x1x1024xf32, #tpu.memory_space<hbm>>
    %dma_wait3A_1248 = tpu.memref_squeeze %dma_wait3A_1247 : memref<1x1x1024xf32, #tpu.memory_space<hbm>> -> memref<1024xf32, #tpu.memory_space<hbm>>
    %dma_wait3A_1249 = arith.constant 47104 : i32
    %dma_wait3A_1250 = tpu.memref_slice %arg5[%dma_wait3A_1249] : memref<65536xf32, #tpu.memory_space<vmem>> -> memref<1024xf32, #tpu.memory_space<vmem>>
    tpu.wait_dma2 semaphore(%arg8 : memref<!tpu.dma_semaphore, #tpu.memory_space<semaphore_mem>>) src(%dma_wait3A_1250 : memref<1024xf32, #tpu.memory_space<vmem>>) dst(%dma_wait3A_1248 : memref<1024xf32, #tpu.memory_space<hbm>>)
    %dma_wait3A_1251 = arith.constant 48128 : i32
    %dma_wait3A_1252 = tpu.memref_slice %arg5[%dma_wait3A_1251] : memref<65536xf32, #tpu.memory_space<vmem>> -> memref<1024xf32, #tpu.memory_space<vmem>>
    %dma_wait3A_1253 = arith.constant 0 : i32
    %dma_wait3A_1254 = tpu.memref_slice %arg4[%arg0, %add3A_579, %dma_wait3A_1253] : memref<2x1024x1024xf32, #tpu.memory_space<hbm>> -> memref<1x1x1024xf32, #tpu.memory_space<hbm>>
    %dma_wait3A_1255 = tpu.memref_squeeze %dma_wait3A_1254 : memref<1x1x1024xf32, #tpu.memory_space<hbm>> -> memref<1024xf32, #tpu.memory_space<hbm>>
    %dma_wait3A_1256 = arith.constant 0 : i32
    %dma_wait3A_1257 = tpu.memref_slice %arg4[%arg0, %add3A_579, %dma_wait3A_1256] : memref<2x1024x1024xf32, #tpu.memory_space<hbm>> -> memref<1x1x1024xf32, #tpu.memory_space<hbm>>
    %dma_wait3A_1258 = tpu.memref_squeeze %dma_wait3A_1257 : memref<1x1x1024xf32, #tpu.memory_space<hbm>> -> memref<1024xf32, #tpu.memory_space<hbm>>
    %dma_wait3A_1259 = arith.constant 48128 : i32
    %dma_wait3A_1260 = tpu.memref_slice %arg5[%dma_wait3A_1259] : memref<65536xf32, #tpu.memory_space<vmem>> -> memref<1024xf32, #tpu.memory_space<vmem>>
    tpu.wait_dma2 semaphore(%arg8 : memref<!tpu.dma_semaphore, #tpu.memory_space<semaphore_mem>>) src(%dma_wait3A_1260 : memref<1024xf32, #tpu.memory_space<vmem>>) dst(%dma_wait3A_1258 : memref<1024xf32, #tpu.memory_space<hbm>>)
    %dma_wait3A_1261 = arith.constant 49152 : i32
    %dma_wait3A_1262 = tpu.memref_slice %arg5[%dma_wait3A_1261] : memref<65536xf32, #tpu.memory_space<vmem>> -> memref<1024xf32, #tpu.memory_space<vmem>>
    %dma_wait3A_1263 = arith.constant 0 : i32
    %dma_wait3A_1264 = tpu.memref_slice %arg4[%arg0, %add3A_591, %dma_wait3A_1263] : memref<2x1024x1024xf32, #tpu.memory_space<hbm>> -> memref<1x1x1024xf32, #tpu.memory_space<hbm>>
    %dma_wait3A_1265 = tpu.memref_squeeze %dma_wait3A_1264 : memref<1x1x1024xf32, #tpu.memory_space<hbm>> -> memref<1024xf32, #tpu.memory_space<hbm>>
    %dma_wait3A_1266 = arith.constant 0 : i32
    %dma_wait3A_1267 = tpu.memref_slice %arg4[%arg0, %add3A_591, %dma_wait3A_1266] : memref<2x1024x1024xf32, #tpu.memory_space<hbm>> -> memref<1x1x1024xf32, #tpu.memory_space<hbm>>
    %dma_wait3A_1268 = tpu.memref_squeeze %dma_wait3A_1267 : memref<1x1x1024xf32, #tpu.memory_space<hbm>> -> memref<1024xf32, #tpu.memory_space<hbm>>
    %dma_wait3A_1269 = arith.constant 49152 : i32
    %dma_wait3A_1270 = tpu.memref_slice %arg5[%dma_wait3A_1269] : memref<65536xf32, #tpu.memory_space<vmem>> -> memref<1024xf32, #tpu.memory_space<vmem>>
    tpu.wait_dma2 semaphore(%arg8 : memref<!tpu.dma_semaphore, #tpu.memory_space<semaphore_mem>>) src(%dma_wait3A_1270 : memref<1024xf32, #tpu.memory_space<vmem>>) dst(%dma_wait3A_1268 : memref<1024xf32, #tpu.memory_space<hbm>>)
    %dma_wait3A_1271 = arith.constant 50176 : i32
    %dma_wait3A_1272 = tpu.memref_slice %arg5[%dma_wait3A_1271] : memref<65536xf32, #tpu.memory_space<vmem>> -> memref<1024xf32, #tpu.memory_space<vmem>>
    %dma_wait3A_1273 = arith.constant 0 : i32
    %dma_wait3A_1274 = tpu.memref_slice %arg4[%arg0, %add3A_603, %dma_wait3A_1273] : memref<2x1024x1024xf32, #tpu.memory_space<hbm>> -> memref<1x1x1024xf32, #tpu.memory_space<hbm>>
    %dma_wait3A_1275 = tpu.memref_squeeze %dma_wait3A_1274 : memref<1x1x1024xf32, #tpu.memory_space<hbm>> -> memref<1024xf32, #tpu.memory_space<hbm>>
    %dma_wait3A_1276 = arith.constant 0 : i32
    %dma_wait3A_1277 = tpu.memref_slice %arg4[%arg0, %add3A_603, %dma_wait3A_1276] : memref<2x1024x1024xf32, #tpu.memory_space<hbm>> -> memref<1x1x1024xf32, #tpu.memory_space<hbm>>
    %dma_wait3A_1278 = tpu.memref_squeeze %dma_wait3A_1277 : memref<1x1x1024xf32, #tpu.memory_space<hbm>> -> memref<1024xf32, #tpu.memory_space<hbm>>
    %dma_wait3A_1279 = arith.constant 50176 : i32
    %dma_wait3A_1280 = tpu.memref_slice %arg5[%dma_wait3A_1279] : memref<65536xf32, #tpu.memory_space<vmem>> -> memref<1024xf32, #tpu.memory_space<vmem>>
    tpu.wait_dma2 semaphore(%arg8 : memref<!tpu.dma_semaphore, #tpu.memory_space<semaphore_mem>>) src(%dma_wait3A_1280 : memref<1024xf32, #tpu.memory_space<vmem>>) dst(%dma_wait3A_1278 : memref<1024xf32, #tpu.memory_space<hbm>>)
    %dma_wait3A_1281 = arith.constant 51200 : i32
    %dma_wait3A_1282 = tpu.memref_slice %arg5[%dma_wait3A_1281] : memref<65536xf32, #tpu.memory_space<vmem>> -> memref<1024xf32, #tpu.memory_space<vmem>>
    %dma_wait3A_1283 = arith.constant 0 : i32
    %dma_wait3A_1284 = tpu.memref_slice %arg4[%arg0, %add3A_615, %dma_wait3A_1283] : memref<2x1024x1024xf32, #tpu.memory_space<hbm>> -> memref<1x1x1024xf32, #tpu.memory_space<hbm>>
    %dma_wait3A_1285 = tpu.memref_squeeze %dma_wait3A_1284 : memref<1x1x1024xf32, #tpu.memory_space<hbm>> -> memref<1024xf32, #tpu.memory_space<hbm>>
    %dma_wait3A_1286 = arith.constant 0 : i32
    %dma_wait3A_1287 = tpu.memref_slice %arg4[%arg0, %add3A_615, %dma_wait3A_1286] : memref<2x1024x1024xf32, #tpu.memory_space<hbm>> -> memref<1x1x1024xf32, #tpu.memory_space<hbm>>
    %dma_wait3A_1288 = tpu.memref_squeeze %dma_wait3A_1287 : memref<1x1x1024xf32, #tpu.memory_space<hbm>> -> memref<1024xf32, #tpu.memory_space<hbm>>
    %dma_wait3A_1289 = arith.constant 51200 : i32
    %dma_wait3A_1290 = tpu.memref_slice %arg5[%dma_wait3A_1289] : memref<65536xf32, #tpu.memory_space<vmem>> -> memref<1024xf32, #tpu.memory_space<vmem>>
    tpu.wait_dma2 semaphore(%arg8 : memref<!tpu.dma_semaphore, #tpu.memory_space<semaphore_mem>>) src(%dma_wait3A_1290 : memref<1024xf32, #tpu.memory_space<vmem>>) dst(%dma_wait3A_1288 : memref<1024xf32, #tpu.memory_space<hbm>>)
    %dma_wait3A_1291 = arith.constant 52224 : i32
    %dma_wait3A_1292 = tpu.memref_slice %arg5[%dma_wait3A_1291] : memref<65536xf32, #tpu.memory_space<vmem>> -> memref<1024xf32, #tpu.memory_space<vmem>>
    %dma_wait3A_1293 = arith.constant 0 : i32
    %dma_wait3A_1294 = tpu.memref_slice %arg4[%arg0, %add3A_627, %dma_wait3A_1293] : memref<2x1024x1024xf32, #tpu.memory_space<hbm>> -> memref<1x1x1024xf32, #tpu.memory_space<hbm>>
    %dma_wait3A_1295 = tpu.memref_squeeze %dma_wait3A_1294 : memref<1x1x1024xf32, #tpu.memory_space<hbm>> -> memref<1024xf32, #tpu.memory_space<hbm>>
    %dma_wait3A_1296 = arith.constant 0 : i32
    %dma_wait3A_1297 = tpu.memref_slice %arg4[%arg0, %add3A_627, %dma_wait3A_1296] : memref<2x1024x1024xf32, #tpu.memory_space<hbm>> -> memref<1x1x1024xf32, #tpu.memory_space<hbm>>
    %dma_wait3A_1298 = tpu.memref_squeeze %dma_wait3A_1297 : memref<1x1x1024xf32, #tpu.memory_space<hbm>> -> memref<1024xf32, #tpu.memory_space<hbm>>
    %dma_wait3A_1299 = arith.constant 52224 : i32
    %dma_wait3A_1300 = tpu.memref_slice %arg5[%dma_wait3A_1299] : memref<65536xf32, #tpu.memory_space<vmem>> -> memref<1024xf32, #tpu.memory_space<vmem>>
    tpu.wait_dma2 semaphore(%arg8 : memref<!tpu.dma_semaphore, #tpu.memory_space<semaphore_mem>>) src(%dma_wait3A_1300 : memref<1024xf32, #tpu.memory_space<vmem>>) dst(%dma_wait3A_1298 : memref<1024xf32, #tpu.memory_space<hbm>>)
    %dma_wait3A_1301 = arith.constant 53248 : i32
    %dma_wait3A_1302 = tpu.memref_slice %arg5[%dma_wait3A_1301] : memref<65536xf32, #tpu.memory_space<vmem>> -> memref<1024xf32, #tpu.memory_space<vmem>>
    %dma_wait3A_1303 = arith.constant 0 : i32
    %dma_wait3A_1304 = tpu.memref_slice %arg4[%arg0, %add3A_639, %dma_wait3A_1303] : memref<2x1024x1024xf32, #tpu.memory_space<hbm>> -> memref<1x1x1024xf32, #tpu.memory_space<hbm>>
    %dma_wait3A_1305 = tpu.memref_squeeze %dma_wait3A_1304 : memref<1x1x1024xf32, #tpu.memory_space<hbm>> -> memref<1024xf32, #tpu.memory_space<hbm>>
    %dma_wait3A_1306 = arith.constant 0 : i32
    %dma_wait3A_1307 = tpu.memref_slice %arg4[%arg0, %add3A_639, %dma_wait3A_1306] : memref<2x1024x1024xf32, #tpu.memory_space<hbm>> -> memref<1x1x1024xf32, #tpu.memory_space<hbm>>
    %dma_wait3A_1308 = tpu.memref_squeeze %dma_wait3A_1307 : memref<1x1x1024xf32, #tpu.memory_space<hbm>> -> memref<1024xf32, #tpu.memory_space<hbm>>
    %dma_wait3A_1309 = arith.constant 53248 : i32
    %dma_wait3A_1310 = tpu.memref_slice %arg5[%dma_wait3A_1309] : memref<65536xf32, #tpu.memory_space<vmem>> -> memref<1024xf32, #tpu.memory_space<vmem>>
    tpu.wait_dma2 semaphore(%arg8 : memref<!tpu.dma_semaphore, #tpu.memory_space<semaphore_mem>>) src(%dma_wait3A_1310 : memref<1024xf32, #tpu.memory_space<vmem>>) dst(%dma_wait3A_1308 : memref<1024xf32, #tpu.memory_space<hbm>>)
    %dma_wait3A_1311 = arith.constant 54272 : i32
    %dma_wait3A_1312 = tpu.memref_slice %arg5[%dma_wait3A_1311] : memref<65536xf32, #tpu.memory_space<vmem>> -> memref<1024xf32, #tpu.memory_space<vmem>>
    %dma_wait3A_1313 = arith.constant 0 : i32
    %dma_wait3A_1314 = tpu.memref_slice %arg4[%arg0, %add3A_651, %dma_wait3A_1313] : memref<2x1024x1024xf32, #tpu.memory_space<hbm>> -> memref<1x1x1024xf32, #tpu.memory_space<hbm>>
    %dma_wait3A_1315 = tpu.memref_squeeze %dma_wait3A_1314 : memref<1x1x1024xf32, #tpu.memory_space<hbm>> -> memref<1024xf32, #tpu.memory_space<hbm>>
    %dma_wait3A_1316 = arith.constant 0 : i32
    %dma_wait3A_1317 = tpu.memref_slice %arg4[%arg0, %add3A_651, %dma_wait3A_1316] : memref<2x1024x1024xf32, #tpu.memory_space<hbm>> -> memref<1x1x1024xf32, #tpu.memory_space<hbm>>
    %dma_wait3A_1318 = tpu.memref_squeeze %dma_wait3A_1317 : memref<1x1x1024xf32, #tpu.memory_space<hbm>> -> memref<1024xf32, #tpu.memory_space<hbm>>
    %dma_wait3A_1319 = arith.constant 54272 : i32
    %dma_wait3A_1320 = tpu.memref_slice %arg5[%dma_wait3A_1319] : memref<65536xf32, #tpu.memory_space<vmem>> -> memref<1024xf32, #tpu.memory_space<vmem>>
    tpu.wait_dma2 semaphore(%arg8 : memref<!tpu.dma_semaphore, #tpu.memory_space<semaphore_mem>>) src(%dma_wait3A_1320 : memref<1024xf32, #tpu.memory_space<vmem>>) dst(%dma_wait3A_1318 : memref<1024xf32, #tpu.memory_space<hbm>>)
    %dma_wait3A_1321 = arith.constant 55296 : i32
    %dma_wait3A_1322 = tpu.memref_slice %arg5[%dma_wait3A_1321] : memref<65536xf32, #tpu.memory_space<vmem>> -> memref<1024xf32, #tpu.memory_space<vmem>>
    %dma_wait3A_1323 = arith.constant 0 : i32
    %dma_wait3A_1324 = tpu.memref_slice %arg4[%arg0, %add3A_663, %dma_wait3A_1323] : memref<2x1024x1024xf32, #tpu.memory_space<hbm>> -> memref<1x1x1024xf32, #tpu.memory_space<hbm>>
    %dma_wait3A_1325 = tpu.memref_squeeze %dma_wait3A_1324 : memref<1x1x1024xf32, #tpu.memory_space<hbm>> -> memref<1024xf32, #tpu.memory_space<hbm>>
    %dma_wait3A_1326 = arith.constant 0 : i32
    %dma_wait3A_1327 = tpu.memref_slice %arg4[%arg0, %add3A_663, %dma_wait3A_1326] : memref<2x1024x1024xf32, #tpu.memory_space<hbm>> -> memref<1x1x1024xf32, #tpu.memory_space<hbm>>
    %dma_wait3A_1328 = tpu.memref_squeeze %dma_wait3A_1327 : memref<1x1x1024xf32, #tpu.memory_space<hbm>> -> memref<1024xf32, #tpu.memory_space<hbm>>
    %dma_wait3A_1329 = arith.constant 55296 : i32
    %dma_wait3A_1330 = tpu.memref_slice %arg5[%dma_wait3A_1329] : memref<65536xf32, #tpu.memory_space<vmem>> -> memref<1024xf32, #tpu.memory_space<vmem>>
    tpu.wait_dma2 semaphore(%arg8 : memref<!tpu.dma_semaphore, #tpu.memory_space<semaphore_mem>>) src(%dma_wait3A_1330 : memref<1024xf32, #tpu.memory_space<vmem>>) dst(%dma_wait3A_1328 : memref<1024xf32, #tpu.memory_space<hbm>>)
    %dma_wait3A_1331 = arith.constant 56320 : i32
    %dma_wait3A_1332 = tpu.memref_slice %arg5[%dma_wait3A_1331] : memref<65536xf32, #tpu.memory_space<vmem>> -> memref<1024xf32, #tpu.memory_space<vmem>>
    %dma_wait3A_1333 = arith.constant 0 : i32
    %dma_wait3A_1334 = tpu.memref_slice %arg4[%arg0, %add3A_675, %dma_wait3A_1333] : memref<2x1024x1024xf32, #tpu.memory_space<hbm>> -> memref<1x1x1024xf32, #tpu.memory_space<hbm>>
    %dma_wait3A_1335 = tpu.memref_squeeze %dma_wait3A_1334 : memref<1x1x1024xf32, #tpu.memory_space<hbm>> -> memref<1024xf32, #tpu.memory_space<hbm>>
    %dma_wait3A_1336 = arith.constant 0 : i32
    %dma_wait3A_1337 = tpu.memref_slice %arg4[%arg0, %add3A_675, %dma_wait3A_1336] : memref<2x1024x1024xf32, #tpu.memory_space<hbm>> -> memref<1x1x1024xf32, #tpu.memory_space<hbm>>
    %dma_wait3A_1338 = tpu.memref_squeeze %dma_wait3A_1337 : memref<1x1x1024xf32, #tpu.memory_space<hbm>> -> memref<1024xf32, #tpu.memory_space<hbm>>
    %dma_wait3A_1339 = arith.constant 56320 : i32
    %dma_wait3A_1340 = tpu.memref_slice %arg5[%dma_wait3A_1339] : memref<65536xf32, #tpu.memory_space<vmem>> -> memref<1024xf32, #tpu.memory_space<vmem>>
    tpu.wait_dma2 semaphore(%arg8 : memref<!tpu.dma_semaphore, #tpu.memory_space<semaphore_mem>>) src(%dma_wait3A_1340 : memref<1024xf32, #tpu.memory_space<vmem>>) dst(%dma_wait3A_1338 : memref<1024xf32, #tpu.memory_space<hbm>>)
    %dma_wait3A_1341 = arith.constant 57344 : i32
    %dma_wait3A_1342 = tpu.memref_slice %arg5[%dma_wait3A_1341] : memref<65536xf32, #tpu.memory_space<vmem>> -> memref<1024xf32, #tpu.memory_space<vmem>>
    %dma_wait3A_1343 = arith.constant 0 : i32
    %dma_wait3A_1344 = tpu.memref_slice %arg4[%arg0, %add3A_687, %dma_wait3A_1343] : memref<2x1024x1024xf32, #tpu.memory_space<hbm>> -> memref<1x1x1024xf32, #tpu.memory_space<hbm>>
    %dma_wait3A_1345 = tpu.memref_squeeze %dma_wait3A_1344 : memref<1x1x1024xf32, #tpu.memory_space<hbm>> -> memref<1024xf32, #tpu.memory_space<hbm>>
    %dma_wait3A_1346 = arith.constant 0 : i32
    %dma_wait3A_1347 = tpu.memref_slice %arg4[%arg0, %add3A_687, %dma_wait3A_1346] : memref<2x1024x1024xf32, #tpu.memory_space<hbm>> -> memref<1x1x1024xf32, #tpu.memory_space<hbm>>
    %dma_wait3A_1348 = tpu.memref_squeeze %dma_wait3A_1347 : memref<1x1x1024xf32, #tpu.memory_space<hbm>> -> memref<1024xf32, #tpu.memory_space<hbm>>
    %dma_wait3A_1349 = arith.constant 57344 : i32
    %dma_wait3A_1350 = tpu.memref_slice %arg5[%dma_wait3A_1349] : memref<65536xf32, #tpu.memory_space<vmem>> -> memref<1024xf32, #tpu.memory_space<vmem>>
    tpu.wait_dma2 semaphore(%arg8 : memref<!tpu.dma_semaphore, #tpu.memory_space<semaphore_mem>>) src(%dma_wait3A_1350 : memref<1024xf32, #tpu.memory_space<vmem>>) dst(%dma_wait3A_1348 : memref<1024xf32, #tpu.memory_space<hbm>>)
    %dma_wait3A_1351 = arith.constant 58368 : i32
    %dma_wait3A_1352 = tpu.memref_slice %arg5[%dma_wait3A_1351] : memref<65536xf32, #tpu.memory_space<vmem>> -> memref<1024xf32, #tpu.memory_space<vmem>>
    %dma_wait3A_1353 = arith.constant 0 : i32
    %dma_wait3A_1354 = tpu.memref_slice %arg4[%arg0, %add3A_699, %dma_wait3A_1353] : memref<2x1024x1024xf32, #tpu.memory_space<hbm>> -> memref<1x1x1024xf32, #tpu.memory_space<hbm>>
    %dma_wait3A_1355 = tpu.memref_squeeze %dma_wait3A_1354 : memref<1x1x1024xf32, #tpu.memory_space<hbm>> -> memref<1024xf32, #tpu.memory_space<hbm>>
    %dma_wait3A_1356 = arith.constant 0 : i32
    %dma_wait3A_1357 = tpu.memref_slice %arg4[%arg0, %add3A_699, %dma_wait3A_1356] : memref<2x1024x1024xf32, #tpu.memory_space<hbm>> -> memref<1x1x1024xf32, #tpu.memory_space<hbm>>
    %dma_wait3A_1358 = tpu.memref_squeeze %dma_wait3A_1357 : memref<1x1x1024xf32, #tpu.memory_space<hbm>> -> memref<1024xf32, #tpu.memory_space<hbm>>
    %dma_wait3A_1359 = arith.constant 58368 : i32
    %dma_wait3A_1360 = tpu.memref_slice %arg5[%dma_wait3A_1359] : memref<65536xf32, #tpu.memory_space<vmem>> -> memref<1024xf32, #tpu.memory_space<vmem>>
    tpu.wait_dma2 semaphore(%arg8 : memref<!tpu.dma_semaphore, #tpu.memory_space<semaphore_mem>>) src(%dma_wait3A_1360 : memref<1024xf32, #tpu.memory_space<vmem>>) dst(%dma_wait3A_1358 : memref<1024xf32, #tpu.memory_space<hbm>>)
    %dma_wait3A_1361 = arith.constant 59392 : i32
    %dma_wait3A_1362 = tpu.memref_slice %arg5[%dma_wait3A_1361] : memref<65536xf32, #tpu.memory_space<vmem>> -> memref<1024xf32, #tpu.memory_space<vmem>>
    %dma_wait3A_1363 = arith.constant 0 : i32
    %dma_wait3A_1364 = tpu.memref_slice %arg4[%arg0, %add3A_711, %dma_wait3A_1363] : memref<2x1024x1024xf32, #tpu.memory_space<hbm>> -> memref<1x1x1024xf32, #tpu.memory_space<hbm>>
    %dma_wait3A_1365 = tpu.memref_squeeze %dma_wait3A_1364 : memref<1x1x1024xf32, #tpu.memory_space<hbm>> -> memref<1024xf32, #tpu.memory_space<hbm>>
    %dma_wait3A_1366 = arith.constant 0 : i32
    %dma_wait3A_1367 = tpu.memref_slice %arg4[%arg0, %add3A_711, %dma_wait3A_1366] : memref<2x1024x1024xf32, #tpu.memory_space<hbm>> -> memref<1x1x1024xf32, #tpu.memory_space<hbm>>
    %dma_wait3A_1368 = tpu.memref_squeeze %dma_wait3A_1367 : memref<1x1x1024xf32, #tpu.memory_space<hbm>> -> memref<1024xf32, #tpu.memory_space<hbm>>
    %dma_wait3A_1369 = arith.constant 59392 : i32
    %dma_wait3A_1370 = tpu.memref_slice %arg5[%dma_wait3A_1369] : memref<65536xf32, #tpu.memory_space<vmem>> -> memref<1024xf32, #tpu.memory_space<vmem>>
    tpu.wait_dma2 semaphore(%arg8 : memref<!tpu.dma_semaphore, #tpu.memory_space<semaphore_mem>>) src(%dma_wait3A_1370 : memref<1024xf32, #tpu.memory_space<vmem>>) dst(%dma_wait3A_1368 : memref<1024xf32, #tpu.memory_space<hbm>>)
    %dma_wait3A_1371 = arith.constant 60416 : i32
    %dma_wait3A_1372 = tpu.memref_slice %arg5[%dma_wait3A_1371] : memref<65536xf32, #tpu.memory_space<vmem>> -> memref<1024xf32, #tpu.memory_space<vmem>>
    %dma_wait3A_1373 = arith.constant 0 : i32
    %dma_wait3A_1374 = tpu.memref_slice %arg4[%arg0, %add3A_723, %dma_wait3A_1373] : memref<2x1024x1024xf32, #tpu.memory_space<hbm>> -> memref<1x1x1024xf32, #tpu.memory_space<hbm>>
    %dma_wait3A_1375 = tpu.memref_squeeze %dma_wait3A_1374 : memref<1x1x1024xf32, #tpu.memory_space<hbm>> -> memref<1024xf32, #tpu.memory_space<hbm>>
    %dma_wait3A_1376 = arith.constant 0 : i32
    %dma_wait3A_1377 = tpu.memref_slice %arg4[%arg0, %add3A_723, %dma_wait3A_1376] : memref<2x1024x1024xf32, #tpu.memory_space<hbm>> -> memref<1x1x1024xf32, #tpu.memory_space<hbm>>
    %dma_wait3A_1378 = tpu.memref_squeeze %dma_wait3A_1377 : memref<1x1x1024xf32, #tpu.memory_space<hbm>> -> memref<1024xf32, #tpu.memory_space<hbm>>
    %dma_wait3A_1379 = arith.constant 60416 : i32
    %dma_wait3A_1380 = tpu.memref_slice %arg5[%dma_wait3A_1379] : memref<65536xf32, #tpu.memory_space<vmem>> -> memref<1024xf32, #tpu.memory_space<vmem>>
    tpu.wait_dma2 semaphore(%arg8 : memref<!tpu.dma_semaphore, #tpu.memory_space<semaphore_mem>>) src(%dma_wait3A_1380 : memref<1024xf32, #tpu.memory_space<vmem>>) dst(%dma_wait3A_1378 : memref<1024xf32, #tpu.memory_space<hbm>>)
    %dma_wait3A_1381 = arith.constant 61440 : i32
    %dma_wait3A_1382 = tpu.memref_slice %arg5[%dma_wait3A_1381] : memref<65536xf32, #tpu.memory_space<vmem>> -> memref<1024xf32, #tpu.memory_space<vmem>>
    %dma_wait3A_1383 = arith.constant 0 : i32
    %dma_wait3A_1384 = tpu.memref_slice %arg4[%arg0, %add3A_735, %dma_wait3A_1383] : memref<2x1024x1024xf32, #tpu.memory_space<hbm>> -> memref<1x1x1024xf32, #tpu.memory_space<hbm>>
    %dma_wait3A_1385 = tpu.memref_squeeze %dma_wait3A_1384 : memref<1x1x1024xf32, #tpu.memory_space<hbm>> -> memref<1024xf32, #tpu.memory_space<hbm>>
    %dma_wait3A_1386 = arith.constant 0 : i32
    %dma_wait3A_1387 = tpu.memref_slice %arg4[%arg0, %add3A_735, %dma_wait3A_1386] : memref<2x1024x1024xf32, #tpu.memory_space<hbm>> -> memref<1x1x1024xf32, #tpu.memory_space<hbm>>
    %dma_wait3A_1388 = tpu.memref_squeeze %dma_wait3A_1387 : memref<1x1x1024xf32, #tpu.memory_space<hbm>> -> memref<1024xf32, #tpu.memory_space<hbm>>
    %dma_wait3A_1389 = arith.constant 61440 : i32
    %dma_wait3A_1390 = tpu.memref_slice %arg5[%dma_wait3A_1389] : memref<65536xf32, #tpu.memory_space<vmem>> -> memref<1024xf32, #tpu.memory_space<vmem>>
    tpu.wait_dma2 semaphore(%arg8 : memref<!tpu.dma_semaphore, #tpu.memory_space<semaphore_mem>>) src(%dma_wait3A_1390 : memref<1024xf32, #tpu.memory_space<vmem>>) dst(%dma_wait3A_1388 : memref<1024xf32, #tpu.memory_space<hbm>>)
    %dma_wait3A_1391 = arith.constant 62464 : i32
    %dma_wait3A_1392 = tpu.memref_slice %arg5[%dma_wait3A_1391] : memref<65536xf32, #tpu.memory_space<vmem>> -> memref<1024xf32, #tpu.memory_space<vmem>>
    %dma_wait3A_1393 = arith.constant 0 : i32
    %dma_wait3A_1394 = tpu.memref_slice %arg4[%arg0, %add3A_747, %dma_wait3A_1393] : memref<2x1024x1024xf32, #tpu.memory_space<hbm>> -> memref<1x1x1024xf32, #tpu.memory_space<hbm>>
    %dma_wait3A_1395 = tpu.memref_squeeze %dma_wait3A_1394 : memref<1x1x1024xf32, #tpu.memory_space<hbm>> -> memref<1024xf32, #tpu.memory_space<hbm>>
    %dma_wait3A_1396 = arith.constant 0 : i32
    %dma_wait3A_1397 = tpu.memref_slice %arg4[%arg0, %add3A_747, %dma_wait3A_1396] : memref<2x1024x1024xf32, #tpu.memory_space<hbm>> -> memref<1x1x1024xf32, #tpu.memory_space<hbm>>
    %dma_wait3A_1398 = tpu.memref_squeeze %dma_wait3A_1397 : memref<1x1x1024xf32, #tpu.memory_space<hbm>> -> memref<1024xf32, #tpu.memory_space<hbm>>
    %dma_wait3A_1399 = arith.constant 62464 : i32
    %dma_wait3A_1400 = tpu.memref_slice %arg5[%dma_wait3A_1399] : memref<65536xf32, #tpu.memory_space<vmem>> -> memref<1024xf32, #tpu.memory_space<vmem>>
    tpu.wait_dma2 semaphore(%arg8 : memref<!tpu.dma_semaphore, #tpu.memory_space<semaphore_mem>>) src(%dma_wait3A_1400 : memref<1024xf32, #tpu.memory_space<vmem>>) dst(%dma_wait3A_1398 : memref<1024xf32, #tpu.memory_space<hbm>>)
    %dma_wait3A_1401 = arith.constant 63488 : i32
    %dma_wait3A_1402 = tpu.memref_slice %arg5[%dma_wait3A_1401] : memref<65536xf32, #tpu.memory_space<vmem>> -> memref<1024xf32, #tpu.memory_space<vmem>>
    %dma_wait3A_1403 = arith.constant 0 : i32
    %dma_wait3A_1404 = tpu.memref_slice %arg4[%arg0, %add3A_759, %dma_wait3A_1403] : memref<2x1024x1024xf32, #tpu.memory_space<hbm>> -> memref<1x1x1024xf32, #tpu.memory_space<hbm>>
    %dma_wait3A_1405 = tpu.memref_squeeze %dma_wait3A_1404 : memref<1x1x1024xf32, #tpu.memory_space<hbm>> -> memref<1024xf32, #tpu.memory_space<hbm>>
    %dma_wait3A_1406 = arith.constant 0 : i32
    %dma_wait3A_1407 = tpu.memref_slice %arg4[%arg0, %add3A_759, %dma_wait3A_1406] : memref<2x1024x1024xf32, #tpu.memory_space<hbm>> -> memref<1x1x1024xf32, #tpu.memory_space<hbm>>
    %dma_wait3A_1408 = tpu.memref_squeeze %dma_wait3A_1407 : memref<1x1x1024xf32, #tpu.memory_space<hbm>> -> memref<1024xf32, #tpu.memory_space<hbm>>
    %dma_wait3A_1409 = arith.constant 63488 : i32
    %dma_wait3A_1410 = tpu.memref_slice %arg5[%dma_wait3A_1409] : memref<65536xf32, #tpu.memory_space<vmem>> -> memref<1024xf32, #tpu.memory_space<vmem>>
    tpu.wait_dma2 semaphore(%arg8 : memref<!tpu.dma_semaphore, #tpu.memory_space<semaphore_mem>>) src(%dma_wait3A_1410 : memref<1024xf32, #tpu.memory_space<vmem>>) dst(%dma_wait3A_1408 : memref<1024xf32, #tpu.memory_space<hbm>>)
    %dma_wait3A_1411 = arith.constant 64512 : i32
    %dma_wait3A_1412 = tpu.memref_slice %arg5[%dma_wait3A_1411] : memref<65536xf32, #tpu.memory_space<vmem>> -> memref<1024xf32, #tpu.memory_space<vmem>>
    %dma_wait3A_1413 = arith.constant 0 : i32
    %dma_wait3A_1414 = tpu.memref_slice %arg4[%arg0, %add3A_771, %dma_wait3A_1413] : memref<2x1024x1024xf32, #tpu.memory_space<hbm>> -> memref<1x1x1024xf32, #tpu.memory_space<hbm>>
    %dma_wait3A_1415 = tpu.memref_squeeze %dma_wait3A_1414 : memref<1x1x1024xf32, #tpu.memory_space<hbm>> -> memref<1024xf32, #tpu.memory_space<hbm>>
    %dma_wait3A_1416 = arith.constant 0 : i32
    %dma_wait3A_1417 = tpu.memref_slice %arg4[%arg0, %add3A_771, %dma_wait3A_1416] : memref<2x1024x1024xf32, #tpu.memory_space<hbm>> -> memref<1x1x1024xf32, #tpu.memory_space<hbm>>
    %dma_wait3A_1418 = tpu.memref_squeeze %dma_wait3A_1417 : memref<1x1x1024xf32, #tpu.memory_space<hbm>> -> memref<1024xf32, #tpu.memory_space<hbm>>
    %dma_wait3A_1419 = arith.constant 64512 : i32
    %dma_wait3A_1420 = tpu.memref_slice %arg5[%dma_wait3A_1419] : memref<65536xf32, #tpu.memory_space<vmem>> -> memref<1024xf32, #tpu.memory_space<vmem>>
    tpu.wait_dma2 semaphore(%arg8 : memref<!tpu.dma_semaphore, #tpu.memory_space<semaphore_mem>>) src(%dma_wait3A_1420 : memref<1024xf32, #tpu.memory_space<vmem>>) dst(%dma_wait3A_1418 : memref<1024xf32, #tpu.memory_space<hbm>>)
    return
  }
}

module attributes {stable_mosaic.version = 14 : i64} {
  func.func @_pred_body(%arg0: i32, %arg1: memref<1x65536xf32, #tpu.memory_space<vmem>>, %arg2: memref<16x65536xf32, #tpu.memory_space<vmem>>, %arg3: memref<1x16xf32, #tpu.memory_space<vmem>>, %arg4: memref<1x16xf32, #tpu.memory_space<vmem>>, %arg5: memref<16x128xf32, #tpu.memory_space<vmem>>) attributes {dimension_semantics = [#tpu.dimension_semantics<arbitrary>], iteration_bounds = array<i64: 16>, scalar_prefetch = 0 : i64, scratch_operands = 1 : i64, tpu.core_type = #tpu.core_type<tc>, window_params = [{transform_indices = @transform_0, window_bounds = array<i64: 1, 65536>}, {transform_indices = @transform_1, window_bounds = array<i64: 16, 65536>}, {pipeline_mode = #tpu.pipeline_mode<synchronous>, transform_indices = @transform_2, window_bounds = array<i64: 1, 16>}, {pipeline_mode = #tpu.pipeline_mode<synchronous>, transform_indices = @transform_3, window_bounds = array<i64: 1, 16>}]} {
    %eq3A = arith.constant 0 : i32
    %eq3A_0 = arith.cmpi eq, %arg0, %eq3A : i32
    %convert_element_type3A = arith.extui %eq3A_0 : i1 to i32
    %cond3A = arith.constant 0 : i32
    %cond3A_1 = arith.cmpi ne, %convert_element_type3A, %cond3A : i32
    scf.if %cond3A_1 {
      %broadcast_in_dim3A = arith.constant 0.000000e+00 : f32
      %broadcast_in_dim3A_23 = vector.broadcast %broadcast_in_dim3A : f32 to vector<16x128xf32>
      %swap3A_24 = arith.constant 0 : index
      %swap3A_25 = arith.constant 0 : index
      %swap3A_26 = vector.load %arg5[%swap3A_24, %swap3A_25] : memref<16x128xf32, #tpu.memory_space<vmem>>, vector<16x128xf32>
      tpu.vector_store %arg5[%swap3A_24, %swap3A_25], %broadcast_in_dim3A_23 {strides = array<i32>} : memref<16x128xf32, #tpu.memory_space<vmem>>, vector<16x128xf32>,
    } else {
    }
    %get3A = arith.constant 0 : index
    %get3A_2 = arith.constant 0 : index
    %get3A_3 = vector.load %arg1[%get3A, %get3A_2] : memref<1x65536xf32, #tpu.memory_space<vmem>>, vector<1x65536xf32>
    %convert_element_type3A_4 = arith.truncf %get3A_3 : vector<1x65536xf32> to vector<1x65536xbf16>
    %convert_element_type3A_5 = arith.extf %convert_element_type3A_4 : vector<1x65536xbf16> to vector<1x65536xf32>
    %get3A_6 = arith.constant 0 : index
    %get3A_7 = arith.constant 0 : index
    %get3A_8 = vector.load %arg2[%get3A_6, %get3A_7] : memref<16x65536xf32, #tpu.memory_space<vmem>>, vector<16x65536xf32>
    %convert_element_type3A_9 = arith.truncf %get3A_8 : vector<16x65536xf32> to vector<16x65536xbf16>
    %convert_element_type3A_10 = arith.extf %convert_element_type3A_9 : vector<16x65536xbf16> to vector<16x65536xf32>
    %mul3A = vector.broadcast %convert_element_type3A_5 : vector<1x65536xf32> to vector<16x65536xf32>
    %mul3A_11 = arith.mulf %mul3A, %convert_element_type3A_10 : vector<16x65536xf32>
    %get3A_12 = arith.constant 0 : index
    %get3A_13 = arith.constant 0 : index
    %get3A_14 = vector.load %arg5[%get3A_12, %get3A_13] : memref<16x128xf32, #tpu.memory_space<vmem>>, vector<16x128xf32>
    %reshape3A = vector.shape_cast %mul3A_11 : vector<16x65536xf32> to vector<16x512x128xf32>
    %reduce_sum3A = arith.constant dense<0.000000e+00> : vector<16x128xf32>
    %reduce_sum3A_15 = vector.multi_reduction <add>, %reshape3A, %reduce_sum3A [1] : vector<16x512x128xf32> to vector<16x128xf32>
    %add3A = arith.addf %get3A_14, %reduce_sum3A_15 : vector<16x128xf32>
    %swap3A = arith.constant 0 : index
    %swap3A_16 = arith.constant 0 : index
    %swap3A_17 = vector.load %arg5[%swap3A, %swap3A_16] : memref<16x128xf32, #tpu.memory_space<vmem>>, vector<16x128xf32>
    tpu.vector_store %arg5[%swap3A, %swap3A_16], %add3A {strides = array<i32>} : memref<16x128xf32, #tpu.memory_space<vmem>>, vector<16x128xf32>,
    %eq3A_18 = arith.constant 15 : i32
    %eq3A_19 = arith.cmpi eq, %arg0, %eq3A_18 : i32
    %convert_element_type3A_20 = arith.extui %eq3A_19 : i1 to i32
    %cond3A_21 = arith.constant 0 : i32
    %cond3A_22 = arith.cmpi ne, %convert_element_type3A_20, %cond3A_21 : i32
    scf.if %cond3A_22 {
      %broadcast_in_dim3A = arith.constant 1.000000e+00 : f32
      %broadcast_in_dim3A_23 = vector.broadcast %broadcast_in_dim3A : f32 to vector<1x128xf32>
      %get3A_24 = arith.constant 0 : index
      %get3A_25 = arith.constant 0 : index
      %get3A_26 = vector.load %arg5[%get3A_24, %get3A_25] : memref<16x128xf32, #tpu.memory_space<vmem>>, vector<16x128xf32>
      %dot_general3A = arith.constant dense<0.000000e+00> : vector<1x16xf32>
      %dot_general3A_27 = tpu.matmul %broadcast_in_dim3A_23, %get3A_26, %dot_general3A {dimension_numbers = #tpu.dot_dimension_numbers<[1], [1], [0], [0], [0, 0, 1, 0], [], []>, precision = #tpu.contract_precision<fp32>, transpose_lhs_hint = false} : vector<1x128xf32>, vector<16x128xf32>, vector<1x16xf32> -> vector<1x16xf32>
      %get3A_28 = arith.constant 0 : index
      %get3A_29 = arith.constant 0 : index
      %get3A_30 = vector.load %arg3[%get3A_28, %get3A_29] : memref<1x16xf32, #tpu.memory_space<vmem>>, vector<1x16xf32>
      %add3A_31 = arith.addf %dot_general3A_27, %get3A_30 : vector<1x16xf32>
      %swap3A_32 = arith.constant 0 : index
      %swap3A_33 = arith.constant 0 : index
      %swap3A_34 = vector.load %arg4[%swap3A_32, %swap3A_33] : memref<1x16xf32, #tpu.memory_space<vmem>>, vector<1x16xf32>
      tpu.vector_store %arg4[%swap3A_32, %swap3A_33], %add3A_31 {strides = array<i32>} : memref<1x16xf32, #tpu.memory_space<vmem>>, vector<1x16xf32>,
    } else {
    }
    return
  }
  func.func @transform_0(%arg0: i32) -> (i32, i32) {
    %c0_i32 = arith.constant 0 : i32
    %c0_i32_0 = arith.constant 0 : i32
    return %c0_i32, %arg0 : i32, i32
  }
  func.func @transform_1(%arg0: i32) -> (i32, i32) {
    %c0_i32 = arith.constant 0 : i32
    %c0_i32_0 = arith.constant 0 : i32
    return %c0_i32, %arg0 : i32, i32
  }
  func.func @transform_2(%arg0: i32) -> (i32, i32) {
    %c0_i32 = arith.constant 0 : i32
    %c0_i32_0 = arith.constant 0 : i32
    %c0_i32_1 = arith.constant 0 : i32
    return %c0_i32, %c0_i32_0 : i32, i32
  }
  func.func @transform_3(%arg0: i32) -> (i32, i32) {
    %c0_i32 = arith.constant 0 : i32
    %c0_i32_0 = arith.constant 0 : i32
    %c0_i32_1 = arith.constant 0 : i32
    return %c0_i32, %c0_i32_0 : i32, i32
  }
}

module attributes {stable_mosaic.version = 14 : i64} {
  func.func @_pred_body(%arg0: i32, %arg1: memref<1x32768xf32, #tpu.memory_space<vmem>>, %arg2: memref<16x32768xf32, #tpu.memory_space<vmem>>, %arg3: memref<1x16xf32, #tpu.memory_space<vmem>>, %arg4: memref<1x16xf32, #tpu.memory_space<vmem>>, %arg5: memref<16x128xf32, #tpu.memory_space<vmem>>) attributes {dimension_semantics = [#tpu.dimension_semantics<arbitrary>], iteration_bounds = array<i64: 4>, scalar_prefetch = 0 : i64, scratch_operands = 1 : i64, tpu.core_type = #tpu.core_type<tc>, window_params = [{transform_indices = @transform_0, window_bounds = array<i64: 1, 32768>}, {transform_indices = @transform_1, window_bounds = array<i64: 16, 32768>}, {pipeline_mode = #tpu.pipeline_mode<synchronous>, transform_indices = @transform_2, window_bounds = array<i64: 1, 16>}, {pipeline_mode = #tpu.pipeline_mode<synchronous>, transform_indices = @transform_3, window_bounds = array<i64: 1, 16>}]} {
    %eq3A = arith.constant 0 : i32
    %eq3A_0 = arith.cmpi eq, %arg0, %eq3A : i32
    %convert_element_type3A = arith.extui %eq3A_0 : i1 to i32
    %cond3A = arith.constant 0 : i32
    %cond3A_1 = arith.cmpi ne, %convert_element_type3A, %cond3A : i32
    scf.if %cond3A_1 {
      %broadcast_in_dim3A = arith.constant 0.000000e+00 : f32
      %broadcast_in_dim3A_23 = vector.broadcast %broadcast_in_dim3A : f32 to vector<16x128xf32>
      %swap3A_24 = arith.constant 0 : index
      %swap3A_25 = arith.constant 0 : index
      %swap3A_26 = vector.load %arg5[%swap3A_24, %swap3A_25] : memref<16x128xf32, #tpu.memory_space<vmem>>, vector<16x128xf32>
      tpu.vector_store %arg5[%swap3A_24, %swap3A_25], %broadcast_in_dim3A_23 {strides = array<i32>} : memref<16x128xf32, #tpu.memory_space<vmem>>, vector<16x128xf32>,
    } else {
    }
    %get3A = arith.constant 0 : index
    %get3A_2 = arith.constant 0 : index
    %get3A_3 = vector.load %arg1[%get3A, %get3A_2] : memref<1x32768xf32, #tpu.memory_space<vmem>>, vector<1x32768xf32>
    %convert_element_type3A_4 = arith.truncf %get3A_3 : vector<1x32768xf32> to vector<1x32768xbf16>
    %convert_element_type3A_5 = arith.extf %convert_element_type3A_4 : vector<1x32768xbf16> to vector<1x32768xf32>
    %get3A_6 = arith.constant 0 : index
    %get3A_7 = arith.constant 0 : index
    %get3A_8 = vector.load %arg2[%get3A_6, %get3A_7] : memref<16x32768xf32, #tpu.memory_space<vmem>>, vector<16x32768xf32>
    %convert_element_type3A_9 = arith.truncf %get3A_8 : vector<16x32768xf32> to vector<16x32768xbf16>
    %convert_element_type3A_10 = arith.extf %convert_element_type3A_9 : vector<16x32768xbf16> to vector<16x32768xf32>
    %mul3A = vector.broadcast %convert_element_type3A_5 : vector<1x32768xf32> to vector<16x32768xf32>
    %mul3A_11 = arith.mulf %mul3A, %convert_element_type3A_10 : vector<16x32768xf32>
    %get3A_12 = arith.constant 0 : index
    %get3A_13 = arith.constant 0 : index
    %get3A_14 = vector.load %arg5[%get3A_12, %get3A_13] : memref<16x128xf32, #tpu.memory_space<vmem>>, vector<16x128xf32>
    %reshape3A = vector.shape_cast %mul3A_11 : vector<16x32768xf32> to vector<16x256x128xf32>
    %reduce_sum3A = arith.constant dense<0.000000e+00> : vector<16x128xf32>
    %reduce_sum3A_15 = vector.multi_reduction <add>, %reshape3A, %reduce_sum3A [1] : vector<16x256x128xf32> to vector<16x128xf32>
    %add3A = arith.addf %get3A_14, %reduce_sum3A_15 : vector<16x128xf32>
    %swap3A = arith.constant 0 : index
    %swap3A_16 = arith.constant 0 : index
    %swap3A_17 = vector.load %arg5[%swap3A, %swap3A_16] : memref<16x128xf32, #tpu.memory_space<vmem>>, vector<16x128xf32>
    tpu.vector_store %arg5[%swap3A, %swap3A_16], %add3A {strides = array<i32>} : memref<16x128xf32, #tpu.memory_space<vmem>>, vector<16x128xf32>,
    %eq3A_18 = arith.constant 3 : i32
    %eq3A_19 = arith.cmpi eq, %arg0, %eq3A_18 : i32
    %convert_element_type3A_20 = arith.extui %eq3A_19 : i1 to i32
    %cond3A_21 = arith.constant 0 : i32
    %cond3A_22 = arith.cmpi ne, %convert_element_type3A_20, %cond3A_21 : i32
    scf.if %cond3A_22 {
      %broadcast_in_dim3A = arith.constant 1.000000e+00 : f32
      %broadcast_in_dim3A_23 = vector.broadcast %broadcast_in_dim3A : f32 to vector<1x128xf32>
      %get3A_24 = arith.constant 0 : index
      %get3A_25 = arith.constant 0 : index
      %get3A_26 = vector.load %arg5[%get3A_24, %get3A_25] : memref<16x128xf32, #tpu.memory_space<vmem>>, vector<16x128xf32>
      %dot_general3A = arith.constant dense<0.000000e+00> : vector<1x16xf32>
      %dot_general3A_27 = tpu.matmul %broadcast_in_dim3A_23, %get3A_26, %dot_general3A {dimension_numbers = #tpu.dot_dimension_numbers<[1], [1], [0], [0], [0, 0, 1, 0], [], []>, precision = #tpu.contract_precision<fp32>, transpose_lhs_hint = false} : vector<1x128xf32>, vector<16x128xf32>, vector<1x16xf32> -> vector<1x16xf32>
      %get3A_28 = arith.constant 0 : index
      %get3A_29 = arith.constant 0 : index
      %get3A_30 = vector.load %arg3[%get3A_28, %get3A_29] : memref<1x16xf32, #tpu.memory_space<vmem>>, vector<1x16xf32>
      %add3A_31 = arith.addf %dot_general3A_27, %get3A_30 : vector<1x16xf32>
      %swap3A_32 = arith.constant 0 : index
      %swap3A_33 = arith.constant 0 : index
      %swap3A_34 = vector.load %arg4[%swap3A_32, %swap3A_33] : memref<1x16xf32, #tpu.memory_space<vmem>>, vector<1x16xf32>
      tpu.vector_store %arg4[%swap3A_32, %swap3A_33], %add3A_31 {strides = array<i32>} : memref<1x16xf32, #tpu.memory_space<vmem>>, vector<1x16xf32>,
    } else {
    }
    return
  }
  func.func @transform_0(%arg0: i32) -> (i32, i32) {
    %c0_i32 = arith.constant 0 : i32
    %c0_i32_0 = arith.constant 0 : i32
    return %c0_i32, %arg0 : i32, i32
  }
  func.func @transform_1(%arg0: i32) -> (i32, i32) {
    %c0_i32 = arith.constant 0 : i32
    %c0_i32_0 = arith.constant 0 : i32
    return %c0_i32, %arg0 : i32, i32
  }
  func.func @transform_2(%arg0: i32) -> (i32, i32) {
    %c0_i32 = arith.constant 0 : i32
    %c0_i32_0 = arith.constant 0 : i32
    %c0_i32_1 = arith.constant 0 : i32
    return %c0_i32, %c0_i32_0 : i32, i32
  }
  func.func @transform_3(%arg0: i32) -> (i32, i32) {
    %c0_i32 = arith.constant 0 : i32
    %c0_i32_0 = arith.constant 0 : i32
    %c0_i32_1 = arith.constant 0 : i32
    return %c0_i32, %c0_i32_0 : i32, i32
  }
}

module attributes {stable_mosaic.version = 14 : i64} {
  func.func @_gnn_body(%arg0: memref<1024x1024xf32, #tpu.memory_space<vmem>>, %arg1: memref<2x1024x1024xf32, #tpu.memory_space<vmem>>, %arg2: memref<1024x128xf32, #tpu.memory_space<vmem>>, %arg3: memref<1x128xf32, #tpu.memory_space<vmem>>, %arg4: memref<1x128xf32, #tpu.memory_space<vmem>>, %arg5: memref<1x128xf32, #tpu.memory_space<vmem>>, %arg6: memref<128x128xf32, #tpu.memory_space<vmem>>, %arg7: memref<1x128xf32, #tpu.memory_space<vmem>>, %arg8: memref<1x128xf32, #tpu.memory_space<vmem>>, %arg9: memref<1x128xf32, #tpu.memory_space<vmem>>, %arg10: memref<1x128xf32, #tpu.memory_space<vmem>>, %arg11: memref<1x128xf32, #tpu.memory_space<vmem>>, %arg12: memref<128x128xf32, #tpu.memory_space<vmem>>, %arg13: memref<1x128xf32, #tpu.memory_space<vmem>>, %arg14: memref<1x128xf32, #tpu.memory_space<vmem>>, %arg15: memref<1x128xf32, #tpu.memory_space<vmem>>, %arg16: memref<128x128xf32, #tpu.memory_space<vmem>>, %arg17: memref<1x128xf32, #tpu.memory_space<vmem>>, %arg18: memref<1x128xf32, #tpu.memory_space<vmem>>, %arg19: memref<1x128xf32, #tpu.memory_space<vmem>>, %arg20: memref<1x128xf32, #tpu.memory_space<vmem>>, %arg21: memref<1x128xf32, #tpu.memory_space<vmem>>, %arg22: memref<1024x128xf32, #tpu.memory_space<vmem>>, %arg23: memref<1024x128xf32, #tpu.memory_space<vmem>>) attributes {dimension_semantics = [], scalar_prefetch = 0 : i64, scratch_operands = 0 : i64, tpu.core_type = #tpu.core_type<tc>} {
    %get3A = arith.constant 0 : index
    %get3A_0 = arith.constant 0 : index
    %get3A_1 = arith.constant 0 : index
    %get3A_2 = vector.load %arg1[%get3A, %get3A_0, %get3A_1] : memref<2x1024x1024xf32, #tpu.memory_space<vmem>>, vector<1x1024x1024xf32>
    %get3A_3 = vector.shape_cast %get3A_2 : vector<1x1024x1024xf32> to vector<1024x1024xf32>
    %get3A_4 = arith.constant 1 : index
    %get3A_5 = arith.constant 0 : index
    %get3A_6 = arith.constant 0 : index
    %get3A_7 = vector.load %arg1[%get3A_4, %get3A_5, %get3A_6] : memref<2x1024x1024xf32, #tpu.memory_space<vmem>>, vector<1x1024x1024xf32>
    %get3A_8 = vector.shape_cast %get3A_7 : vector<1x1024x1024xf32> to vector<1024x1024xf32>
    %add3A = arith.addf %get3A_3, %get3A_8 : vector<1024x1024xf32>
    %get3A_9 = arith.constant 0 : index
    %get3A_10 = arith.constant 0 : index
    %get3A_11 = vector.load %arg0[%get3A_9, %get3A_10] : memref<1024x1024xf32, #tpu.memory_space<vmem>>, vector<1024x1024xf32>
    %convert_element_type3A = arith.truncf %add3A : vector<1024x1024xf32> to vector<1024x1024xbf16>
    %convert_element_type3A_12 = arith.truncf %get3A_11 : vector<1024x1024xf32> to vector<1024x1024xbf16>
    %convert_element_type3A_13 = arith.extf %convert_element_type3A_12 : vector<1024x1024xbf16> to vector<1024x1024xf32>
    %sub3A = arith.subf %get3A_11, %convert_element_type3A_13 : vector<1024x1024xf32>
    %convert_element_type3A_14 = arith.truncf %sub3A : vector<1024x1024xf32> to vector<1024x1024xbf16>
    %convert_element_type3A_15 = arith.extf %convert_element_type3A_14 : vector<1024x1024xbf16> to vector<1024x1024xf32>
    %sub3A_16 = arith.subf %sub3A, %convert_element_type3A_15 : vector<1024x1024xf32>
    %convert_element_type3A_17 = arith.truncf %sub3A_16 : vector<1024x1024xf32> to vector<1024x1024xbf16>
    %dot_general3A = arith.constant dense<0.000000e+00> : vector<1024x1024xf32>
    %dot_general3A_18 = tpu.matmul %convert_element_type3A, %convert_element_type3A_12, %dot_general3A {dimension_numbers = #tpu.dot_dimension_numbers<[1], [0], [0], [1], [0, 0, 1, 1], [], []>, transpose_lhs_hint = false} : vector<1024x1024xbf16>, vector<1024x1024xbf16>, vector<1024x1024xf32> -> vector<1024x1024xf32>
    %dot_general3A_19 = arith.constant dense<0.000000e+00> : vector<1024x1024xf32>
    %dot_general3A_20 = tpu.matmul %convert_element_type3A, %convert_element_type3A_14, %dot_general3A_19 {dimension_numbers = #tpu.dot_dimension_numbers<[1], [0], [0], [1], [0, 0, 1, 1], [], []>, transpose_lhs_hint = false} : vector<1024x1024xbf16>, vector<1024x1024xbf16>, vector<1024x1024xf32> -> vector<1024x1024xf32>
    %add3A_21 = arith.addf %dot_general3A_18, %dot_general3A_20 : vector<1024x1024xf32>
    %dot_general3A_22 = arith.constant dense<0.000000e+00> : vector<1024x1024xf32>
    %dot_general3A_23 = tpu.matmul %convert_element_type3A, %convert_element_type3A_17, %dot_general3A_22 {dimension_numbers = #tpu.dot_dimension_numbers<[1], [0], [0], [1], [0, 0, 1, 1], [], []>, transpose_lhs_hint = false} : vector<1024x1024xbf16>, vector<1024x1024xbf16>, vector<1024x1024xf32> -> vector<1024x1024xf32>
    %add3A_24 = arith.addf %add3A_21, %dot_general3A_23 : vector<1024x1024xf32>
    %add3A_25 = arith.addf %get3A_11, %add3A_24 : vector<1024x1024xf32>
    %get3A_26 = arith.constant 0 : index
    %get3A_27 = arith.constant 0 : index
    %get3A_28 = vector.load %arg2[%get3A_26, %get3A_27] : memref<1024x128xf32, #tpu.memory_space<vmem>>, vector<1024x128xf32>
    %convert_element_type3A_29 = arith.truncf %add3A_25 : vector<1024x1024xf32> to vector<1024x1024xbf16>
    %convert_element_type3A_30 = arith.truncf %get3A_28 : vector<1024x128xf32> to vector<1024x128xbf16>
    %dot_general3A_31 = arith.constant dense<0.000000e+00> : vector<1024x128xf32>
    %dot_general3A_32 = tpu.matmul %convert_element_type3A_29, %convert_element_type3A_30, %dot_general3A_31 {dimension_numbers = #tpu.dot_dimension_numbers<[1], [0], [0], [1], [0, 0, 1, 1], [], []>, transpose_lhs_hint = false} : vector<1024x1024xbf16>, vector<1024x128xbf16>, vector<1024x128xf32> -> vector<1024x128xf32>
    %get3A_33 = arith.constant 0 : index
    %get3A_34 = arith.constant 0 : index
    %get3A_35 = vector.load %arg3[%get3A_33, %get3A_34] : memref<1x128xf32, #tpu.memory_space<vmem>>, vector<1x128xf32>
    %add3A_36 = vector.broadcast %get3A_35 : vector<1x128xf32> to vector<1024x128xf32>
    %add3A_37 = arith.addf %dot_general3A_32, %add3A_36 : vector<1024x128xf32>
    %get3A_38 = arith.constant 0 : index
    %get3A_39 = arith.constant 0 : index
    %get3A_40 = vector.load %arg4[%get3A_38, %get3A_39] : memref<1x128xf32, #tpu.memory_space<vmem>>, vector<1x128xf32>
    %get3A_41 = arith.constant 0 : index
    %get3A_42 = arith.constant 0 : index
    %get3A_43 = vector.load %arg5[%get3A_41, %get3A_42] : memref<1x128xf32, #tpu.memory_space<vmem>>, vector<1x128xf32>
    %reduce_sum3A = arith.constant dense<0.000000e+00> : vector<128xf32>
    %reduce_sum3A_44 = vector.multi_reduction <add>, %add3A_37, %reduce_sum3A [0] : vector<1024x128xf32> to vector<128xf32>
    %broadcast_in_dim3A = vector.shape_cast %reduce_sum3A_44 : vector<128xf32> to vector<1x128xf32>
    %div3A = arith.constant 1.024000e+03 : f32
    %div3A_45 = vector.broadcast %div3A : f32 to vector<1x128xf32>
    %div3A_46 = arith.divf %broadcast_in_dim3A, %div3A_45 : vector<1x128xf32>
    %sub3A_47 = vector.broadcast %div3A_46 : vector<1x128xf32> to vector<1024x128xf32>
    %sub3A_48 = arith.subf %add3A_37, %sub3A_47 : vector<1024x128xf32>
    %abs3A = math.absf %sub3A_48 : vector<1024x128xf32>
    %integer_pow3A = arith.mulf %abs3A, %abs3A : vector<1024x128xf32>
    %reduce_sum3A_49 = arith.constant dense<0.000000e+00> : vector<128xf32>
    %reduce_sum3A_50 = vector.multi_reduction <add>, %integer_pow3A, %reduce_sum3A_49 [0] : vector<1024x128xf32> to vector<128xf32>
    %broadcast_in_dim3A_51 = vector.shape_cast %reduce_sum3A_50 : vector<128xf32> to vector<1x128xf32>
    %div3A_52 = arith.constant 1.024000e+03 : f32
    %div3A_53 = vector.broadcast %div3A_52 : f32 to vector<1x128xf32>
    %div3A_54 = arith.divf %broadcast_in_dim3A_51, %div3A_53 : vector<1x128xf32>
    %sub3A_55 = vector.broadcast %div3A_46 : vector<1x128xf32> to vector<1024x128xf32>
    %sub3A_56 = arith.subf %add3A_37, %sub3A_55 : vector<1024x128xf32>
    %mul3A = vector.broadcast %get3A_40 : vector<1x128xf32> to vector<1024x128xf32>
    %mul3A_57 = arith.mulf %mul3A, %sub3A_56 : vector<1024x128xf32>
    %add3A_58 = arith.constant 9.99999974E-6 : f32
    %add3A_59 = vector.broadcast %add3A_58 : f32 to vector<1x128xf32>
    %add3A_60 = arith.addf %div3A_54, %add3A_59 : vector<1x128xf32>
    %sqrt3A = math.sqrt %add3A_60 : vector<1x128xf32>
    %div3A_61 = vector.broadcast %sqrt3A : vector<1x128xf32> to vector<1024x128xf32>
    %div3A_62 = arith.divf %mul3A_57, %div3A_61 : vector<1024x128xf32>
    %add3A_63 = vector.broadcast %get3A_43 : vector<1x128xf32> to vector<1024x128xf32>
    %add3A_64 = arith.addf %div3A_62, %add3A_63 : vector<1024x128xf32>
    %max3A = arith.constant 0.000000e+00 : f32
    %max3A_65 = vector.broadcast %max3A : f32 to vector<1024x128xf32>
    %max3A_66 = arith.maximumf %add3A_64, %max3A_65 : vector<1024x128xf32>
    %get3A_67 = arith.constant 0 : index
    %get3A_68 = arith.constant 0 : index
    %get3A_69 = vector.load %arg6[%get3A_67, %get3A_68] : memref<128x128xf32, #tpu.memory_space<vmem>>, vector<128x128xf32>
    %convert_element_type3A_70 = arith.truncf %max3A_66 : vector<1024x128xf32> to vector<1024x128xbf16>
    %convert_element_type3A_71 = arith.truncf %get3A_69 : vector<128x128xf32> to vector<128x128xbf16>
    %dot_general3A_72 = arith.constant dense<0.000000e+00> : vector<1024x128xf32>
    %dot_general3A_73 = tpu.matmul %convert_element_type3A_70, %convert_element_type3A_71, %dot_general3A_72 {dimension_numbers = #tpu.dot_dimension_numbers<[1], [0], [0], [1], [0, 0, 1, 1], [], []>, transpose_lhs_hint = false} : vector<1024x128xbf16>, vector<128x128xbf16>, vector<1024x128xf32> -> vector<1024x128xf32>
    %get3A_74 = arith.constant 0 : index
    %get3A_75 = arith.constant 0 : index
    %get3A_76 = vector.load %arg7[%get3A_74, %get3A_75] : memref<1x128xf32, #tpu.memory_space<vmem>>, vector<1x128xf32>
    %add3A_77 = vector.broadcast %get3A_76 : vector<1x128xf32> to vector<1024x128xf32>
    %add3A_78 = arith.addf %dot_general3A_73, %add3A_77 : vector<1024x128xf32>
    %get3A_79 = arith.constant 0 : index
    %get3A_80 = arith.constant 0 : index
    %get3A_81 = vector.load %arg8[%get3A_79, %get3A_80] : memref<1x128xf32, #tpu.memory_space<vmem>>, vector<1x128xf32>
    %get3A_82 = arith.constant 0 : index
    %get3A_83 = arith.constant 0 : index
    %get3A_84 = vector.load %arg9[%get3A_82, %get3A_83] : memref<1x128xf32, #tpu.memory_space<vmem>>, vector<1x128xf32>
    %reduce_sum3A_85 = arith.constant dense<0.000000e+00> : vector<128xf32>
    %reduce_sum3A_86 = vector.multi_reduction <add>, %add3A_78, %reduce_sum3A_85 [0] : vector<1024x128xf32> to vector<128xf32>
    %broadcast_in_dim3A_87 = vector.shape_cast %reduce_sum3A_86 : vector<128xf32> to vector<1x128xf32>
    %div3A_88 = arith.constant 1.024000e+03 : f32
    %div3A_89 = vector.broadcast %div3A_88 : f32 to vector<1x128xf32>
    %div3A_90 = arith.divf %broadcast_in_dim3A_87, %div3A_89 : vector<1x128xf32>
    %sub3A_91 = vector.broadcast %div3A_90 : vector<1x128xf32> to vector<1024x128xf32>
    %sub3A_92 = arith.subf %add3A_78, %sub3A_91 : vector<1024x128xf32>
    %abs3A_93 = math.absf %sub3A_92 : vector<1024x128xf32>
    %integer_pow3A_94 = arith.mulf %abs3A_93, %abs3A_93 : vector<1024x128xf32>
    %reduce_sum3A_95 = arith.constant dense<0.000000e+00> : vector<128xf32>
    %reduce_sum3A_96 = vector.multi_reduction <add>, %integer_pow3A_94, %reduce_sum3A_95 [0] : vector<1024x128xf32> to vector<128xf32>
    %broadcast_in_dim3A_97 = vector.shape_cast %reduce_sum3A_96 : vector<128xf32> to vector<1x128xf32>
    %div3A_98 = arith.constant 1.024000e+03 : f32
    %div3A_99 = vector.broadcast %div3A_98 : f32 to vector<1x128xf32>
    %div3A_100 = arith.divf %broadcast_in_dim3A_97, %div3A_99 : vector<1x128xf32>
    %sub3A_101 = vector.broadcast %div3A_90 : vector<1x128xf32> to vector<1024x128xf32>
    %sub3A_102 = arith.subf %add3A_78, %sub3A_101 : vector<1024x128xf32>
    %mul3A_103 = vector.broadcast %get3A_81 : vector<1x128xf32> to vector<1024x128xf32>
    %mul3A_104 = arith.mulf %mul3A_103, %sub3A_102 : vector<1024x128xf32>
    %add3A_105 = arith.constant 9.99999974E-6 : f32
    %add3A_106 = vector.broadcast %add3A_105 : f32 to vector<1x128xf32>
    %add3A_107 = arith.addf %div3A_100, %add3A_106 : vector<1x128xf32>
    %sqrt3A_108 = math.sqrt %add3A_107 : vector<1x128xf32>
    %div3A_109 = vector.broadcast %sqrt3A_108 : vector<1x128xf32> to vector<1024x128xf32>
    %div3A_110 = arith.divf %mul3A_104, %div3A_109 : vector<1024x128xf32>
    %add3A_111 = vector.broadcast %get3A_84 : vector<1x128xf32> to vector<1024x128xf32>
    %add3A_112 = arith.addf %div3A_110, %add3A_111 : vector<1024x128xf32>
    %max3A_113 = arith.constant 0.000000e+00 : f32
    %max3A_114 = vector.broadcast %max3A_113 : f32 to vector<1024x128xf32>
    %max3A_115 = arith.maximumf %add3A_112, %max3A_114 : vector<1024x128xf32>
    %get3A_116 = arith.constant 0 : index
    %get3A_117 = arith.constant 0 : index
    %get3A_118 = vector.load %arg10[%get3A_116, %get3A_117] : memref<1x128xf32, #tpu.memory_space<vmem>>, vector<1x128xf32>
    %get3A_119 = arith.constant 0 : index
    %get3A_120 = arith.constant 0 : index
    %get3A_121 = vector.load %arg11[%get3A_119, %get3A_120] : memref<1x128xf32, #tpu.memory_space<vmem>>, vector<1x128xf32>
    %reduce_sum3A_122 = arith.constant dense<0.000000e+00> : vector<128xf32>
    %reduce_sum3A_123 = vector.multi_reduction <add>, %max3A_115, %reduce_sum3A_122 [0] : vector<1024x128xf32> to vector<128xf32>
    %broadcast_in_dim3A_124 = vector.shape_cast %reduce_sum3A_123 : vector<128xf32> to vector<1x128xf32>
    %div3A_125 = arith.constant 1.024000e+03 : f32
    %div3A_126 = vector.broadcast %div3A_125 : f32 to vector<1x128xf32>
    %div3A_127 = arith.divf %broadcast_in_dim3A_124, %div3A_126 : vector<1x128xf32>
    %sub3A_128 = vector.broadcast %div3A_127 : vector<1x128xf32> to vector<1024x128xf32>
    %sub3A_129 = arith.subf %max3A_115, %sub3A_128 : vector<1024x128xf32>
    %abs3A_130 = math.absf %sub3A_129 : vector<1024x128xf32>
    %integer_pow3A_131 = arith.mulf %abs3A_130, %abs3A_130 : vector<1024x128xf32>
    %reduce_sum3A_132 = arith.constant dense<0.000000e+00> : vector<128xf32>
    %reduce_sum3A_133 = vector.multi_reduction <add>, %integer_pow3A_131, %reduce_sum3A_132 [0] : vector<1024x128xf32> to vector<128xf32>
    %broadcast_in_dim3A_134 = vector.shape_cast %reduce_sum3A_133 : vector<128xf32> to vector<1x128xf32>
    %div3A_135 = arith.constant 1.024000e+03 : f32
    %div3A_136 = vector.broadcast %div3A_135 : f32 to vector<1x128xf32>
    %div3A_137 = arith.divf %broadcast_in_dim3A_134, %div3A_136 : vector<1x128xf32>
    %sub3A_138 = vector.broadcast %div3A_127 : vector<1x128xf32> to vector<1024x128xf32>
    %sub3A_139 = arith.subf %max3A_115, %sub3A_138 : vector<1024x128xf32>
    %mul3A_140 = vector.broadcast %get3A_118 : vector<1x128xf32> to vector<1024x128xf32>
    %mul3A_141 = arith.mulf %mul3A_140, %sub3A_139 : vector<1024x128xf32>
    %add3A_142 = arith.constant 9.99999974E-6 : f32
    %add3A_143 = vector.broadcast %add3A_142 : f32 to vector<1x128xf32>
    %add3A_144 = arith.addf %div3A_137, %add3A_143 : vector<1x128xf32>
    %sqrt3A_145 = math.sqrt %add3A_144 : vector<1x128xf32>
    %div3A_146 = vector.broadcast %sqrt3A_145 : vector<1x128xf32> to vector<1024x128xf32>
    %div3A_147 = arith.divf %mul3A_141, %div3A_146 : vector<1024x128xf32>
    %add3A_148 = vector.broadcast %get3A_121 : vector<1x128xf32> to vector<1024x128xf32>
    %add3A_149 = arith.addf %div3A_147, %add3A_148 : vector<1024x128xf32>
    %max3A_150 = arith.constant 0.000000e+00 : f32
    %max3A_151 = vector.broadcast %max3A_150 : f32 to vector<1024x128xf32>
    %max3A_152 = arith.maximumf %add3A_149, %max3A_151 : vector<1024x128xf32>
    %swap3A = arith.constant 0 : index
    %swap3A_153 = arith.constant 0 : index
    %swap3A_154 = vector.load %arg22[%swap3A, %swap3A_153] : memref<1024x128xf32, #tpu.memory_space<vmem>>, vector<1024x128xf32>
    tpu.vector_store %arg22[%swap3A, %swap3A_153], %max3A_152 {strides = array<i32>} : memref<1024x128xf32, #tpu.memory_space<vmem>>, vector<1024x128xf32>,
    %convert_element_type3A_155 = arith.truncf %add3A : vector<1024x1024xf32> to vector<1024x1024xbf16>
    %convert_element_type3A_156 = arith.truncf %max3A_152 : vector<1024x128xf32> to vector<1024x128xbf16>
    %convert_element_type3A_157 = arith.extf %convert_element_type3A_156 : vector<1024x128xbf16> to vector<1024x128xf32>
    %sub3A_158 = arith.subf %max3A_152, %convert_element_type3A_157 : vector<1024x128xf32>
    %convert_element_type3A_159 = arith.truncf %sub3A_158 : vector<1024x128xf32> to vector<1024x128xbf16>
    %convert_element_type3A_160 = arith.extf %convert_element_type3A_159 : vector<1024x128xbf16> to vector<1024x128xf32>
    %sub3A_161 = arith.subf %sub3A_158, %convert_element_type3A_160 : vector<1024x128xf32>
    %convert_element_type3A_162 = arith.truncf %sub3A_161 : vector<1024x128xf32> to vector<1024x128xbf16>
    %dot_general3A_163 = arith.constant dense<0.000000e+00> : vector<1024x128xf32>
    %dot_general3A_164 = tpu.matmul %convert_element_type3A_155, %convert_element_type3A_156, %dot_general3A_163 {dimension_numbers = #tpu.dot_dimension_numbers<[1], [0], [0], [1], [0, 0, 1, 1], [], []>, transpose_lhs_hint = false} : vector<1024x1024xbf16>, vector<1024x128xbf16>, vector<1024x128xf32> -> vector<1024x128xf32>
    %dot_general3A_165 = arith.constant dense<0.000000e+00> : vector<1024x128xf32>
    %dot_general3A_166 = tpu.matmul %convert_element_type3A_155, %convert_element_type3A_159, %dot_general3A_165 {dimension_numbers = #tpu.dot_dimension_numbers<[1], [0], [0], [1], [0, 0, 1, 1], [], []>, transpose_lhs_hint = false} : vector<1024x1024xbf16>, vector<1024x128xbf16>, vector<1024x128xf32> -> vector<1024x128xf32>
    %add3A_167 = arith.addf %dot_general3A_164, %dot_general3A_166 : vector<1024x128xf32>
    %dot_general3A_168 = arith.constant dense<0.000000e+00> : vector<1024x128xf32>
    %dot_general3A_169 = tpu.matmul %convert_element_type3A_155, %convert_element_type3A_162, %dot_general3A_168 {dimension_numbers = #tpu.dot_dimension_numbers<[1], [0], [0], [1], [0, 0, 1, 1], [], []>, transpose_lhs_hint = false} : vector<1024x1024xbf16>, vector<1024x128xbf16>, vector<1024x128xf32> -> vector<1024x128xf32>
    %add3A_170 = arith.addf %add3A_167, %dot_general3A_169 : vector<1024x128xf32>
    %add3A_171 = arith.addf %max3A_152, %add3A_170 : vector<1024x128xf32>
    %get3A_172 = arith.constant 0 : index
    %get3A_173 = arith.constant 0 : index
    %get3A_174 = vector.load %arg12[%get3A_172, %get3A_173] : memref<128x128xf32, #tpu.memory_space<vmem>>, vector<128x128xf32>
    %convert_element_type3A_175 = arith.truncf %add3A_171 : vector<1024x128xf32> to vector<1024x128xbf16>
    %convert_element_type3A_176 = arith.truncf %get3A_174 : vector<128x128xf32> to vector<128x128xbf16>
    %dot_general3A_177 = arith.constant dense<0.000000e+00> : vector<1024x128xf32>
    %dot_general3A_178 = tpu.matmul %convert_element_type3A_175, %convert_element_type3A_176, %dot_general3A_177 {dimension_numbers = #tpu.dot_dimension_numbers<[1], [0], [0], [1], [0, 0, 1, 1], [], []>, transpose_lhs_hint = false} : vector<1024x128xbf16>, vector<128x128xbf16>, vector<1024x128xf32> -> vector<1024x128xf32>
    %get3A_179 = arith.constant 0 : index
    %get3A_180 = arith.constant 0 : index
    %get3A_181 = vector.load %arg13[%get3A_179, %get3A_180] : memref<1x128xf32, #tpu.memory_space<vmem>>, vector<1x128xf32>
    %add3A_182 = vector.broadcast %get3A_181 : vector<1x128xf32> to vector<1024x128xf32>
    %add3A_183 = arith.addf %dot_general3A_178, %add3A_182 : vector<1024x128xf32>
    %get3A_184 = arith.constant 0 : index
    %get3A_185 = arith.constant 0 : index
    %get3A_186 = vector.load %arg14[%get3A_184, %get3A_185] : memref<1x128xf32, #tpu.memory_space<vmem>>, vector<1x128xf32>
    %get3A_187 = arith.constant 0 : index
    %get3A_188 = arith.constant 0 : index
    %get3A_189 = vector.load %arg15[%get3A_187, %get3A_188] : memref<1x128xf32, #tpu.memory_space<vmem>>, vector<1x128xf32>
    %reduce_sum3A_190 = arith.constant dense<0.000000e+00> : vector<128xf32>
    %reduce_sum3A_191 = vector.multi_reduction <add>, %add3A_183, %reduce_sum3A_190 [0] : vector<1024x128xf32> to vector<128xf32>
    %broadcast_in_dim3A_192 = vector.shape_cast %reduce_sum3A_191 : vector<128xf32> to vector<1x128xf32>
    %div3A_193 = arith.constant 1.024000e+03 : f32
    %div3A_194 = vector.broadcast %div3A_193 : f32 to vector<1x128xf32>
    %div3A_195 = arith.divf %broadcast_in_dim3A_192, %div3A_194 : vector<1x128xf32>
    %sub3A_196 = vector.broadcast %div3A_195 : vector<1x128xf32> to vector<1024x128xf32>
    %sub3A_197 = arith.subf %add3A_183, %sub3A_196 : vector<1024x128xf32>
    %abs3A_198 = math.absf %sub3A_197 : vector<1024x128xf32>
    %integer_pow3A_199 = arith.mulf %abs3A_198, %abs3A_198 : vector<1024x128xf32>
    %reduce_sum3A_200 = arith.constant dense<0.000000e+00> : vector<128xf32>
    %reduce_sum3A_201 = vector.multi_reduction <add>, %integer_pow3A_199, %reduce_sum3A_200 [0] : vector<1024x128xf32> to vector<128xf32>
    %broadcast_in_dim3A_202 = vector.shape_cast %reduce_sum3A_201 : vector<128xf32> to vector<1x128xf32>
    %div3A_203 = arith.constant 1.024000e+03 : f32
    %div3A_204 = vector.broadcast %div3A_203 : f32 to vector<1x128xf32>
    %div3A_205 = arith.divf %broadcast_in_dim3A_202, %div3A_204 : vector<1x128xf32>
    %sub3A_206 = vector.broadcast %div3A_195 : vector<1x128xf32> to vector<1024x128xf32>
    %sub3A_207 = arith.subf %add3A_183, %sub3A_206 : vector<1024x128xf32>
    %mul3A_208 = vector.broadcast %get3A_186 : vector<1x128xf32> to vector<1024x128xf32>
    %mul3A_209 = arith.mulf %mul3A_208, %sub3A_207 : vector<1024x128xf32>
    %add3A_210 = arith.constant 9.99999974E-6 : f32
    %add3A_211 = vector.broadcast %add3A_210 : f32 to vector<1x128xf32>
    %add3A_212 = arith.addf %div3A_205, %add3A_211 : vector<1x128xf32>
    %sqrt3A_213 = math.sqrt %add3A_212 : vector<1x128xf32>
    %div3A_214 = vector.broadcast %sqrt3A_213 : vector<1x128xf32> to vector<1024x128xf32>
    %div3A_215 = arith.divf %mul3A_209, %div3A_214 : vector<1024x128xf32>
    %add3A_216 = vector.broadcast %get3A_189 : vector<1x128xf32> to vector<1024x128xf32>
    %add3A_217 = arith.addf %div3A_215, %add3A_216 : vector<1024x128xf32>
    %max3A_218 = arith.constant 0.000000e+00 : f32
    %max3A_219 = vector.broadcast %max3A_218 : f32 to vector<1024x128xf32>
    %max3A_220 = arith.maximumf %add3A_217, %max3A_219 : vector<1024x128xf32>
    %get3A_221 = arith.constant 0 : index
    %get3A_222 = arith.constant 0 : index
    %get3A_223 = vector.load %arg16[%get3A_221, %get3A_222] : memref<128x128xf32, #tpu.memory_space<vmem>>, vector<128x128xf32>
    %convert_element_type3A_224 = arith.truncf %max3A_220 : vector<1024x128xf32> to vector<1024x128xbf16>
    %convert_element_type3A_225 = arith.truncf %get3A_223 : vector<128x128xf32> to vector<128x128xbf16>
    %dot_general3A_226 = arith.constant dense<0.000000e+00> : vector<1024x128xf32>
    %dot_general3A_227 = tpu.matmul %convert_element_type3A_224, %convert_element_type3A_225, %dot_general3A_226 {dimension_numbers = #tpu.dot_dimension_numbers<[1], [0], [0], [1], [0, 0, 1, 1], [], []>, transpose_lhs_hint = false} : vector<1024x128xbf16>, vector<128x128xbf16>, vector<1024x128xf32> -> vector<1024x128xf32>
    %get3A_228 = arith.constant 0 : index
    %get3A_229 = arith.constant 0 : index
    %get3A_230 = vector.load %arg17[%get3A_228, %get3A_229] : memref<1x128xf32, #tpu.memory_space<vmem>>, vector<1x128xf32>
    %add3A_231 = vector.broadcast %get3A_230 : vector<1x128xf32> to vector<1024x128xf32>
    %add3A_232 = arith.addf %dot_general3A_227, %add3A_231 : vector<1024x128xf32>
    %get3A_233 = arith.constant 0 : index
    %get3A_234 = arith.constant 0 : index
    %get3A_235 = vector.load %arg18[%get3A_233, %get3A_234] : memref<1x128xf32, #tpu.memory_space<vmem>>, vector<1x128xf32>
    %get3A_236 = arith.constant 0 : index
    %get3A_237 = arith.constant 0 : index
    %get3A_238 = vector.load %arg19[%get3A_236, %get3A_237] : memref<1x128xf32, #tpu.memory_space<vmem>>, vector<1x128xf32>
    %reduce_sum3A_239 = arith.constant dense<0.000000e+00> : vector<128xf32>
    %reduce_sum3A_240 = vector.multi_reduction <add>, %add3A_232, %reduce_sum3A_239 [0] : vector<1024x128xf32> to vector<128xf32>
    %broadcast_in_dim3A_241 = vector.shape_cast %reduce_sum3A_240 : vector<128xf32> to vector<1x128xf32>
    %div3A_242 = arith.constant 1.024000e+03 : f32
    %div3A_243 = vector.broadcast %div3A_242 : f32 to vector<1x128xf32>
    %div3A_244 = arith.divf %broadcast_in_dim3A_241, %div3A_243 : vector<1x128xf32>
    %sub3A_245 = vector.broadcast %div3A_244 : vector<1x128xf32> to vector<1024x128xf32>
    %sub3A_246 = arith.subf %add3A_232, %sub3A_245 : vector<1024x128xf32>
    %abs3A_247 = math.absf %sub3A_246 : vector<1024x128xf32>
    %integer_pow3A_248 = arith.mulf %abs3A_247, %abs3A_247 : vector<1024x128xf32>
    %reduce_sum3A_249 = arith.constant dense<0.000000e+00> : vector<128xf32>
    %reduce_sum3A_250 = vector.multi_reduction <add>, %integer_pow3A_248, %reduce_sum3A_249 [0] : vector<1024x128xf32> to vector<128xf32>
    %broadcast_in_dim3A_251 = vector.shape_cast %reduce_sum3A_250 : vector<128xf32> to vector<1x128xf32>
    %div3A_252 = arith.constant 1.024000e+03 : f32
    %div3A_253 = vector.broadcast %div3A_252 : f32 to vector<1x128xf32>
    %div3A_254 = arith.divf %broadcast_in_dim3A_251, %div3A_253 : vector<1x128xf32>
    %sub3A_255 = vector.broadcast %div3A_244 : vector<1x128xf32> to vector<1024x128xf32>
    %sub3A_256 = arith.subf %add3A_232, %sub3A_255 : vector<1024x128xf32>
    %mul3A_257 = vector.broadcast %get3A_235 : vector<1x128xf32> to vector<1024x128xf32>
    %mul3A_258 = arith.mulf %mul3A_257, %sub3A_256 : vector<1024x128xf32>
    %add3A_259 = arith.constant 9.99999974E-6 : f32
    %add3A_260 = vector.broadcast %add3A_259 : f32 to vector<1x128xf32>
    %add3A_261 = arith.addf %div3A_254, %add3A_260 : vector<1x128xf32>
    %sqrt3A_262 = math.sqrt %add3A_261 : vector<1x128xf32>
    %div3A_263 = vector.broadcast %sqrt3A_262 : vector<1x128xf32> to vector<1024x128xf32>
    %div3A_264 = arith.divf %mul3A_258, %div3A_263 : vector<1024x128xf32>
    %add3A_265 = vector.broadcast %get3A_238 : vector<1x128xf32> to vector<1024x128xf32>
    %add3A_266 = arith.addf %div3A_264, %add3A_265 : vector<1024x128xf32>
    %max3A_267 = arith.constant 0.000000e+00 : f32
    %max3A_268 = vector.broadcast %max3A_267 : f32 to vector<1024x128xf32>
    %max3A_269 = arith.maximumf %add3A_266, %max3A_268 : vector<1024x128xf32>
    %get3A_270 = arith.constant 0 : index
    %get3A_271 = arith.constant 0 : index
    %get3A_272 = vector.load %arg20[%get3A_270, %get3A_271] : memref<1x128xf32, #tpu.memory_space<vmem>>, vector<1x128xf32>
    %get3A_273 = arith.constant 0 : index
    %get3A_274 = arith.constant 0 : index
    %get3A_275 = vector.load %arg21[%get3A_273, %get3A_274] : memref<1x128xf32, #tpu.memory_space<vmem>>, vector<1x128xf32>
    %reduce_sum3A_276 = arith.constant dense<0.000000e+00> : vector<128xf32>
    %reduce_sum3A_277 = vector.multi_reduction <add>, %max3A_269, %reduce_sum3A_276 [0] : vector<1024x128xf32> to vector<128xf32>
    %broadcast_in_dim3A_278 = vector.shape_cast %reduce_sum3A_277 : vector<128xf32> to vector<1x128xf32>
    %div3A_279 = arith.constant 1.024000e+03 : f32
    %div3A_280 = vector.broadcast %div3A_279 : f32 to vector<1x128xf32>
    %div3A_281 = arith.divf %broadcast_in_dim3A_278, %div3A_280 : vector<1x128xf32>
    %sub3A_282 = vector.broadcast %div3A_281 : vector<1x128xf32> to vector<1024x128xf32>
    %sub3A_283 = arith.subf %max3A_269, %sub3A_282 : vector<1024x128xf32>
    %abs3A_284 = math.absf %sub3A_283 : vector<1024x128xf32>
    %integer_pow3A_285 = arith.mulf %abs3A_284, %abs3A_284 : vector<1024x128xf32>
    %reduce_sum3A_286 = arith.constant dense<0.000000e+00> : vector<128xf32>
    %reduce_sum3A_287 = vector.multi_reduction <add>, %integer_pow3A_285, %reduce_sum3A_286 [0] : vector<1024x128xf32> to vector<128xf32>
    %broadcast_in_dim3A_288 = vector.shape_cast %reduce_sum3A_287 : vector<128xf32> to vector<1x128xf32>
    %div3A_289 = arith.constant 1.024000e+03 : f32
    %div3A_290 = vector.broadcast %div3A_289 : f32 to vector<1x128xf32>
    %div3A_291 = arith.divf %broadcast_in_dim3A_288, %div3A_290 : vector<1x128xf32>
    %sub3A_292 = vector.broadcast %div3A_281 : vector<1x128xf32> to vector<1024x128xf32>
    %sub3A_293 = arith.subf %max3A_269, %sub3A_292 : vector<1024x128xf32>
    %mul3A_294 = vector.broadcast %get3A_272 : vector<1x128xf32> to vector<1024x128xf32>
    %mul3A_295 = arith.mulf %mul3A_294, %sub3A_293 : vector<1024x128xf32>
    %add3A_296 = arith.constant 9.99999974E-6 : f32
    %add3A_297 = vector.broadcast %add3A_296 : f32 to vector<1x128xf32>
    %add3A_298 = arith.addf %div3A_291, %add3A_297 : vector<1x128xf32>
    %sqrt3A_299 = math.sqrt %add3A_298 : vector<1x128xf32>
    %div3A_300 = vector.broadcast %sqrt3A_299 : vector<1x128xf32> to vector<1024x128xf32>
    %div3A_301 = arith.divf %mul3A_295, %div3A_300 : vector<1024x128xf32>
    %add3A_302 = vector.broadcast %get3A_275 : vector<1x128xf32> to vector<1024x128xf32>
    %add3A_303 = arith.addf %div3A_301, %add3A_302 : vector<1024x128xf32>
    %max3A_304 = arith.constant 0.000000e+00 : f32
    %max3A_305 = vector.broadcast %max3A_304 : f32 to vector<1024x128xf32>
    %max3A_306 = arith.maximumf %add3A_303, %max3A_305 : vector<1024x128xf32>
    %swap3A_307 = arith.constant 0 : index
    %swap3A_308 = arith.constant 0 : index
    %swap3A_309 = vector.load %arg23[%swap3A_307, %swap3A_308] : memref<1024x128xf32, #tpu.memory_space<vmem>>, vector<1024x128xf32>
    tpu.vector_store %arg23[%swap3A_307, %swap3A_308], %max3A_306 {strides = array<i32>} : memref<1024x128xf32, #tpu.memory_space<vmem>>, vector<1024x128xf32>,
    return
  }
}

</mosaic_0001>

<sc_bundles>
// kernel: kernel.7.cloned.1.call-start
scs
__scs_entry_jumppad:
0x0: {  	(pc) =	sbr.rel $0x88, $3  }
0x1: {  	(tag) =	ssettag $0x0;
	lr =	simm.s32 $0x1  }
0x2: {  	[smem:$0x3F85] =	sst lr;
	_ =	strace $0xD0000000  }
0x3: {  	_ = 	snop  }
0x4: {  	_ = 	snop  }
0x5: {  	_ = 	snop  }
0x6: {  	_ = 	snop  }
0x7: {  	_ = 	snop  }
__scs_overlays_trampoline_lowered:
0x8: {  	[smem:$0x3F94] =	sst s0  }
0x9: {  	[smem:$0x3F95] =	sst s1  }
0xa: {  	[smem:$0x3F96] =	sst s2  }
0xb: {  	[smem:$0x3F97] =	sst s3  }
0xc: {  	[smem:$0x3F98] =	sst s4  }
0xd: {  	[smem:$0x3F99] =	sst s5  }
0xe: {  	[smem:$0x3F9A] =	sst s6  }
0xf: {  	[smem:$0x3F9B] =	sst s7  }
0x10: {  	[smem:$0x3F9C] =	sst s8  }
0x11: {  	[smem:$0x3F9D] =	sst s9;
	s0 =	simm.s32 @!p0 $0x0  }
0x12: {  	s1 =	sld [smem:$0x3F83];
	s0 =	simm.s32 @p0 $0x1  }
0x13: {  	[smem:$0x3F9E] =	sst s0;
	s0 =	simm.s32 @!p1 $0x0  }
0x14: {  	s2 =	sld [smem:$0x3F82];
	s0 =	simm.s32 @p1 $0x1  }
0x15: {  	[smem:$0x3F9F] =	sst s0;
	s0 =	simm.s32 @!p2 $0x0  }
0x16: {  	s3 =	sld [smem:$0x3FDB];
	s0 =	simm.s32 @p2 $0x1  }
0x17: {  	s4 =	simm.s32 $0x1BF5;
	[smem:$0x3FA1] =	sst s0  }
0x18: {  	s0 =	sld [smem:$0x3F84];
	_ =	swait.ge [sflag:s4], $0x0  }
0x19: {  	s7 =	sld [smem:$0x3F85]  }
0x1a: {  	s8 =	sadd.s32 $0xFFFFE003, lr  }
0x1b: {  	s9 =	sadd.s32 $0xFFFFFEF7, lr;
	s5 =	simm.s32 $0xFFFFFFFF;
	p2 =	slt.u32 s8, $0xFFFFF086  }
0x1c: {  	p1 =	slt.u32 s9, $0xF7A;
	s5 =	simm.s32 @!p2 $0x0  }
0x1d: {  	s5 =	simm.s32 @p1 $0x1;
	p0 =	seq.s32 s7, s2  }
0x1e: {  	s7 =	smul.u32 @!p0 $0xF7A, s2;
	p2 =	seq.s32 @!p0 s5, $0x0  }
0x1f: {  	s9 =	smul.u32 $0xF7A, s1;
	s8 =	simm.s32 @!p0 $0x1BF5;
	p2 =	por !p2, p0  }
0x20: {  	[sflag:s8] =	ssyncset.s32 @!p0 $0xFFFFF086;
	s6 =	sadd.s32 @!p0 s3, s7;
	s7 =	simm.s32 @!p0 $0x108  }
0x21: {  	s3 =	sadd.s32 s3, s9;
	s6 =	sadd.s32 @!p0 $0x88, s6;
	s7 =	simm.s32 @p2 $0x1082  }
0x22: {  	[simem:s7], [sflag:s8] =	dma.local @!p0 [hbm:s6], $0xF7A  }
0x23: {  	s9 =	sor.u32 $0xD0000000, s2;
	s6 =	simm.s32 $0x108;
	_ =	swait.ge @!p0 [sflag:s8], $0x0  }
0x24: {  	s3 =	sadd.s32 $0x88, s3;
	s6 =	simm.s32 @!p1 $0x1082;
	[sflag:s4] =	ssyncset.s32 $0xFFFFF086  }
0x25: {  	[simem:s6], [sflag:s4] =	dma.local [hbm:s3], $0xF7A  }
0x26: {  	[smem:$0x3F85] =	sst s1;
	(tag) =	ssettag s2;
	_ =	strace s9  }
0x27: {  	s1 =	sld [smem:$0x3F95]  }
0x28: {  	s2 =	sld [smem:$0x3F96]  }
0x29: {  	s4 =	sld [smem:$0x3F98]  }
0x2a: {  	p0 =	seq.s32 s5, $0x0;
	s5 =	sld [smem:$0x3F99]  }
0x2b: {  	s6 =	sld [smem:$0x3F9A]  }
0x2c: {  	s7 =	sld [smem:$0x3F9B]  }
0x2d: {  	s3 =	simm.s32 $0x108;
	s8 =	sld [smem:$0x3F9C]  }
0x2e: {  	s3 =	simm.s32 @!p0 $0x1082;
	s9 =	sld [smem:$0x3F9D]  }
0x2f: {  	lr =	sadd.s32 s0, s3;
	s0 =	sld [smem:$0x3F94]  }
0x30: {  	s3 =	sld [smem:$0x3F97]  }
0x31: {  	[smem:$0x3FA0] =	sst s10  }
0x32: {  	s10 =	sld [smem:$0x3F9E];
	_ =	sdelay $0x3  }
0x33: {  	p0 =	seq.s32 s10, $0x1;
	s10 =	sld [smem:$0x3FA0];
	_ =	sdelay $0x3  }
0x34: {  	[smem:$0x3FA0] =	sst s10  }
0x35: {  	s10 =	sld [smem:$0x3F9F];
	_ =	sdelay $0x3  }
0x36: {  	p1 =	seq.s32 s10, $0x1;
	s10 =	sld [smem:$0x3FA0];
	_ =	sdelay $0x3  }
0x37: {  	[smem:$0x3FA0] =	sst s10  }
0x38: {  	s10 =	sld [smem:$0x3FA1]  }
0x39: {  	_ = 	snop;
	(pc) =	sbr.ind lr, $3  }
0x3a: {  	_ = 	snop  }
0x3b: {  	_ = 	snop  }
0x3c: {  	p2 =	seq.s32 s10, $0x1;
	s10 =	sld [smem:$0x3FA0]  }
0x3d: {  	_ =	shalt  }
0x3e: {  	_ =	shalt  }
0x3f: {  	_ =	shalt  }
0x40: {  	_ =	shalt  }
0x41: {  	_ =	shalt  }
0x42: {  	_ =	shalt  }
0x43: {  	_ =	shalt  }
0x44: {  	_ =	shalt  }
0x45: {  	_ =	shalt  }
0x46: {  	_ =	shalt  }
0x47: {  	_ =	shalt  }
0x48: {  	_ =	shalt  }
0x49: {  	_ =	shalt  }
0x4a: {  	_ =	shalt  }
0x4b: {  	_ =	shalt  }
0x4c: {  	_ =	shalt  }
0x4d: {  	_ =	shalt  }
0x4e: {  	_ =	shalt  }
0x4f: {  	_ =	shalt  }
0x50: {  	_ =	shalt  }
0x51: {  	_ =	shalt  }
0x52: {  	_ =	shalt  }
0x53: {  	_ =	shalt  }
0x54: {  	_ =	shalt  }
0x55: {  	_ =	shalt  }
0x56: {  	_ =	shalt  }
0x57: {  	_ =	shalt  }
0x58: {  	_ =	shalt  }
0x59: {  	_ =	shalt  }
0x5a: {  	_ =	shalt  }
0x5b: {  	_ =	shalt  }
0x5c: {  	_ =	shalt  }
0x5d: {  	_ =	shalt  }
0x5e: {  	_ =	shalt  }
0x5f: {  	_ =	shalt  }
0x60: {  	_ =	shalt  }
0x61: {  	_ =	shalt  }
0x62: {  	_ =	shalt  }
0x63: {  	_ =	shalt  }
0x64: {  	_ =	shalt  }
0x65: {  	_ =	shalt  }
0x66: {  	_ =	shalt  }
0x67: {  	_ =	shalt  }
0x68: {  	_ =	shalt  }
0x69: {  	_ =	shalt  }
0x6a: {  	_ =	shalt  }
0x6b: {  	_ =	shalt  }
0x6c: {  	_ =	shalt  }
0x6d: {  	_ =	shalt  }
0x6e: {  	_ =	shalt  }
0x6f: {  	_ =	shalt  }
0x70: {  	_ =	shalt  }
0x71: {  	_ =	shalt  }
0x72: {  	_ =	shalt  }
0x73: {  	_ =	shalt  }
0x74: {  	_ =	shalt  }
0x75: {  	_ =	shalt  }
0x76: {  	_ =	shalt  }
0x77: {  	_ =	shalt  }
0x78: {  	_ =	shalt  }
0x79: {  	_ =	shalt  }
0x7a: {  	_ =	shalt  }
0x7b: {  	_ =	shalt  }
0x7c: {  	_ =	shalt  }
0x7d: {  	_ =	shalt  }
0x7e: {  	_ =	shalt  }
0x7f: {  	_ =	shalt  }
0x80: {  	_ =	shalt  }
0x81: {  	_ =	shalt  }
0x82: {  	_ =	shalt  }
0x83: {  	_ =	shalt  }
0x84: {  	_ =	shalt  }
0x85: {  	_ =	shalt  }
0x86: {  	_ =	shalt  }
0x87: {  	_ =	shalt  }
.Lfunc_end0:
.L_simem_size_0:
called_computation_lowered:
.L_overlay_start_0:
0x88: {  	s2 =	sld [smem:$0x3FD9]  }
0x89: {  	s3 =	sld [smem:$0x3FFE];
	_ =	sdelay $0x1  }
0x8a: {  	s1 =	srdreg.scid  }
0x8b: {  	s0 =	sand.u32 $0x1, s1  }
0x8c: {  	s16 =	sshll.u32 s0, $0xA;
	s2 =	sadd.s32 s3, s2  }
0x8d: {  	s2 =	sadd.s32 s2, s16  }
0x8e: {  	[smem:$0x3FAC] =	sst s2  }
0x8f: {  	_ = 	snop  }
0x90: {  	(tm) =	ssettm $0x1  }
0x91: {  	s17 =	sld [smem:$0x3FFB];
	_ =	sdelay $0x3  }
0x92: {  	_ =	strace s17  }
0x93: {  	s2 =	sld [smem:$0x3FFC];
	_ =	sdelay $0x3  }
0x94: {  	_ =	strace s2  }
0x95: {  	s2 =	sld [smem:$0x3FFD];
	_ =	sdelay $0x3  }
0x96: {  	_ =	strace s2  }
0x97: {  	_ =	strace $0x8FFFFFFF  }
0x98: {  	s18 =	sld [smem:$0x3FDB];
	_ =	sdelay $0x1  }
0x99: {  	s19 =	simm.s32 $_scs_section_size  }
0x9a: {  	s4 =	simm.s32 $_size__tile_overlayer_lowered;
	s5 =	simm.s32 $_tile_overlayer_lowered  }
0x9b: {  	s22 =	simm.s32 $0x1BFF;
	s21 =	sshll.u32 s5, $0x1;
	s2 =	sadd.s32 s19, s18  }
0x9c: {  	s6 =	simm.s32 $0x0;
	s20 =	sshll.u32 s4, $0x1;
	s4 =	sadd.s32 s21, s2  }
0x9d: {  	[timem:s6], [sflag:s22] =	dma.local [hbm:s4], s20  }
0x9e: {  	_ =	swait.ge [sflag:s22], s20  }
0x9f: {  	s3 =	ssub.s32 $0x0, s20;
	[sflag:s22] =	ssyncset.done $0x0  }
0xa0: {  	[sflag:s22] =	ssyncadd.s32 s3;
	_ =	sdelay $0x1  }
0xa1: {  	s23 =	simm.s32 $0x1B8B  }
0xa2: {  	_ =	swait.ge [sflag:s23], $0x1  }
0xa3: {  	[sflag:s23] =	ssyncset.done $0x0  }
0xa4: {  	s25 =	simm.s32 $0x1B8E;
	s24 =	sld [smem:$0x3FFE];
	[sflag:s23] =	ssyncadd.s32 $0xFFFFFFFF  }
0xa5: {  	s26 =	simm.s32 $execute0_lowered;
	[smem:$0x3FD2] =	sst s25  }
0xa6: {  	s4 =	sshll.u32 s26, $0x1;
	_ =	strace $0x80000046;
	[dreg:$0x1] =	wrdreg $0xFFFFFFFF  }
0xa7: {  	s28 =	simm.s32 $_size_execute0_lowered;
	s2 =	sadd.s32 s2, s4;
	[dreg:$0x0] =	wrdreg $0x0  }
0xa8: {  	s4 =	sshll.u32 s28, $0x1;
	[dreg:$0x2] =	wrdreg s2  }
0xa9: {  	[dreg:$0x3] =	wrdreg s4  }
0xaa: {  	[dreg:$0x4] =	wrdreg $0xC0  }
0xab: {  	_ =	task [dreg:s6], $0x5FFFF  }
0xac: {  	[dreg:$0x1] =	wrdreg $0xFFFFFFFF  }
0xad: {  	[dreg:$0x0] =	wrdreg $0x60  }
0xae: {  	[dreg:$0x2] =	wrdreg s24  }
0xaf: {  	[dreg:$0x3] =	wrdreg $0x9  }
0xb0: {  	_ =	task.clear_ibuf [dreg:s6], $0x4FFFF;
	_ =	strace $0x90000046  }
0xb1: {  	s29 =	simm.s32 $0x9;
	_ =	strace $0x80000048  }
0xb2: {  	_ =	swait.ge [sflag:s29], $0x1  }
0xb3: {  	[sflag:s29] =	ssyncadd.s32 $0xFFFFFFFF  }
0xb4: {  	_ =	strace $0x90000048  }
0xb5: {  	_ =	sfence  }
0xb6: {  	s30 =	sld [smem:$0x0];
	_ =	sdelay $0x2  }
0xb7: {  	s31 =	sshll.u32 s1, $0xD;
	s1 =	sshrl.u32 s1, $0x2  }
0xb8: {  	s3 =	sand.u32 $0x4000, s31;
	s1 =	sadd.s32 s1, s30  }
0xb9: {  	s0 =	sor.u32 s3, s0;
	s1 =	sshll.u32 s1, $0x11  }
0xba: {  	s0 =	sor.u32 s1, s0  }
0xbb: {  	s0 =	sadd.s32 $0x8F2B, s0  }
0xbc: {  	[sflag:s0] =	ssyncadd.remote.s32 $0x1  }
0xbd: {  	_ =	sfence.sel $0xFFFF  }
0xbe: {  	[dreg:$0x0] =	wrdreg $0xFFFFFFFF;
	(pc) =	sbr.abs _section_cstart, $3  }
0xbf: {  	[dreg:$0x1] =	wrdreg $0xFFFFFFFF  }
0xc0: {  	_ =	task.clear_ibuf [dreg:s6], $0x2FFFF;
	_ =	strace $0x9FFFFFFF  }
0xc1: {  	(tm) =	ssettm $0x7FFFFFFF  }
tec
execute0_lowered:
.L_overlay_start_1:
0x0: {  	(tag) =	ssettag $0x1  }
0x1: {  	s0 =	rddreg [dreg:$0x0]  }
0x2: {  	s1 =	simm.s32 $0x0;
	s2 =	srdreg.scid;
	s13 =	stileid.u32  }
0x3: {  	[smem:$0x7FF] =	sst s1;
	s2 =	sand.u32 $0x1, s2;
	s5 =	sshll.u32 s13, $0xD  }
0x4: {  	s6 =	sadd.s32 $0x8000, s0;
	_ =	strace $0x80000047;
	s3 =	sshll.u32 s2, $0xC  }
0x5: {  	s4 =	sshll.u32 s2, $0x11;
	s2 =	ssub.s32 $0x2, s2;
	s3 =	sadd.s32 s3, s0  }
0x6: {  	[dreg:$0x2] =	wrdreg s6;
	s4 =	sor.u32 s5, s4;
	s24 =	sadd.s32 $0x6000, s3  }
0x7: {  	s23 =	sshrl.u32 s2, $0x1;
	s25 =	sadd.s32 $0x4000, s3;
	[dreg:$0x3] =	wrdreg s24  }
0x8: {  	s11 =	sadd.s32 s4, s0;
	s26 =	sadd.s32 $0x6800, s3;
	[dreg:$0x4] =	wrdreg s25  }
0x9: {  	s12 =	ssub.s32 s2, s23;
	s2 =	sadd.s32 $0x4800, s3;
	[dreg:$0x5] =	wrdreg s26  }
0xa: {  	[dreg:$0x6] =	wrdreg s2;
	s3 =	sadd.s32 $0xA000, s11  }
0xb: {  	s4 =	sadd.s32 $0xA080, s11;
	[dreg:$0x7] =	wrdreg s3  }
0xc: {  	s5 =	sadd.s32 $0xA100, s11;
	[dreg:$0x8] =	wrdreg s4  }
0xd: {  	s6 =	sadd.s32 $0xA180, s11;
	[dreg:$0x9] =	wrdreg s5  }
0xe: {  	s7 =	sadd.s32 $0xA200, s11;
	[dreg:$0xa] =	wrdreg s6  }
0xf: {  	s8 =	sadd.s32 $0xA280, s11;
	[dreg:$0xb] =	wrdreg s7  }
0x10: {  	s9 =	sadd.s32 $0xA300, s11;
	[dreg:$0xc] =	wrdreg s8  }
0x11: {  	s10 =	sadd.s32 $0xA380, s11;
	[dreg:$0xd] =	wrdreg s9  }
0x12: {  	s14 =	sadd.s32 $0xA400, s11;
	[dreg:$0xe] =	wrdreg s10  }
0x13: {  	s15 =	sadd.s32 $0xA480, s11;
	[dreg:$0xf] =	wrdreg s14  }
0x14: {  	s16 =	sadd.s32 $0xA500, s11;
	[dreg:$0x10] =	wrdreg s15  }
0x15: {  	s17 =	sadd.s32 $0xA580, s11;
	[dreg:$0x11] =	wrdreg s16  }
0x16: {  	s18 =	sadd.s32 $0xA600, s11;
	[dreg:$0x12] =	wrdreg s17  }
0x17: {  	s19 =	sadd.s32 $0xA680, s11;
	[dreg:$0x13] =	wrdreg s18  }
0x18: {  	s20 =	sadd.s32 $0xA700, s11;
	[dreg:$0x14] =	wrdreg s19  }
0x19: {  	s21 =	sadd.s32 $0xA780, s11;
	[dreg:$0x15] =	wrdreg s20  }
0x1a: {  	s22 =	sadd.s32 $0xA800, s11;
	[dreg:$0x16] =	wrdreg s21  }
0x1b: {  	s23 =	sadd.s32 $0xA880, s11;
	[dreg:$0x17] =	wrdreg s22  }
0x1c: {  	s24 =	sadd.s32 $0xA900, s11;
	[dreg:$0x18] =	wrdreg s23  }
0x1d: {  	s25 =	sadd.s32 $0xA980, s11;
	[dreg:$0x19] =	wrdreg s24  }
0x1e: {  	s26 =	sadd.s32 $0xAA00, s11;
	[dreg:$0x1a] =	wrdreg s25  }
0x1f: {  	s2 =	sadd.s32 $0xAA80, s11;
	[dreg:$0x1b] =	wrdreg s26  }
0x20: {  	[dreg:$0x1c] =	wrdreg s2;
	s3 =	sadd.s32 $0xAB00, s11  }
0x21: {  	s4 =	sadd.s32 $0xAB80, s11;
	[dreg:$0x1d] =	wrdreg s3  }
0x22: {  	s5 =	sadd.s32 $0xAC00, s11;
	[dreg:$0x1e] =	wrdreg s4  }
0x23: {  	s6 =	sadd.s32 $0xAC80, s11;
	[dreg:$0x1f] =	wrdreg s5  }
0x24: {  	s7 =	sadd.s32 $0xAD00, s11;
	[smem:$0x7EC] =	sst s6  }
0x25: {  	s8 =	sadd.s32 $0xAD80, s11;
	[smem:$0x7ED] =	sst s7  }
0x26: {  	s9 =	sadd.s32 $0xAE00, s11;
	[smem:$0x7EE] =	sst s8  }
0x27: {  	s10 =	sadd.s32 $0xAE80, s11;
	[smem:$0x7EF] =	sst s9  }
0x28: {  	s14 =	sadd.s32 $0xAF00, s11;
	[smem:$0x7F0] =	sst s10  }
0x29: {  	s15 =	sadd.s32 $0xAF80, s11;
	[smem:$0x7F1] =	sst s14  }
0x2a: {  	s16 =	sadd.s32 $0xB000, s11;
	[smem:$0x7F2] =	sst s15  }
0x2b: {  	s17 =	sadd.s32 $0xB080, s11;
	[smem:$0x7F3] =	sst s16  }
0x2c: {  	s18 =	sadd.s32 $0xB100, s11;
	[smem:$0x7F4] =	sst s17  }
0x2d: {  	s19 =	sadd.s32 $0xB180, s11;
	[smem:$0x7F5] =	sst s18  }
0x2e: {  	s20 =	sadd.s32 $0xB200, s11;
	[smem:$0x7F6] =	sst s19  }
0x2f: {  	s21 =	sadd.s32 $0xB280, s11;
	[smem:$0x7F7] =	sst s20  }
0x30: {  	s28 =	sadd.s32 $0xB880, s11;
	s22 =	sadd.s32 $0xB300, s11;
	[smem:$0x7F8] =	sst s21  }
0x31: {  	s29 =	sadd.s32 $0xB900, s11;
	s23 =	sadd.s32 $0xB380, s11;
	[smem:$0x7F9] =	sst s22  }
0x32: {  	s30 =	sadd.s32 $0xB980, s11;
	s24 =	sadd.s32 $0xB400, s11;
	[smem:$0x7FA] =	sst s23  }
0x33: {  	s31 =	sadd.s32 $0xBA00, s11;
	s25 =	sadd.s32 $0xB480, s11;
	[smem:$0x7FB] =	sst s24  }
0x34: {  	s0 =	sadd.s32 $0xBA80, s11;
	s26 =	sadd.s32 $0xB500, s11;
	[smem:$0x7FC] =	sst s25  }
0x35: {  	s12 =	smax.u32 s12, $0x1;
	s2 =	sadd.s32 $0xBB00, s11;
	[smem:$0x7FD] =	sst s26  }
0x36: {  	s21 =	sadd.s32 $0xB580, s11;
	s22 =	sadd.s32 $0xB600, s11;
	s23 =	sadd.s32 $0xB680, s11  }
0x37: {  	s24 =	sadd.s32 $0xB700, s11;
	s25 =	sadd.s32 $0xB780, s11;
	s26 =	sadd.s32 $0xB800, s11  }
0x38: {  	s3 =	sadd.s32 $0xBB80, s11;
	s4 =	sadd.s32 $0xBC00, s11;
	s5 =	sadd.s32 $0xBC80, s11  }
0x39: {  	s6 =	sadd.s32 $0xBD00, s11;
	s7 =	sadd.s32 $0xBD80, s11;
	s8 =	sadd.s32 $0xBE00, s11  }
0x3a: {  	s9 =	sadd.s32 $0xBE80, s11;
	s10 =	sadd.s32 $0xBF00, s11;
	s11 =	sadd.s32 $0xBF80, s11  }
0x3b: {  	s16 =	sshll.u32 s13, $0x6;
	s13 =	simm.s32 $0x2;
	s14 =	simm.s32 $0x10000  }
0x3c: {  	v1 =	vimm.f32 $1.000000000e+00;
	s15 =	simm.s32 $0x14000;
	s17 =	simm.s32 $0x0;
	v0 =	vmov s16;
	s16 =	simm.s32 $0x1  }
.LBB2_1:
0x3d: {  	s18 =	rddreg [dreg:$0x2]  }
0x3e: {  	[tilespmem:s1], [sflag:$0x2] =	stream.linear.gather [hbm4b:s18+s1], $0x10000, $0x38;
	[tilespmem:$0x18000] =	vst v63  }
0x3f: {  	_ =	swait.ge [sflag:s13], $0x10000  }
0x40: {  	[sflag:s13] =	ssyncset.done $0x0  }
0x41: {  	s19 =	rddreg [dreg:$0x3];
	[sflag:s13] =	ssyncadd.s32 $0xFFFF0000  }
0x42: {  	[tilespmem:s14], [sflag:$0x2] =	stream.linear.gather [hbm4b:s19+s1], $0x4000, $0x38;
	[tilespmem:$0x18000] =	vst v63  }
0x43: {  	_ =	swait.ge [sflag:s13], $0x4000  }
0x44: {  	[sflag:s13] =	ssyncset.done $0x0  }
0x45: {  	s20 =	rddreg [dreg:$0x4];
	[sflag:s13] =	ssyncadd.s32 $0xFFFFC000  }
0x46: {  	[tilespmem:s15], [sflag:$0x2] =	stream.linear.gather [hbm4b:s20+s1], $0x4000, $0x38;
	[tilespmem:$0x18000] =	vst v63  }
0x47: {  	_ =	swait.ge [sflag:s13], $0x4000  }
0x48: {  	[sflag:s13] =	ssyncset.done $0x0  }
0x49: {  	s19 =	simm.s32 $0x10040;
	[sflag:s13] =	ssyncadd.s32 $0xFFFFC000  }
0x4a: {  	v2 =	vld [tilespmem:s19+$0x20]  }
0x4b: {  	v3 =	vld [tilespmem:s19+$0xFFFFFFF0]  }
0x4c: {  	v4 =	vld [tilespmem:s19+$0x30]  }
0x4d: {  	v5 =	vld [tilespmem:s19+$0x10]  }
0x4e: {  	v6 =	vld [tilespmem:s19+$0xFFFFFFD0];
	_ =	sdelay $0x1  }
0x4f: {  	s18 =	simm.s32 $0x14040;
	v8 =	vld [tilespmem:s19+$0xFFFFFFE0]  }
0x50: {  	v9 =	vld [tilespmem:s18+$0x10];
	v11 =	vsub.s32 v4, v0  }
0x51: {  	v13 =	vld [tilespmem:s18+$0xFFFFFFE0];
	v3 =	vsub.s32 v3, v0;
	v5 =	vsub.s32 v5, v0;
	v12 =	vsub.s32 v2, v0  }
0x52: {  	v4 =	vld [tilespmem:s18+$0xFFFFFFD0];
	v2 =	vsub.s32 v6, v0;
	v7 =	vshll.u32 v3, $0xA;
	v10 =	vshll.u32 v5, $0xA  }
0x53: {  	v6 =	vld [tilespmem:s18+$0xFFFFFFF0];
	vm0 =	vlt.u32 v2, $0x40;
	vm1 =	vlt.u32 v3, $0x40;
	v14 =	vshll.u32 v11, $0xA  }
0x54: {  	v15 =	vld [tilespmem:s19+$0x0];
	v2 =	vshll.u32 v2, $0xA;
	vm3 =	vlt.u32 v5, $0x40;
	v5 =	vsub.s32 v8, v0  }
0x55: {  	vm4 =	vlt.u32 v12, $0x40;
	vm5 =	vlt.u32 v11, $0x40;
	v3 =	vnsel vm1, $0x0, v7;
	v7 =	vld [tilespmem:s19+$0xFFFFFFC0]  }
0x56: {  	v8 =	vld [tilespmem:s18+$0x30];
	v2 =	vnsel vm0, $0x0, v2;
	v16 =	vnsel vm3, $0x0, v10;
	vm2 =	vlt.u32 v5, $0x40  }
0x57: {  	v10 =	vshll.u32 v12, $0xA;
	v17 =	vshll.u32 v5, $0xA;
	v5 =	vadd.s32 v9, v16;
	v9 =	vld [tilespmem:s18+$0x20]  }
0x58: {  	v2 =	vadd.s32 v4, v2;
	v4 =	vadd.s32 v6, v3;
	v6 =	vld [tilespmem:s18+$0xFFFFFFC0];
	v3 =	vnsel vm2, $0x0, v17  }
0x59: {  	s20 =	simm.s32 $0x100C0;
	v11 =	vld [tilespmem:s18+$0x0];
	s19 =	simm.s32 $0x0;
	v12 =	vsub.s32 v15, v0;
	v3 =	vadd.s32 v13, v3;
	v13 =	vnsel vm5, $0x0, v14  }
.LBB2_2:
0x5a: {  	v14 =	vld [tilespmem:s20+$0x20];
	s19 =	sadd.s32 $0x8, s19;
	v7 =	vsub.s32 v7, v0;
	v15 =	vshll.u32 v12, $0xA;
	v10 =	vnsel vm4, $0x0, v10;
	s18 =	sadd.s32 $0x80, s18  }
0x5b: {  	v16 =	vld [tilespmem:s20+$0xFFFFFFF0];
	p0 =	slt.u32 s19, $0x3F8;
	vm6 =	vlt.u32 v7, $0x40;
	v7 =	vshll.u32 v7, $0xA;
	v8 =	vadd.s32 v8, v13  }
0x5c: {  	vm7 =	vlt.u32 v12, $0x40;
	v13 =	vld [tilespmem:s20+$0xFFFFFFE0];
	v7 =	vnsel vm6, $0x0, v7;
	v9 =	vadd.s32 v9, v10  }
0x5d: {  	v10 =	vld [tilespmem:s20+$0x30];
	v6 =	vadd.s32 v6, v7;
	v7 =	vnsel vm7, $0x0, v15  }
0x5e: {  	v7 =	vadd.s32 v11, v7;
	[tilespmem:v5+s1+$0x0] =	vst.idx.add.f32.msk vm3, v1  }
0x5f: {  	v5 =	vld [tilespmem:s20+$0xFFFFFFD0]  }
0x60: {  	[tilespmem:v4+s1+$0x0] =	vst.idx.add.f32.msk vm1, v1  }
0x61: {  	[tilespmem:v8+s1+$0x0] =	vst.idx.add.f32.msk vm5, v1  }
0x62: {  	v11 =	vsub.s32 v10, v0;
	[tilespmem:v9+s1+$0x0] =	vst.idx.add.f32.msk vm4, v1  }
0x63: {  	v9 =	vld [tilespmem:s18+$0x10]  }
0x64: {  	v4 =	vld [tilespmem:s20+$0x10]  }
0x65: {  	[tilespmem:v7+s1+$0x0] =	vst.idx.add.f32.msk vm7, v1  }
0x66: {  	[tilespmem:v6+s1+$0x0] =	vst.idx.add.f32.msk vm6, v1  }
0x67: {  	[tilespmem:v2+s1+$0x0] =	vst.idx.add.f32.msk vm0, v1  }
0x68: {  	[tilespmem:v3+s1+$0x0] =	vst.idx.add.f32.msk vm2, v1  }
0x69: {  	v12 =	vsub.s32 v14, v0;
	v3 =	vsub.s32 v16, v0;
	v2 =	vld [tilespmem:s18+$0xFFFFFFD0];
	v4 =	vsub.s32 v4, v0  }
0x6a: {  	v5 =	vsub.s32 v5, v0;
	v7 =	vshll.u32 v3, $0xA;
	v6 =	vld [tilespmem:s18+$0xFFFFFFF0];
	v8 =	vshll.u32 v4, $0xA  }
0x6b: {  	v15 =	vshll.u32 v11, $0xA;
	vm0 =	vlt.u32 v5, $0x40;
	vm1 =	vlt.u32 v3, $0x40;
	v14 =	vld [tilespmem:s18+$0xFFFFFFE0]  }
0x6c: {  	v3 =	vshll.u32 v5, $0xA;
	v5 =	vnsel vm1, $0x0, v7;
	vm3 =	vlt.u32 v4, $0x40;
	v16 =	vld [tilespmem:s20+$0x0]  }
.Ltmp0:
0x6d: {  	v3 =	vnsel vm0, $0x0, v3;
	v4 =	vsub.s32 v13, v0;
	v13 =	vnsel vm3, $0x0, v8;
	v7 =	vld [tilespmem:s20+$0xFFFFFFC0];
	(pc) =	sbr.rel @p0 .LBB2_2-.Ltmp0, $4  }
0x6e: {  	v10 =	vshll.u32 v12, $0xA;
	vm2 =	vlt.u32 v4, $0x40;
	v2 =	vadd.s32 v2, v3;
	v8 =	vld [tilespmem:s18+$0x30]  }
0x6f: {  	v3 =	vshll.u32 v4, $0xA;
	v4 =	vadd.s32 v6, v5;
	v5 =	vadd.s32 v9, v13;
	v9 =	vld [tilespmem:s18+$0x20]  }
0x70: {  	vm4 =	vlt.u32 v12, $0x40;
	vm5 =	vlt.u32 v11, $0x40;
	v3 =	vnsel vm2, $0x0, v3;
	v6 =	vld [tilespmem:s18+$0xFFFFFFC0]  }
0x71: {  	s20 =	sadd.s32 $0x80, s20;
	v13 =	vnsel vm5, $0x0, v15;
	v3 =	vadd.s32 v14, v3;
	v11 =	vld [tilespmem:s18+$0x0];
	v12 =	vsub.s32 v16, v0  }
0x72: {  	_ =	sdelay $0x2  }
0x73: {  	v7 =	vsub.s32 v7, v0;
	v14 =	vshll.u32 v12, $0xA;
	v10 =	vnsel vm4, $0x0, v10  }
0x74: {  	vm6 =	vlt.u32 v7, $0x40;
	v8 =	vadd.s32 v8, v13;
	v7 =	vshll.u32 v7, $0xA  }
0x75: {  	vm7 =	vlt.u32 v12, $0x40;
	[tilespmem:v5+s1+$0x0] =	vst.idx.add.f32.msk vm3, v1;
	v9 =	vadd.s32 v9, v10;
	v7 =	vnsel vm6, $0x0, v7  }
0x76: {  	[tilespmem:v4+s1+$0x0] =	vst.idx.add.f32.msk vm1, v1;
	v10 =	vnsel vm7, $0x0, v14;
	v6 =	vadd.s32 v6, v7  }
0x77: {  	[tilespmem:v2+s1+$0x0] =	vst.idx.add.f32.msk vm0, v1;
	v10 =	vadd.s32 v11, v10  }
0x78: {  	[tilespmem:v3+s1+$0x0] =	vst.idx.add.f32.msk vm2, v1  }
0x79: {  	[tilespmem:v8+s1+$0x0] =	vst.idx.add.f32.msk vm5, v1  }
0x7a: {  	[tilespmem:v9+s1+$0x0] =	vst.idx.add.f32.msk vm4, v1  }
0x7b: {  	[tilespmem:v6+s1+$0x0] =	vst.idx.add.f32.msk vm6, v1  }
0x7c: {  	[tilespmem:v10+s1+$0x0] =	vst.idx.add.f32.msk vm7, v1  }
0x7d: {  	s18 =	rddreg [dreg:$0x5]  }
0x7e: {  	[tilespmem:s14], [sflag:$0x2] =	stream.linear.gather [hbm4b:s18+s1], $0x4000, $0x38;
	[tilespmem:$0x18000] =	vst v63  }
0x7f: {  	_ =	swait.ge [sflag:s13], $0x4000  }
0x80: {  	[sflag:s13] =	ssyncset.done $0x0  }
0x81: {  	s20 =	rddreg [dreg:$0x6];
	[sflag:s13] =	ssyncadd.s32 $0xFFFFC000  }
0x82: {  	[tilespmem:s15], [sflag:$0x2] =	stream.linear.gather [hbm4b:s20+s1], $0x4000, $0x38;
	[tilespmem:$0x18000] =	vst v63  }
0x83: {  	_ =	swait.ge [sflag:s13], $0x4000  }
0x84: {  	[sflag:s13] =	ssyncset.done $0x0  }
0x85: {  	s19 =	simm.s32 $0x10040;
	[sflag:s13] =	ssyncadd.s32 $0xFFFFC000  }
0x86: {  	v2 =	vld [tilespmem:s19+$0x20]  }
0x87: {  	v3 =	vld [tilespmem:s19+$0xFFFFFFF0]  }
0x88: {  	v4 =	vld [tilespmem:s19+$0x30]  }
0x89: {  	v5 =	vld [tilespmem:s19+$0x10]  }
0x8a: {  	v6 =	vld [tilespmem:s19+$0xFFFFFFD0];
	_ =	sdelay $0x1  }
0x8b: {  	s18 =	simm.s32 $0x14040;
	v8 =	vld [tilespmem:s19+$0xFFFFFFE0]  }
0x8c: {  	v9 =	vld [tilespmem:s18+$0x10];
	v11 =	vsub.s32 v4, v0  }
0x8d: {  	v13 =	vld [tilespmem:s18+$0xFFFFFFE0];
	v3 =	vsub.s32 v3, v0;
	v5 =	vsub.s32 v5, v0;
	v12 =	vsub.s32 v2, v0  }
0x8e: {  	v4 =	vld [tilespmem:s18+$0xFFFFFFD0];
	v2 =	vsub.s32 v6, v0;
	v7 =	vshll.u32 v3, $0xA;
	v10 =	vshll.u32 v5, $0xA  }
0x8f: {  	v6 =	vld [tilespmem:s18+$0xFFFFFFF0];
	vm0 =	vlt.u32 v2, $0x40;
	vm1 =	vlt.u32 v3, $0x40;
	v14 =	vshll.u32 v11, $0xA  }
0x90: {  	v15 =	vld [tilespmem:s19+$0x0];
	v2 =	vshll.u32 v2, $0xA;
	vm3 =	vlt.u32 v5, $0x40;
	v5 =	vsub.s32 v8, v0  }
0x91: {  	vm4 =	vlt.u32 v12, $0x40;
	vm5 =	vlt.u32 v11, $0x40;
	v3 =	vnsel vm1, $0x0, v7;
	v7 =	vld [tilespmem:s19+$0xFFFFFFC0]  }
0x92: {  	v8 =	vld [tilespmem:s18+$0x30];
	v2 =	vnsel vm0, $0x0, v2;
	v16 =	vnsel vm3, $0x0, v10;
	vm2 =	vlt.u32 v5, $0x40  }
0x93: {  	v10 =	vshll.u32 v12, $0xA;
	v17 =	vshll.u32 v5, $0xA;
	v5 =	vadd.s32 v9, v16;
	v9 =	vld [tilespmem:s18+$0x20]  }
0x94: {  	v2 =	vadd.s32 v4, v2;
	v4 =	vadd.s32 v6, v3;
	v6 =	vld [tilespmem:s18+$0xFFFFFFC0];
	v3 =	vnsel vm2, $0x0, v17  }
0x95: {  	s20 =	simm.s32 $0x100C0;
	v11 =	vld [tilespmem:s18+$0x0];
	s19 =	simm.s32 $0x0;
	v12 =	vsub.s32 v15, v0;
	v3 =	vadd.s32 v13, v3;
	v13 =	vnsel vm5, $0x0, v14  }
.LBB2_4:
0x96: {  	v14 =	vld [tilespmem:s20+$0x20];
	s19 =	sadd.s32 $0x8, s19;
	v7 =	vsub.s32 v7, v0;
	v15 =	vshll.u32 v12, $0xA;
	v10 =	vnsel vm4, $0x0, v10;
	s18 =	sadd.s32 $0x80, s18  }
0x97: {  	v16 =	vld [tilespmem:s20+$0xFFFFFFF0];
	p0 =	slt.u32 s19, $0x3F8;
	vm6 =	vlt.u32 v7, $0x40;
	v7 =	vshll.u32 v7, $0xA;
	v8 =	vadd.s32 v8, v13  }
0x98: {  	vm7 =	vlt.u32 v12, $0x40;
	v13 =	vld [tilespmem:s20+$0xFFFFFFE0];
	v7 =	vnsel vm6, $0x0, v7;
	v9 =	vadd.s32 v9, v10  }
0x99: {  	v10 =	vld [tilespmem:s20+$0x30];
	v6 =	vadd.s32 v6, v7;
	v7 =	vnsel vm7, $0x0, v15  }
0x9a: {  	v7 =	vadd.s32 v11, v7;
	[tilespmem:v5+s1+$0x0] =	vst.idx.add.f32.msk vm3, v1  }
0x9b: {  	v5 =	vld [tilespmem:s20+$0xFFFFFFD0]  }
0x9c: {  	[tilespmem:v4+s1+$0x0] =	vst.idx.add.f32.msk vm1, v1  }
0x9d: {  	[tilespmem:v8+s1+$0x0] =	vst.idx.add.f32.msk vm5, v1  }
0x9e: {  	v11 =	vsub.s32 v10, v0;
	[tilespmem:v9+s1+$0x0] =	vst.idx.add.f32.msk vm4, v1  }
0x9f: {  	v9 =	vld [tilespmem:s18+$0x10]  }
0xa0: {  	v4 =	vld [tilespmem:s20+$0x10]  }
0xa1: {  	[tilespmem:v7+s1+$0x0] =	vst.idx.add.f32.msk vm7, v1  }
0xa2: {  	[tilespmem:v6+s1+$0x0] =	vst.idx.add.f32.msk vm6, v1  }
0xa3: {  	[tilespmem:v2+s1+$0x0] =	vst.idx.add.f32.msk vm0, v1  }
0xa4: {  	[tilespmem:v3+s1+$0x0] =	vst.idx.add.f32.msk vm2, v1  }
0xa5: {  	v12 =	vsub.s32 v14, v0;
	v3 =	vsub.s32 v16, v0;
	v2 =	vld [tilespmem:s18+$0xFFFFFFD0];
	v4 =	vsub.s32 v4, v0  }
0xa6: {  	v5 =	vsub.s32 v5, v0;
	v7 =	vshll.u32 v3, $0xA;
	v6 =	vld [tilespmem:s18+$0xFFFFFFF0];
	v8 =	vshll.u32 v4, $0xA  }
0xa7: {  	v15 =	vshll.u32 v11, $0xA;
	vm0 =	vlt.u32 v5, $0x40;
	vm1 =	vlt.u32 v3, $0x40;
	v14 =	vld [tilespmem:s18+$0xFFFFFFE0]  }
0xa8: {  	v3 =	vshll.u32 v5, $0xA;
	v5 =	vnsel vm1, $0x0, v7;
	vm3 =	vlt.u32 v4, $0x40;
	v16 =	vld [tilespmem:s20+$0x0]  }
.Ltmp1:
0xa9: {  	v3 =	vnsel vm0, $0x0, v3;
	v4 =	vsub.s32 v13, v0;
	v13 =	vnsel vm3, $0x0, v8;
	v7 =	vld [tilespmem:s20+$0xFFFFFFC0];
	(pc) =	sbr.rel @p0 .LBB2_4-.Ltmp1, $4  }
0xaa: {  	v10 =	vshll.u32 v12, $0xA;
	vm2 =	vlt.u32 v4, $0x40;
	v2 =	vadd.s32 v2, v3;
	v8 =	vld [tilespmem:s18+$0x30]  }
0xab: {  	v3 =	vshll.u32 v4, $0xA;
	v4 =	vadd.s32 v6, v5;
	v5 =	vadd.s32 v9, v13;
	v9 =	vld [tilespmem:s18+$0x20]  }
0xac: {  	vm4 =	vlt.u32 v12, $0x40;
	vm5 =	vlt.u32 v11, $0x40;
	v3 =	vnsel vm2, $0x0, v3;
	v6 =	vld [tilespmem:s18+$0xFFFFFFC0]  }
0xad: {  	s20 =	sadd.s32 $0x80, s20;
	v13 =	vnsel vm5, $0x0, v15;
	v3 =	vadd.s32 v14, v3;
	v11 =	vld [tilespmem:s18+$0x0];
	v12 =	vsub.s32 v16, v0  }
0xae: {  	_ =	sdelay $0x2  }
0xaf: {  	v7 =	vsub.s32 v7, v0;
	v14 =	vshll.u32 v12, $0xA;
	v10 =	vnsel vm4, $0x0, v10  }
0xb0: {  	vm6 =	vlt.u32 v7, $0x40;
	v8 =	vadd.s32 v8, v13;
	v7 =	vshll.u32 v7, $0xA  }
0xb1: {  	vm7 =	vlt.u32 v12, $0x40;
	[tilespmem:v5+s1+$0x0] =	vst.idx.add.f32.msk vm3, v1;
	v9 =	vadd.s32 v9, v10;
	v7 =	vnsel vm6, $0x0, v7  }
0xb2: {  	[tilespmem:v4+s1+$0x0] =	vst.idx.add.f32.msk vm1, v1;
	v63 =	vnsel vm7, $0x0, v14;
	v6 =	vadd.s32 v6, v7  }
0xb3: {  	[tilespmem:v2+s1+$0x0] =	vst.idx.add.f32.msk vm0, v1;
	v10 =	vadd.s32 v11, v63  }
0xb4: {  	[tilespmem:v3+s1+$0x0] =	vst.idx.add.f32.msk vm2, v1  }
0xb5: {  	[tilespmem:v8+s1+$0x0] =	vst.idx.add.f32.msk vm5, v1  }
0xb6: {  	[tilespmem:v9+s1+$0x0] =	vst.idx.add.f32.msk vm4, v1  }
0xb7: {  	[tilespmem:v6+s1+$0x0] =	vst.idx.add.f32.msk vm6, v1  }
0xb8: {  	[tilespmem:v10+s1+$0x0] =	vst.idx.add.f32.msk vm7, v1  }
0xb9: {  	s18 =	rddreg [dreg:$0x7]  }
0xba: {  	[hbm4b:s18+s1] =	stream.linear.scatter [tilespmem:s1], [sflag:$0x1], $0x400, $0x38;
	[tilespmem:$0x18000] =	vst v63  }
0xbb: {  	s19 =	simm.s32 $0x400;
	s20 =	rddreg [dreg:$0x8]  }
0xbc: {  	[hbm4b:s20+s1] =	stream.linear.scatter [tilespmem:s19], [sflag:$0x1], $0x400, $0x38;
	[tilespmem:$0x18000] =	vst v63  }
0xbd: {  	s19 =	rddreg [dreg:$0x9];
	s20 =	simm.s32 $0x800  }
0xbe: {  	[hbm4b:s19+s1] =	stream.linear.scatter [tilespmem:s20], [sflag:$0x1], $0x400, $0x38;
	[tilespmem:$0x18000] =	vst v63  }
0xbf: {  	s19 =	rddreg [dreg:$0xa];
	s20 =	simm.s32 $0xC00  }
0xc0: {  	[hbm4b:s19+s1] =	stream.linear.scatter [tilespmem:s20], [sflag:$0x1], $0x400, $0x38;
	[tilespmem:$0x18000] =	vst v63  }
0xc1: {  	s19 =	rddreg [dreg:$0xb];
	s20 =	simm.s32 $0x1000  }
0xc2: {  	[hbm4b:s19+s1] =	stream.linear.scatter [tilespmem:s20], [sflag:$0x1], $0x400, $0x38;
	[tilespmem:$0x18000] =	vst v63  }
0xc3: {  	s19 =	rddreg [dreg:$0xc];
	s20 =	simm.s32 $0x1400  }
0xc4: {  	[hbm4b:s19+s1] =	stream.linear.scatter [tilespmem:s20], [sflag:$0x1], $0x400, $0x38;
	[tilespmem:$0x18000] =	vst v63  }
0xc5: {  	s19 =	rddreg [dreg:$0xd];
	s20 =	simm.s32 $0x1800  }
0xc6: {  	[hbm4b:s19+s1] =	stream.linear.scatter [tilespmem:s20], [sflag:$0x1], $0x400, $0x38;
	[tilespmem:$0x18000] =	vst v63  }
0xc7: {  	s19 =	rddreg [dreg:$0xe];
	s20 =	simm.s32 $0x1C00  }
0xc8: {  	[hbm4b:s19+s1] =	stream.linear.scatter [tilespmem:s20], [sflag:$0x1], $0x400, $0x38;
	[tilespmem:$0x18000] =	vst v63  }
0xc9: {  	s19 =	rddreg [dreg:$0xf];
	s20 =	simm.s32 $0x2000  }
0xca: {  	[hbm4b:s19+s1] =	stream.linear.scatter [tilespmem:s20], [sflag:$0x1], $0x400, $0x38;
	[tilespmem:$0x18000] =	vst v63  }
0xcb: {  	s19 =	rddreg [dreg:$0x10];
	s20 =	simm.s32 $0x2400  }
0xcc: {  	[hbm4b:s19+s1] =	stream.linear.scatter [tilespmem:s20], [sflag:$0x1], $0x400, $0x38;
	[tilespmem:$0x18000] =	vst v63  }
0xcd: {  	s19 =	rddreg [dreg:$0x11];
	s20 =	simm.s32 $0x2800  }
0xce: {  	[hbm4b:s19+s1] =	stream.linear.scatter [tilespmem:s20], [sflag:$0x1], $0x400, $0x38;
	[tilespmem:$0x18000] =	vst v63  }
0xcf: {  	s19 =	rddreg [dreg:$0x12];
	s20 =	simm.s32 $0x2C00  }
0xd0: {  	[hbm4b:s19+s1] =	stream.linear.scatter [tilespmem:s20], [sflag:$0x1], $0x400, $0x38;
	[tilespmem:$0x18000] =	vst v63  }
0xd1: {  	s19 =	rddreg [dreg:$0x13];
	s20 =	simm.s32 $0x3000  }
0xd2: {  	[hbm4b:s19+s1] =	stream.linear.scatter [tilespmem:s20], [sflag:$0x1], $0x400, $0x38;
	[tilespmem:$0x18000] =	vst v63  }
0xd3: {  	s19 =	rddreg [dreg:$0x14];
	s20 =	simm.s32 $0x3400  }
0xd4: {  	[hbm4b:s19+s1] =	stream.linear.scatter [tilespmem:s20], [sflag:$0x1], $0x400, $0x38;
	[tilespmem:$0x18000] =	vst v63  }
0xd5: {  	s19 =	rddreg [dreg:$0x15];
	s20 =	simm.s32 $0x3800  }
0xd6: {  	[hbm4b:s19+s1] =	stream.linear.scatter [tilespmem:s20], [sflag:$0x1], $0x400, $0x38;
	[tilespmem:$0x18000] =	vst v63  }
0xd7: {  	s19 =	rddreg [dreg:$0x16];
	s20 =	simm.s32 $0x3C00  }
0xd8: {  	[hbm4b:s19+s1] =	stream.linear.scatter [tilespmem:s20], [sflag:$0x1], $0x400, $0x38;
	[tilespmem:$0x18000] =	vst v63  }
0xd9: {  	s19 =	rddreg [dreg:$0x17];
	s20 =	simm.s32 $0x4000  }
0xda: {  	[hbm4b:s19+s1] =	stream.linear.scatter [tilespmem:s20], [sflag:$0x1], $0x400, $0x38;
	[tilespmem:$0x18000] =	vst v63  }
0xdb: {  	s19 =	rddreg [dreg:$0x18];
	s20 =	simm.s32 $0x4400  }
0xdc: {  	[hbm4b:s19+s1] =	stream.linear.scatter [tilespmem:s20], [sflag:$0x1], $0x400, $0x38;
	[tilespmem:$0x18000] =	vst v63  }
0xdd: {  	s19 =	rddreg [dreg:$0x19];
	s20 =	simm.s32 $0x4800  }
0xde: {  	[hbm4b:s19+s1] =	stream.linear.scatter [tilespmem:s20], [sflag:$0x1], $0x400, $0x38;
	[tilespmem:$0x18000] =	vst v63  }
0xdf: {  	s19 =	rddreg [dreg:$0x1a];
	s20 =	simm.s32 $0x4C00  }
0xe0: {  	[hbm4b:s19+s1] =	stream.linear.scatter [tilespmem:s20], [sflag:$0x1], $0x400, $0x38;
	[tilespmem:$0x18000] =	vst v63  }
0xe1: {  	s19 =	rddreg [dreg:$0x1b];
	s20 =	simm.s32 $0x5000  }
0xe2: {  	[hbm4b:s19+s1] =	stream.linear.scatter [tilespmem:s20], [sflag:$0x1], $0x400, $0x38;
	[tilespmem:$0x18000] =	vst v63  }
0xe3: {  	s19 =	rddreg [dreg:$0x1c];
	s20 =	simm.s32 $0x5400  }
0xe4: {  	[hbm4b:s19+s1] =	stream.linear.scatter [tilespmem:s20], [sflag:$0x1], $0x400, $0x38;
	[tilespmem:$0x18000] =	vst v63  }
0xe5: {  	s19 =	rddreg [dreg:$0x1d];
	s20 =	simm.s32 $0x5800  }
0xe6: {  	[hbm4b:s19+s1] =	stream.linear.scatter [tilespmem:s20], [sflag:$0x1], $0x400, $0x38;
	[tilespmem:$0x18000] =	vst v63  }
0xe7: {  	s19 =	rddreg [dreg:$0x1e];
	s20 =	simm.s32 $0x5C00  }
0xe8: {  	[hbm4b:s19+s1] =	stream.linear.scatter [tilespmem:s20], [sflag:$0x1], $0x400, $0x38;
	[tilespmem:$0x18000] =	vst v63  }
0xe9: {  	s19 =	rddreg [dreg:$0x1f];
	s20 =	simm.s32 $0x6000  }
0xea: {  	[hbm4b:s19+s1] =	stream.linear.scatter [tilespmem:s20], [sflag:$0x1], $0x400, $0x38;
	[tilespmem:$0x18000] =	vst v63  }
0xeb: {  	s19 =	sld [smem:$0x7EC];
	_ =	sdelay $0x1  }
0xec: {  	s20 =	simm.s32 $0x6400  }
0xed: {  	[hbm4b:s19+s1] =	stream.linear.scatter [tilespmem:s20], [sflag:$0x1], $0x400, $0x38;
	[tilespmem:$0x18000] =	vst v63  }
0xee: {  	s19 =	sld [smem:$0x7ED];
	_ =	sdelay $0x1  }
0xef: {  	s20 =	simm.s32 $0x6800  }
0xf0: {  	[hbm4b:s19+s1] =	stream.linear.scatter [tilespmem:s20], [sflag:$0x1], $0x400, $0x38;
	[tilespmem:$0x18000] =	vst v63  }
0xf1: {  	s19 =	sld [smem:$0x7EE];
	_ =	sdelay $0x1  }
0xf2: {  	s20 =	simm.s32 $0x6C00  }
0xf3: {  	[hbm4b:s19+s1] =	stream.linear.scatter [tilespmem:s20], [sflag:$0x1], $0x400, $0x38;
	[tilespmem:$0x18000] =	vst v63  }
0xf4: {  	s19 =	sld [smem:$0x7EF];
	_ =	sdelay $0x1  }
0xf5: {  	s20 =	simm.s32 $0x7000  }
0xf6: {  	[hbm4b:s19+s1] =	stream.linear.scatter [tilespmem:s20], [sflag:$0x1], $0x400, $0x38;
	[tilespmem:$0x18000] =	vst v63  }
0xf7: {  	s19 =	sld [smem:$0x7F0];
	_ =	sdelay $0x1  }
0xf8: {  	s20 =	simm.s32 $0x7400  }
0xf9: {  	[hbm4b:s19+s1] =	stream.linear.scatter [tilespmem:s20], [sflag:$0x1], $0x400, $0x38;
	[tilespmem:$0x18000] =	vst v63  }
0xfa: {  	s19 =	sld [smem:$0x7F1];
	_ =	sdelay $0x1  }
0xfb: {  	s20 =	simm.s32 $0x7800  }
0xfc: {  	[hbm4b:s19+s1] =	stream.linear.scatter [tilespmem:s20], [sflag:$0x1], $0x400, $0x38;
	[tilespmem:$0x18000] =	vst v63  }
0xfd: {  	s19 =	sld [smem:$0x7F2];
	_ =	sdelay $0x1  }
0xfe: {  	s20 =	simm.s32 $0x7C00  }
0xff: {  	[hbm4b:s19+s1] =	stream.linear.scatter [tilespmem:s20], [sflag:$0x1], $0x400, $0x38;
	[tilespmem:$0x18000] =	vst v63  }
0x100: {  	s19 =	sld [smem:$0x7F3];
	_ =	sdelay $0x1  }
0x101: {  	s20 =	simm.s32 $0x8000  }
0x102: {  	[hbm4b:s19+s1] =	stream.linear.scatter [tilespmem:s20], [sflag:$0x1], $0x400, $0x38;
	[tilespmem:$0x18000] =	vst v63  }
0x103: {  	s19 =	sld [smem:$0x7F4];
	_ =	sdelay $0x1  }
0x104: {  	s20 =	simm.s32 $0x8400  }
0x105: {  	[hbm4b:s19+s1] =	stream.linear.scatter [tilespmem:s20], [sflag:$0x1], $0x400, $0x38;
	[tilespmem:$0x18000] =	vst v63  }
0x106: {  	s19 =	sld [smem:$0x7F5];
	_ =	sdelay $0x1  }
0x107: {  	s20 =	simm.s32 $0x8800  }
0x108: {  	[hbm4b:s19+s1] =	stream.linear.scatter [tilespmem:s20], [sflag:$0x1], $0x400, $0x38;
	[tilespmem:$0x18000] =	vst v63  }
0x109: {  	s19 =	sld [smem:$0x7F6];
	_ =	sdelay $0x1  }
0x10a: {  	s20 =	simm.s32 $0x8C00  }
0x10b: {  	[hbm4b:s19+s1] =	stream.linear.scatter [tilespmem:s20], [sflag:$0x1], $0x400, $0x38;
	[tilespmem:$0x18000] =	vst v63  }
0x10c: {  	s19 =	sld [smem:$0x7F7];
	_ =	sdelay $0x1  }
0x10d: {  	s20 =	simm.s32 $0x9000  }
0x10e: {  	[hbm4b:s19+s1] =	stream.linear.scatter [tilespmem:s20], [sflag:$0x1], $0x400, $0x38;
	[tilespmem:$0x18000] =	vst v63  }
0x10f: {  	s19 =	sld [smem:$0x7F8];
	_ =	sdelay $0x1  }
0x110: {  	s20 =	simm.s32 $0x9400  }
0x111: {  	[hbm4b:s19+s1] =	stream.linear.scatter [tilespmem:s20], [sflag:$0x1], $0x400, $0x38;
	[tilespmem:$0x18000] =	vst v63  }
0x112: {  	s19 =	sld [smem:$0x7F9];
	_ =	sdelay $0x1  }
0x113: {  	s20 =	simm.s32 $0x9800  }
0x114: {  	[hbm4b:s19+s1] =	stream.linear.scatter [tilespmem:s20], [sflag:$0x1], $0x400, $0x38;
	[tilespmem:$0x18000] =	vst v63  }
0x115: {  	s19 =	sld [smem:$0x7FA];
	_ =	sdelay $0x1  }
0x116: {  	s20 =	simm.s32 $0x9C00  }
0x117: {  	[hbm4b:s19+s1] =	stream.linear.scatter [tilespmem:s20], [sflag:$0x1], $0x400, $0x38;
	[tilespmem:$0x18000] =	vst v63  }
0x118: {  	s19 =	sld [smem:$0x7FB];
	_ =	sdelay $0x1  }
0x119: {  	s20 =	simm.s32 $0xA000  }
0x11a: {  	[hbm4b:s19+s1] =	stream.linear.scatter [tilespmem:s20], [sflag:$0x1], $0x400, $0x38;
	[tilespmem:$0x18000] =	vst v63  }
0x11b: {  	s19 =	sld [smem:$0x7FC];
	_ =	sdelay $0x1  }
0x11c: {  	s20 =	simm.s32 $0xA400  }
0x11d: {  	[hbm4b:s19+s1] =	stream.linear.scatter [tilespmem:s20], [sflag:$0x1], $0x400, $0x38;
	[tilespmem:$0x18000] =	vst v63  }
0x11e: {  	s19 =	sld [smem:$0x7FD];
	_ =	sdelay $0x1  }
0x11f: {  	s20 =	simm.s32 $0xA800  }
0x120: {  	[hbm4b:s19+s1] =	stream.linear.scatter [tilespmem:s20], [sflag:$0x1], $0x400, $0x38;
	[tilespmem:$0x18000] =	vst v63  }
0x121: {  	s20 =	simm.s32 $0xAC00  }
0x122: {  	[hbm4b:s21+s1] =	stream.linear.scatter [tilespmem:s20], [sflag:$0x1], $0x400, $0x38;
	[tilespmem:$0x18000] =	vst v63  }
0x123: {  	s19 =	simm.s32 $0xB000  }
0x124: {  	[hbm4b:s22+s1] =	stream.linear.scatter [tilespmem:s19], [sflag:$0x1], $0x400, $0x38;
	[tilespmem:$0x18000] =	vst v63  }
0x125: {  	s20 =	simm.s32 $0xB400  }
0x126: {  	[hbm4b:s23+s1] =	stream.linear.scatter [tilespmem:s20], [sflag:$0x1], $0x400, $0x38;
	[tilespmem:$0x18000] =	vst v63  }
0x127: {  	s19 =	simm.s32 $0xB800  }
0x128: {  	[hbm4b:s24+s1] =	stream.linear.scatter [tilespmem:s19], [sflag:$0x1], $0x400, $0x38;
	[tilespmem:$0x18000] =	vst v63  }
0x129: {  	s20 =	simm.s32 $0xBC00  }
0x12a: {  	[hbm4b:s25+s1] =	stream.linear.scatter [tilespmem:s20], [sflag:$0x1], $0x400, $0x38;
	[tilespmem:$0x18000] =	vst v63  }
0x12b: {  	s19 =	simm.s32 $0xC000  }
0x12c: {  	[hbm4b:s26+s1] =	stream.linear.scatter [tilespmem:s19], [sflag:$0x1], $0x400, $0x38;
	[tilespmem:$0x18000] =	vst v63  }
0x12d: {  	s20 =	simm.s32 $0xC400  }
0x12e: {  	[hbm4b:s28+s1] =	stream.linear.scatter [tilespmem:s20], [sflag:$0x1], $0x400, $0x38;
	[tilespmem:$0x18000] =	vst v63  }
0x12f: {  	s19 =	simm.s32 $0xC800  }
0x130: {  	[hbm4b:s29+s1] =	stream.linear.scatter [tilespmem:s19], [sflag:$0x1], $0x400, $0x38;
	[tilespmem:$0x18000] =	vst v63  }
0x131: {  	s20 =	simm.s32 $0xCC00  }
0x132: {  	[hbm4b:s30+s1] =	stream.linear.scatter [tilespmem:s20], [sflag:$0x1], $0x400, $0x38;
	[tilespmem:$0x18000] =	vst v63  }
0x133: {  	s19 =	simm.s32 $0xD000  }
0x134: {  	[hbm4b:s31+s1] =	stream.linear.scatter [tilespmem:s19], [sflag:$0x1], $0x400, $0x38;
	[tilespmem:$0x18000] =	vst v63  }
0x135: {  	s20 =	simm.s32 $0xD400  }
0x136: {  	[hbm4b:s0+s1] =	stream.linear.scatter [tilespmem:s20], [sflag:$0x1], $0x400, $0x38;
	[tilespmem:$0x18000] =	vst v63  }
0x137: {  	s19 =	simm.s32 $0xD800  }
0x138: {  	[hbm4b:s2+s1] =	stream.linear.scatter [tilespmem:s19], [sflag:$0x1], $0x400, $0x38;
	[tilespmem:$0x18000] =	vst v63  }
0x139: {  	s20 =	simm.s32 $0xDC00  }
0x13a: {  	[hbm4b:s3+s1] =	stream.linear.scatter [tilespmem:s20], [sflag:$0x1], $0x400, $0x38;
	[tilespmem:$0x18000] =	vst v63  }
0x13b: {  	s19 =	simm.s32 $0xE000  }
0x13c: {  	[hbm4b:s4+s1] =	stream.linear.scatter [tilespmem:s19], [sflag:$0x1], $0x400, $0x38;
	[tilespmem:$0x18000] =	vst v63  }
0x13d: {  	s20 =	simm.s32 $0xE400  }
0x13e: {  	[hbm4b:s5+s1] =	stream.linear.scatter [tilespmem:s20], [sflag:$0x1], $0x400, $0x38;
	[tilespmem:$0x18000] =	vst v63  }
0x13f: {  	s19 =	simm.s32 $0xE800  }
0x140: {  	[hbm4b:s6+s1] =	stream.linear.scatter [tilespmem:s19], [sflag:$0x1], $0x400, $0x38;
	[tilespmem:$0x18000] =	vst v63  }
0x141: {  	s20 =	simm.s32 $0xEC00  }
0x142: {  	[hbm4b:s7+s1] =	stream.linear.scatter [tilespmem:s20], [sflag:$0x1], $0x400, $0x38;
	[tilespmem:$0x18000] =	vst v63  }
0x143: {  	s19 =	simm.s32 $0xF000  }
0x144: {  	[hbm4b:s8+s1] =	stream.linear.scatter [tilespmem:s19], [sflag:$0x1], $0x400, $0x38;
	[tilespmem:$0x18000] =	vst v63  }
0x145: {  	s20 =	simm.s32 $0xF400  }
0x146: {  	[hbm4b:s9+s1] =	stream.linear.scatter [tilespmem:s20], [sflag:$0x1], $0x400, $0x38;
	[tilespmem:$0x18000] =	vst v63  }
0x147: {  	s19 =	simm.s32 $0xF800  }
0x148: {  	[hbm4b:s10+s1] =	stream.linear.scatter [tilespmem:s19], [sflag:$0x1], $0x400, $0x38;
	[tilespmem:$0x18000] =	vst v63  }
0x149: {  	s20 =	simm.s32 $0xFC00  }
0x14a: {  	[hbm4b:s11+s1] =	stream.linear.scatter [tilespmem:s20], [sflag:$0x1], $0x400, $0x38;
	[tilespmem:$0x18000] =	vst v63  }
0x14b: {  	_ =	swait.ge [sflag:s16], $0x400  }
0x14c: {  	[sflag:s16] =	ssyncset.done $0x0  }
0x14d: {  	[sflag:s16] =	ssyncadd.s32 $0xFFFFFC00  }
0x14e: {  	_ =	swait.ge [sflag:s16], $0x400  }
0x14f: {  	[sflag:s16] =	ssyncset.done $0x0  }
0x150: {  	[sflag:s16] =	ssyncadd.s32 $0xFFFFFC00  }
0x151: {  	_ =	swait.ge [sflag:s16], $0x400  }
0x152: {  	[sflag:s16] =	ssyncset.done $0x0  }
0x153: {  	[sflag:s16] =	ssyncadd.s32 $0xFFFFFC00  }
0x154: {  	_ =	swait.ge [sflag:s16], $0x400  }
0x155: {  	[sflag:s16] =	ssyncset.done $0x0  }
0x156: {  	[sflag:s16] =	ssyncadd.s32 $0xFFFFFC00  }
0x157: {  	_ =	swait.ge [sflag:s16], $0x400  }
0x158: {  	[sflag:s16] =	ssyncset.done $0x0  }
0x159: {  	[sflag:s16] =	ssyncadd.s32 $0xFFFFFC00  }
0x15a: {  	_ =	swait.ge [sflag:s16], $0x400  }
0x15b: {  	[sflag:s16] =	ssyncset.done $0x0  }
0x15c: {  	[sflag:s16] =	ssyncadd.s32 $0xFFFFFC00  }
0x15d: {  	_ =	swait.ge [sflag:s16], $0x400  }
0x15e: {  	[sflag:s16] =	ssyncset.done $0x0  }
0x15f: {  	[sflag:s16] =	ssyncadd.s32 $0xFFFFFC00  }
0x160: {  	_ =	swait.ge [sflag:s16], $0x400  }
0x161: {  	[sflag:s16] =	ssyncset.done $0x0  }
0x162: {  	[sflag:s16] =	ssyncadd.s32 $0xFFFFFC00  }
0x163: {  	_ =	swait.ge [sflag:s16], $0x400  }
0x164: {  	[sflag:s16] =	ssyncset.done $0x0  }
0x165: {  	[sflag:s16] =	ssyncadd.s32 $0xFFFFFC00  }
0x166: {  	_ =	swait.ge [sflag:s16], $0x400  }
0x167: {  	[sflag:s16] =	ssyncset.done $0x0  }
0x168: {  	[sflag:s16] =	ssyncadd.s32 $0xFFFFFC00  }
0x169: {  	_ =	swait.ge [sflag:s16], $0x400  }
0x16a: {  	[sflag:s16] =	ssyncset.done $0x0  }
0x16b: {  	[sflag:s16] =	ssyncadd.s32 $0xFFFFFC00  }
0x16c: {  	_ =	swait.ge [sflag:s16], $0x400  }
0x16d: {  	[sflag:s16] =	ssyncset.done $0x0  }
0x16e: {  	[sflag:s16] =	ssyncadd.s32 $0xFFFFFC00  }
0x16f: {  	_ =	swait.ge [sflag:s16], $0x400  }
0x170: {  	[sflag:s16] =	ssyncset.done $0x0  }
0x171: {  	[sflag:s16] =	ssyncadd.s32 $0xFFFFFC00  }
0x172: {  	_ =	swait.ge [sflag:s16], $0x400  }
0x173: {  	[sflag:s16] =	ssyncset.done $0x0  }
0x174: {  	[sflag:s16] =	ssyncadd.s32 $0xFFFFFC00  }
0x175: {  	_ =	swait.ge [sflag:s16], $0x400  }
0x176: {  	[sflag:s16] =	ssyncset.done $0x0  }
0x177: {  	[sflag:s16] =	ssyncadd.s32 $0xFFFFFC00  }
0x178: {  	_ =	swait.ge [sflag:s16], $0x400  }
0x179: {  	[sflag:s16] =	ssyncset.done $0x0  }
0x17a: {  	[sflag:s16] =	ssyncadd.s32 $0xFFFFFC00  }
0x17b: {  	_ =	swait.ge [sflag:s16], $0x400  }
0x17c: {  	[sflag:s16] =	ssyncset.done $0x0  }
0x17d: {  	[sflag:s16] =	ssyncadd.s32 $0xFFFFFC00  }
0x17e: {  	_ =	swait.ge [sflag:s16], $0x400  }
0x17f: {  	[sflag:s16] =	ssyncset.done $0x0  }
0x180: {  	[sflag:s16] =	ssyncadd.s32 $0xFFFFFC00  }
0x181: {  	_ =	swait.ge [sflag:s16], $0x400  }
0x182: {  	[sflag:s16] =	ssyncset.done $0x0  }
0x183: {  	[sflag:s16] =	ssyncadd.s32 $0xFFFFFC00  }
0x184: {  	_ =	swait.ge [sflag:s16], $0x400  }
0x185: {  	[sflag:s16] =	ssyncset.done $0x0  }
0x186: {  	[sflag:s16] =	ssyncadd.s32 $0xFFFFFC00  }
0x187: {  	_ =	swait.ge [sflag:s16], $0x400  }
0x188: {  	[sflag:s16] =	ssyncset.done $0x0  }
0x189: {  	[sflag:s16] =	ssyncadd.s32 $0xFFFFFC00  }
0x18a: {  	_ =	swait.ge [sflag:s16], $0x400  }
0x18b: {  	[sflag:s16] =	ssyncset.done $0x0  }
0x18c: {  	[sflag:s16] =	ssyncadd.s32 $0xFFFFFC00  }
0x18d: {  	_ =	swait.ge [sflag:s16], $0x400  }
0x18e: {  	[sflag:s16] =	ssyncset.done $0x0  }
0x18f: {  	[sflag:s16] =	ssyncadd.s32 $0xFFFFFC00  }
0x190: {  	_ =	swait.ge [sflag:s16], $0x400  }
0x191: {  	[sflag:s16] =	ssyncset.done $0x0  }
0x192: {  	[sflag:s16] =	ssyncadd.s32 $0xFFFFFC00  }
0x193: {  	_ =	swait.ge [sflag:s16], $0x400  }
0x194: {  	[sflag:s16] =	ssyncset.done $0x0  }
0x195: {  	[sflag:s16] =	ssyncadd.s32 $0xFFFFFC00  }
0x196: {  	_ =	swait.ge [sflag:s16], $0x400  }
0x197: {  	[sflag:s16] =	ssyncset.done $0x0  }
0x198: {  	[sflag:s16] =	ssyncadd.s32 $0xFFFFFC00  }
0x199: {  	_ =	swait.ge [sflag:s16], $0x400  }
0x19a: {  	[sflag:s16] =	ssyncset.done $0x0  }
0x19b: {  	[sflag:s16] =	ssyncadd.s32 $0xFFFFFC00  }
0x19c: {  	_ =	swait.ge [sflag:s16], $0x400  }
0x19d: {  	[sflag:s16] =	ssyncset.done $0x0  }
0x19e: {  	[sflag:s16] =	ssyncadd.s32 $0xFFFFFC00  }
0x19f: {  	_ =	swait.ge [sflag:s16], $0x400  }
0x1a0: {  	[sflag:s16] =	ssyncset.done $0x0  }
0x1a1: {  	[sflag:s16] =	ssyncadd.s32 $0xFFFFFC00  }
0x1a2: {  	_ =	swait.ge [sflag:s16], $0x400  }
0x1a3: {  	[sflag:s16] =	ssyncset.done $0x0  }
0x1a4: {  	[sflag:s16] =	ssyncadd.s32 $0xFFFFFC00  }
0x1a5: {  	_ =	swait.ge [sflag:s16], $0x400  }
0x1a6: {  	[sflag:s16] =	ssyncset.done $0x0  }
0x1a7: {  	[sflag:s16] =	ssyncadd.s32 $0xFFFFFC00  }
0x1a8: {  	_ =	swait.ge [sflag:s16], $0x400  }
0x1a9: {  	[sflag:s16] =	ssyncset.done $0x0  }
0x1aa: {  	[sflag:s16] =	ssyncadd.s32 $0xFFFFFC00  }
0x1ab: {  	_ =	swait.ge [sflag:s16], $0x400  }
0x1ac: {  	[sflag:s16] =	ssyncset.done $0x0  }
0x1ad: {  	[sflag:s16] =	ssyncadd.s32 $0xFFFFFC00  }
0x1ae: {  	_ =	swait.ge [sflag:s16], $0x400  }
0x1af: {  	[sflag:s16] =	ssyncset.done $0x0  }
0x1b0: {  	[sflag:s16] =	ssyncadd.s32 $0xFFFFFC00  }
0x1b1: {  	_ =	swait.ge [sflag:s16], $0x400  }
0x1b2: {  	[sflag:s16] =	ssyncset.done $0x0  }
0x1b3: {  	[sflag:s16] =	ssyncadd.s32 $0xFFFFFC00  }
0x1b4: {  	_ =	swait.ge [sflag:s16], $0x400  }
0x1b5: {  	[sflag:s16] =	ssyncset.done $0x0  }
0x1b6: {  	[sflag:s16] =	ssyncadd.s32 $0xFFFFFC00  }
0x1b7: {  	_ =	swait.ge [sflag:s16], $0x400  }
0x1b8: {  	[sflag:s16] =	ssyncset.done $0x0  }
0x1b9: {  	[sflag:s16] =	ssyncadd.s32 $0xFFFFFC00  }
0x1ba: {  	_ =	swait.ge [sflag:s16], $0x400  }
0x1bb: {  	[sflag:s16] =	ssyncset.done $0x0  }
0x1bc: {  	[sflag:s16] =	ssyncadd.s32 $0xFFFFFC00  }
0x1bd: {  	_ =	swait.ge [sflag:s16], $0x400  }
0x1be: {  	[sflag:s16] =	ssyncset.done $0x0  }
0x1bf: {  	[sflag:s16] =	ssyncadd.s32 $0xFFFFFC00  }
0x1c0: {  	_ =	swait.ge [sflag:s16], $0x400  }
0x1c1: {  	[sflag:s16] =	ssyncset.done $0x0  }
0x1c2: {  	[sflag:s16] =	ssyncadd.s32 $0xFFFFFC00  }
0x1c3: {  	_ =	swait.ge [sflag:s16], $0x400  }
0x1c4: {  	[sflag:s16] =	ssyncset.done $0x0  }
0x1c5: {  	[sflag:s16] =	ssyncadd.s32 $0xFFFFFC00  }
0x1c6: {  	_ =	swait.ge [sflag:s16], $0x400  }
0x1c7: {  	[sflag:s16] =	ssyncset.done $0x0  }
0x1c8: {  	[sflag:s16] =	ssyncadd.s32 $0xFFFFFC00  }
0x1c9: {  	_ =	swait.ge [sflag:s16], $0x400  }
0x1ca: {  	[sflag:s16] =	ssyncset.done $0x0  }
0x1cb: {  	[sflag:s16] =	ssyncadd.s32 $0xFFFFFC00  }
0x1cc: {  	_ =	swait.ge [sflag:s16], $0x400  }
0x1cd: {  	[sflag:s16] =	ssyncset.done $0x0  }
0x1ce: {  	[sflag:s16] =	ssyncadd.s32 $0xFFFFFC00  }
0x1cf: {  	_ =	swait.ge [sflag:s16], $0x400  }
0x1d0: {  	[sflag:s16] =	ssyncset.done $0x0  }
0x1d1: {  	[sflag:s16] =	ssyncadd.s32 $0xFFFFFC00  }
0x1d2: {  	_ =	swait.ge [sflag:s16], $0x400  }
0x1d3: {  	[sflag:s16] =	ssyncset.done $0x0  }
0x1d4: {  	[sflag:s16] =	ssyncadd.s32 $0xFFFFFC00  }
0x1d5: {  	_ =	swait.ge [sflag:s16], $0x400  }
0x1d6: {  	[sflag:s16] =	ssyncset.done $0x0  }
0x1d7: {  	[sflag:s16] =	ssyncadd.s32 $0xFFFFFC00  }
0x1d8: {  	_ =	swait.ge [sflag:s16], $0x400  }
0x1d9: {  	[sflag:s16] =	ssyncset.done $0x0  }
0x1da: {  	[sflag:s16] =	ssyncadd.s32 $0xFFFFFC00  }
0x1db: {  	_ =	swait.ge [sflag:s16], $0x400  }
0x1dc: {  	[sflag:s16] =	ssyncset.done $0x0  }
0x1dd: {  	[sflag:s16] =	ssyncadd.s32 $0xFFFFFC00  }
0x1de: {  	_ =	swait.ge [sflag:s16], $0x400  }
0x1df: {  	[sflag:s16] =	ssyncset.done $0x0  }
0x1e0: {  	[sflag:s16] =	ssyncadd.s32 $0xFFFFFC00  }
0x1e1: {  	_ =	swait.ge [sflag:s16], $0x400  }
0x1e2: {  	[sflag:s16] =	ssyncset.done $0x0  }
0x1e3: {  	[sflag:s16] =	ssyncadd.s32 $0xFFFFFC00  }
0x1e4: {  	_ =	swait.ge [sflag:s16], $0x400  }
0x1e5: {  	[sflag:s16] =	ssyncset.done $0x0  }
0x1e6: {  	[sflag:s16] =	ssyncadd.s32 $0xFFFFFC00  }
0x1e7: {  	_ =	swait.ge [sflag:s16], $0x400  }
0x1e8: {  	[sflag:s16] =	ssyncset.done $0x0  }
0x1e9: {  	[sflag:s16] =	ssyncadd.s32 $0xFFFFFC00  }
0x1ea: {  	_ =	swait.ge [sflag:s16], $0x400  }
0x1eb: {  	[sflag:s16] =	ssyncset.done $0x0  }
0x1ec: {  	[sflag:s16] =	ssyncadd.s32 $0xFFFFFC00  }
0x1ed: {  	_ =	swait.ge [sflag:s16], $0x400  }
0x1ee: {  	[sflag:s16] =	ssyncset.done $0x0  }
0x1ef: {  	[sflag:s16] =	ssyncadd.s32 $0xFFFFFC00  }
0x1f0: {  	_ =	swait.ge [sflag:s16], $0x400  }
0x1f1: {  	[sflag:s16] =	ssyncset.done $0x0  }
0x1f2: {  	[sflag:s16] =	ssyncadd.s32 $0xFFFFFC00  }
0x1f3: {  	_ =	swait.ge [sflag:s16], $0x400  }
0x1f4: {  	[sflag:s16] =	ssyncset.done $0x0  }
0x1f5: {  	[sflag:s16] =	ssyncadd.s32 $0xFFFFFC00  }
0x1f6: {  	_ =	swait.ge [sflag:s16], $0x400  }
0x1f7: {  	[sflag:s16] =	ssyncset.done $0x0  }
0x1f8: {  	[sflag:s16] =	ssyncadd.s32 $0xFFFFFC00  }
0x1f9: {  	_ =	swait.ge [sflag:s16], $0x400  }
0x1fa: {  	[sflag:s16] =	ssyncset.done $0x0  }
0x1fb: {  	[sflag:s16] =	ssyncadd.s32 $0xFFFFFC00  }
0x1fc: {  	_ =	swait.ge [sflag:s16], $0x400  }
0x1fd: {  	[sflag:s16] =	ssyncset.done $0x0  }
0x1fe: {  	[sflag:s16] =	ssyncadd.s32 $0xFFFFFC00  }
0x1ff: {  	_ =	swait.ge [sflag:s16], $0x400  }
0x200: {  	[sflag:s16] =	ssyncset.done $0x0  }
0x201: {  	[sflag:s16] =	ssyncadd.s32 $0xFFFFFC00  }
0x202: {  	_ =	swait.ge [sflag:s16], $0x400  }
0x203: {  	[sflag:s16] =	ssyncset.done $0x0  }
0x204: {  	s17 =	sadd.s32 $0x1, s17;
	[sflag:s16] =	ssyncadd.s32 $0xFFFFFC00  }
0x205: {  	p0 =	sne.s32 s17, s12;
	_ =	swait.ge [sflag:s16], $0x400  }
.Ltmp2:
0x206: {  	[sflag:s16] =	ssyncset.done $0x0;
	(pc) =	sbr.rel @p0 .LBB2_1-.Ltmp2, $4  }
0x207: {  	[sflag:s16] =	ssyncadd.s32 $0xFFFFFC00  }
0x208: {  	_ =	swait.ge [sflag:s16], $0x400  }
0x209: {  	[sflag:s16] =	ssyncset.done $0x0  }
0x20a: {  	[sflag:s16] =	ssyncadd.s32 $0xFFFFFC00  }
0x20b: {  	_ =	sfence.sel $0x180000  }
0x20c: {  	[bflag:$0x0] =	sbarrier.arrive $0xFFFF  }
0x20d: {  	_ =	strace $0x90000047  }
0x20e: {  	s0 =	stileid.u32;
	[bflag:$0x2] =	sbarrier.arrive $0xFFFF  }
0x20f: {  	p0 =	sne.s32 s0, $0x0;
	s0 =	rddreg [dreg:$0x1]  }
0x210: {  	s0 =	sadd.s32 @!p0 $0x100000, s0  }
0x211: {  	[sflag:s0] =	ssyncadd.tile.s32 @!p0 $0x1;
	_ =	shalt  }
.Lfunc_end2:
_tile_overlayer_lowered:
.L_overlay_start_2:
0x212: {  	(tag) =	ssettag $0x2  }
0x213: {  	s0 =	rddreg [dreg:$0x0];
	s2 =	stileid.u32  }
0x214: {  	s1 =	rddreg [dreg:$0x1];
	p0 =	sne.s32 s2, $0x0  }
0x215: {  	s3 =	rddreg [dreg:$0x2];
	[bflag:$0x3] =	sbarrier.arrive $0xFFFF;
	s2 =	simm.s32 @!p0 $0x1C02  }
0x216: {  	[timem:s3], [sflag:s2] =	dma.local @!p0 [hbm:s0], s1  }
0x217: {  	s0 =	simm.s32 @!p0 $0x2  }
0x218: {  	_ =	swait.ge @!p0 [sflag:s0], s1  }
0x219: {  	s1 =	ssub.s32 @!p0 $0x0, s1;
	[sflag:s0] =	ssyncset.done @!p0 $0x0  }
0x21a: {  	[sflag:s0] =	ssyncadd.s32 @!p0 s1  }
0x21b: {  	[bflag:$0x3] =	sbarrier.arrive $0xFFFF  }
0x21c: {  	_ =	shalt  }

</sc_bundles>
